<compile_context>
chip_gen: v7x
topology: tpu7x:2x2x1
jax: 0.10.2.dev20260603
libtpu: 0.0.44.dev20260713+nightly
codegen_flags: <defaults>
</compile_context>

<pallas_src>
import jax
import jax.numpy as jnp
from jax import lax
from jax.experimental import pallas as pl
from jax.experimental.pallas import tpu as pltpu
from jax.experimental.pallas import tpu_sc as plsc

NC = 2
NS = 16
NW = NC * NS

B, N, T, F = 4, 2048, 12, 64
A, K = 4, 32
ROW = T * F
NF = (1 + A) * F

ROWS_PER_W = (B * N) // NW
WPB = N // ROWS_PER_W
CHUNK = 8
NHALF = 2
HALF = CHUNK // NHALF
NCHUNK = ROWS_PER_W // CHUNK
NSLOT = 2


def _body(src_hbm, table_hbm, pidx_hbm, out_hbm, idx_all,
          pbuf2, gbufs2, rowbufs, semi0, semi1, semo):
    cid = lax.axis_index("c")
    sid = lax.axis_index("s")
    wid = sid * NC + cid
    b = wid // WPB
    n0b = (wid % WPB) * ROWS_PER_W

    for a in range(A):
        pltpu.sync_copy(pidx_hbm.at[pl.ds(a * N + n0b, ROWS_PER_W)],
                        idx_all.at[pl.ds(a * ROWS_PER_W, ROWS_PER_W)])

    semi = (semi0, semi1)

    def in_descs(j, p):
        descs = [pltpu.make_async_copy(
            src_hbm.at[pl.ds(b * N + n0b + j * CHUNK, CHUNK)],
            pbuf2.at[p], semi[p])]
        for a in range(A):
            descs.append(pltpu.make_async_copy(
                table_hbm.at[b].at[idx_all.at[pl.ds(a * ROWS_PER_W
                                                    + j * CHUNK, CHUNK)]],
                gbufs2.at[p, a], semi[p]))
        return descs

    def out_desc(j, h, slot):
        n0 = n0b + j * CHUNK + h * HALF
        return pltpu.make_async_copy(
            rowbufs.at[slot], out_hbm.at[b, pl.ds(n0, HALF)], semo)

    def assemble_half(p, h, slot):
        def one_row(i4, _):
            i = h * HALF + i4
            def one_t(t, _):
                base = pl.multiple_of(t * F, 16)
                for u in range(F // 16):
                    rowbufs[slot, i4, t, pl.ds(u * 16, 16)] = \
                        pbuf2[p, i, pl.ds(base + u * 16, 16)]
                for a in range(A):
                    for u in range(F // 16):
                        rowbufs[slot, i4, t,
                                pl.ds((1 + a) * F + u * 16, 16)] = \
                            gbufs2[p, a, i, pl.ds(base + u * 16, 16)]
                return 0
            return lax.fori_loop(0, T, one_t, 0)
        lax.fori_loop(0, HALF, one_row, 0)

    for d in in_descs(0, 0):
        d.start()

    def loop(jj, _):
        for p in (0, 1):
            j = 2 * jj + p
            jn = j + 1

            @pl.when(jn < NCHUNK)
            def _():
                for d in in_descs(jn, 1 - p):
                    d.start()

            for d in in_descs(j, p):
                d.wait()

            for h in range(NHALF):
                m = NHALF * j + h
                slot = lax.rem(m, NSLOT)

                @pl.when(m >= NSLOT)
                def _():
                    out_desc(j, h, slot).wait()
                assemble_half(p, h, slot)
                out_desc(j, h, slot).start()
        return 0

    lax.fori_loop(0, NCHUNK // 2, loop, 0)
    for _ in range(NSLOT):
        out_desc(NCHUNK - 1, NHALF - 1, 0).wait()


def kernel(output, subgraph_representation, node_labels):
    src2 = output.reshape(B * N, ROW)
    table = subgraph_representation.reshape(B, A * K, ROW)
    pidx = (node_labels.astype(jnp.int32)
            + jnp.arange(A, dtype=jnp.int32)[:, None] * K).reshape(A * N)
    mesh = plsc.VectorSubcoreMesh(
        core_axis_name="c", subcore_axis_name="s",
        num_cores=NC, num_subcores=NS,
    )
    return pl.kernel(
        _body,
        out_type=jax.ShapeDtypeStruct((B, N, T, NF), jnp.float32),
        mesh=mesh,
        scratch_types=[
            pltpu.VMEM((A * ROWS_PER_W,), jnp.int32),
            pltpu.VMEM((2, CHUNK, ROW), jnp.float32),
            pltpu.VMEM((2, A, CHUNK, ROW), jnp.float32),
            pltpu.VMEM((NSLOT, HALF, T, NF), jnp.float32),
            pltpu.SemaphoreType.DMA,
            pltpu.SemaphoreType.DMA,
            pltpu.SemaphoreType.DMA,
        ],
    )(src2, table, pidx)

# --- scband reference (transcript-rebuilt; emitter-appended) ---
"""Pipeline reference for scband-fusion-layer-42863773614337 (READ-ONLY COPY).

The authoritative reference and input builder live on the scoring server;
editing this copy changes nothing except your own understanding.
"""

import jax, jax.numpy as jnp
import numpy as np

B, N, T, F = 4, 2048, 12, 64
NUM_ANGLES, K = 4, 32

def setup_inputs(seed: int = 0) -> dict:
    key = jax.random.key(seed)
    k1, k2, k3 = jax.random.split(key, 3)
    output = jax.random.normal(k1, (B, N, T, F), dtype=jnp.float32)
    subgraph_representation = jax.random.normal(k2, (B, NUM_ANGLES, K, T, F), dtype=jnp.float32)
    node_labels = jax.random.randint(k3, (NUM_ANGLES, N), 0, K, dtype=jnp.int64)
    return {"output": output, "subgraph_representation": subgraph_representation, "node_labels": node_labels}

def reference(output, subgraph_representation, node_labels):
    # output: [B, N, T, F]; subgraph_representation: [B, A, K, T, F]; node_labels: [A, N]
    num_angles = node_labels.shape[0]
    angle_feats = []
    for angle in range(num_angles):
        idx = node_labels[angle]  # [N], values in [0, K)
        # torch.gather(subgraph_representation[:, angle], 1, idx expanded over B,T,F)
        # == index subgraph_representation[:, angle] along the K axis with idx per node
        angle_feat = jnp.take(subgraph_representation[:, angle], idx, axis=1)  # [B, N, T, F]
        angle_feats.append(angle_feat)
    subgraph_features = jnp.concatenate(angle_feats, axis=3)  # [B, N, T, A*F]
    fused_representation = jnp.concatenate([output, subgraph_features], axis=3)  # [B, N, T, (1+A)*F]
    return fused_representation

if __name__ == "__main__":
    import jax
    _d = setup_inputs()
    print(jax.jit(kernel)(*tuple(_d.values())))

</pallas_src>

<mosaic_0001>
#map = affine_map<(d0, d1) -> (0, 0)>
#map1 = affine_map<(d0, d1) -> (0, 0, 0)>
#map2 = affine_map<(d0, d1) -> (0)>
#map3 = affine_map<(d0, d1) -> (0, 0, 0, 0)>
module attributes {stable_mosaic.version = 14 : i64} {
  func.func @_body(%arg0: i32, %arg1: i32, %arg2: memref<8192x768xf32, #tpu.memory_space<hbm>>, %arg3: memref<4x128x768xf32, #tpu.memory_space<hbm>>, %arg4: memref<8192xi32, #tpu.memory_space<hbm>>, %arg5: memref<4x2048x12x320xf32, #tpu.memory_space<hbm>>, %arg6: memref<1024xi32, #tpu.memory_space<vmem>>, %arg7: memref<2x8x768xf32, #tpu.memory_space<vmem>>, %arg8: memref<2x4x8x768xf32, #tpu.memory_space<vmem>>, %arg9: memref<2x4x12x320xf32, #tpu.memory_space<vmem>>, %arg10: memref<!tpu.dma_semaphore, #tpu.memory_space<semaphore_mem>>, %arg11: memref<!tpu.dma_semaphore, #tpu.memory_space<semaphore_mem>>, %arg12: memref<!tpu.dma_semaphore, #tpu.memory_space<semaphore_mem>>) attributes {dimension_semantics = [#tpu.dimension_semantics<core_parallel>, #tpu.dimension_semantics<subcore_parallel>], iteration_bounds = array<i64: 2, 16>, scalar_prefetch = 0 : i64, scratch_operands = 7 : i64, tpu.core_type = #tpu.core_type<sc_vector_subcore>, window_params = [{transform_indices = #map}, {transform_indices = #map1}, {transform_indices = #map2}, {transform_indices = #map3}]} {
    %mul3A = arith.constant 2 : i32
    %mul3A_0 = arith.muli %arg1, %mul3A : i32
    %add3A = arith.addi %mul3A_0, %arg0 : i32
    %jit3A = arith.constant 8 : i32
    %div3A = arith.divsi %add3A, %jit3A : i32
    %sign3A = arith.constant 0 : i32
    %sign3A_1 = arith.cmpi sgt, %add3A, %sign3A : i32
    %sign3A_2 = arith.extui %sign3A_1 : i1 to i32
    %sign3A_3 = arith.constant 0 : i32
    %sign3A_4 = arith.cmpi slt, %add3A, %sign3A_3 : i32
    %sign3A_5 = arith.extui %sign3A_4 : i1 to i32
    %sign3A_6 = arith.subi %sign3A_2, %sign3A_5 : i32
    %sign3A_7 = arith.constant 0 : i32
    %sign3A_8 = arith.cmpi sgt, %jit3A, %sign3A_7 : i32
    %sign3A_9 = arith.extui %sign3A_8 : i1 to i32
    %sign3A_10 = arith.constant 0 : i32
    %sign3A_11 = arith.cmpi slt, %jit3A, %sign3A_10 : i32
    %sign3A_12 = arith.extui %sign3A_11 : i1 to i32
    %sign3A_13 = arith.subi %sign3A_9, %sign3A_12 : i32
    %ne3A = arith.cmpi ne, %sign3A_6, %sign3A_13 : i32
    %rem3A = arith.remsi %add3A, %jit3A : i32
    %ne3A_14 = arith.constant 0 : i32
    %ne3A_15 = arith.cmpi ne, %rem3A, %ne3A_14 : i32
    %and3A = arith.andi %ne3A, %ne3A_15 : i1
    %sub3A = arith.constant 1 : i32
    %sub3A_16 = arith.subi %div3A, %sub3A : i32
    %select_n3A = arith.select %and3A, %sub3A_16, %div3A : i32
    %jit3A_17 = arith.constant 8 : i32
    %eq3A = arith.constant 0 : i32
    %eq3A_18 = arith.cmpi eq, %jit3A_17, %eq3A : i32
    %jit3A_19 = arith.constant 1 : i32
    %select_n3A_20 = arith.select %eq3A_18, %jit3A_19, %jit3A_17 : i32
    %rem3A_21 = arith.remsi %add3A, %select_n3A_20 : i32
    %ne3A_22 = arith.constant 0 : i32
    %ne3A_23 = arith.cmpi ne, %rem3A_21, %ne3A_22 : i32
    %lt3A = arith.constant 0 : i32
    %lt3A_24 = arith.cmpi slt, %rem3A_21, %lt3A : i32
    %lt3A_25 = arith.constant 0 : i32
    %lt3A_26 = arith.cmpi slt, %select_n3A_20, %lt3A_25 : i32
    %ne3A_27 = arith.xori %lt3A_24, %lt3A_26 : i1
    %and3A_28 = arith.andi %ne3A_27, %ne3A_23 : i1
    %add3A_29 = arith.addi %rem3A_21, %select_n3A_20 : i32
    %select_n3A_30 = arith.select %and3A_28, %add3A_29, %rem3A_21 : i32
    %mul3A_31 = arith.constant 256 : i32
    %mul3A_32 = arith.muli %select_n3A_30, %mul3A_31 : i32
    %add3A_33 = arith.constant 0 : i32
    %add3A_34 = arith.addi %add3A_33, %mul3A_32 : i32
    "tpu.region"() ({
      %run_scoped3A = tpu.sem_alloc : memref<!tpu.dma_semaphore, #tpu.memory_space<semaphore_mem>>
      %dma_start3A_169 = arith.constant 0 : i32
      %dma_start3A_170 = tpu.memref_slice %arg6[%dma_start3A_169] : memref<1024xi32, #tpu.memory_space<vmem>> -> memref<256xi32, #tpu.memory_space<vmem>>
      %dma_start3A_171 = tpu.memref_slice %arg4[%add3A_34] : memref<8192xi32, #tpu.memory_space<hbm>> -> memref<256xi32, #tpu.memory_space<hbm>>
      %dma_start3A_172 = arith.constant 0 : i32
      %dma_start3A_173 = tpu.memref_slice %arg6[%dma_start3A_172] : memref<1024xi32, #tpu.memory_space<vmem>> -> memref<256xi32, #tpu.memory_space<vmem>>
      %dma_start3A_174 = tpu.memref_slice %arg4[%add3A_34] : memref<8192xi32, #tpu.memory_space<hbm>> -> memref<256xi32, #tpu.memory_space<hbm>>
      tpu.enqueue_dma source(%dma_start3A_174 : memref<256xi32, #tpu.memory_space<hbm>>) target(%dma_start3A_173 : memref<256xi32, #tpu.memory_space<vmem>>) target_semaphore(%run_scoped3A : memref<!tpu.dma_semaphore, #tpu.memory_space<semaphore_mem>>)
      %dma_wait3A_175 = arith.constant 0 : i32
      %dma_wait3A_176 = tpu.memref_slice %arg6[%dma_wait3A_175] : memref<1024xi32, #tpu.memory_space<vmem>> -> memref<256xi32, #tpu.memory_space<vmem>>
      %dma_wait3A_177 = tpu.memref_slice %arg4[%add3A_34] : memref<8192xi32, #tpu.memory_space<hbm>> -> memref<256xi32, #tpu.memory_space<hbm>>
      %dma_wait3A_178 = arith.constant 0 : i32
      %dma_wait3A_179 = tpu.memref_slice %arg6[%dma_wait3A_178] : memref<1024xi32, #tpu.memory_space<vmem>> -> memref<256xi32, #tpu.memory_space<vmem>>
      %dma_wait3A_180 = tpu.memref_slice %arg4[%add3A_34] : memref<8192xi32, #tpu.memory_space<hbm>> -> memref<256xi32, #tpu.memory_space<hbm>>
      tpu.wait_dma2 semaphore(%run_scoped3A : memref<!tpu.dma_semaphore, #tpu.memory_space<semaphore_mem>>) src(%dma_wait3A_180 : memref<256xi32, #tpu.memory_space<hbm>>) dst(%dma_wait3A_179 : memref<256xi32, #tpu.memory_space<vmem>>)
      tpu.yield
    }) : () -> ()
    %add3A_35 = arith.constant 2048 : i32
    %add3A_36 = arith.addi %add3A_35, %mul3A_32 : i32
    "tpu.region"() ({
      %run_scoped3A = tpu.sem_alloc : memref<!tpu.dma_semaphore, #tpu.memory_space<semaphore_mem>>
      %dma_start3A_169 = arith.constant 256 : i32
      %dma_start3A_170 = tpu.memref_slice %arg6[%dma_start3A_169] : memref<1024xi32, #tpu.memory_space<vmem>> -> memref<256xi32, #tpu.memory_space<vmem>>
      %dma_start3A_171 = tpu.memref_slice %arg4[%add3A_36] : memref<8192xi32, #tpu.memory_space<hbm>> -> memref<256xi32, #tpu.memory_space<hbm>>
      %dma_start3A_172 = arith.constant 256 : i32
      %dma_start3A_173 = tpu.memref_slice %arg6[%dma_start3A_172] : memref<1024xi32, #tpu.memory_space<vmem>> -> memref<256xi32, #tpu.memory_space<vmem>>
      %dma_start3A_174 = tpu.memref_slice %arg4[%add3A_36] : memref<8192xi32, #tpu.memory_space<hbm>> -> memref<256xi32, #tpu.memory_space<hbm>>
      tpu.enqueue_dma source(%dma_start3A_174 : memref<256xi32, #tpu.memory_space<hbm>>) target(%dma_start3A_173 : memref<256xi32, #tpu.memory_space<vmem>>) target_semaphore(%run_scoped3A : memref<!tpu.dma_semaphore, #tpu.memory_space<semaphore_mem>>)
      %dma_wait3A_175 = arith.constant 256 : i32
      %dma_wait3A_176 = tpu.memref_slice %arg6[%dma_wait3A_175] : memref<1024xi32, #tpu.memory_space<vmem>> -> memref<256xi32, #tpu.memory_space<vmem>>
      %dma_wait3A_177 = tpu.memref_slice %arg4[%add3A_36] : memref<8192xi32, #tpu.memory_space<hbm>> -> memref<256xi32, #tpu.memory_space<hbm>>
      %dma_wait3A_178 = arith.constant 256 : i32
      %dma_wait3A_179 = tpu.memref_slice %arg6[%dma_wait3A_178] : memref<1024xi32, #tpu.memory_space<vmem>> -> memref<256xi32, #tpu.memory_space<vmem>>
      %dma_wait3A_180 = tpu.memref_slice %arg4[%add3A_36] : memref<8192xi32, #tpu.memory_space<hbm>> -> memref<256xi32, #tpu.memory_space<hbm>>
      tpu.wait_dma2 semaphore(%run_scoped3A : memref<!tpu.dma_semaphore, #tpu.memory_space<semaphore_mem>>) src(%dma_wait3A_180 : memref<256xi32, #tpu.memory_space<hbm>>) dst(%dma_wait3A_179 : memref<256xi32, #tpu.memory_space<vmem>>)
      tpu.yield
    }) : () -> ()
    %add3A_37 = arith.constant 4096 : i32
    %add3A_38 = arith.addi %add3A_37, %mul3A_32 : i32
    "tpu.region"() ({
      %run_scoped3A = tpu.sem_alloc : memref<!tpu.dma_semaphore, #tpu.memory_space<semaphore_mem>>
      %dma_start3A_169 = arith.constant 512 : i32
      %dma_start3A_170 = tpu.memref_slice %arg6[%dma_start3A_169] : memref<1024xi32, #tpu.memory_space<vmem>> -> memref<256xi32, #tpu.memory_space<vmem>>
      %dma_start3A_171 = tpu.memref_slice %arg4[%add3A_38] : memref<8192xi32, #tpu.memory_space<hbm>> -> memref<256xi32, #tpu.memory_space<hbm>>
      %dma_start3A_172 = arith.constant 512 : i32
      %dma_start3A_173 = tpu.memref_slice %arg6[%dma_start3A_172] : memref<1024xi32, #tpu.memory_space<vmem>> -> memref<256xi32, #tpu.memory_space<vmem>>
      %dma_start3A_174 = tpu.memref_slice %arg4[%add3A_38] : memref<8192xi32, #tpu.memory_space<hbm>> -> memref<256xi32, #tpu.memory_space<hbm>>
      tpu.enqueue_dma source(%dma_start3A_174 : memref<256xi32, #tpu.memory_space<hbm>>) target(%dma_start3A_173 : memref<256xi32, #tpu.memory_space<vmem>>) target_semaphore(%run_scoped3A : memref<!tpu.dma_semaphore, #tpu.memory_space<semaphore_mem>>)
      %dma_wait3A_175 = arith.constant 512 : i32
      %dma_wait3A_176 = tpu.memref_slice %arg6[%dma_wait3A_175] : memref<1024xi32, #tpu.memory_space<vmem>> -> memref<256xi32, #tpu.memory_space<vmem>>
      %dma_wait3A_177 = tpu.memref_slice %arg4[%add3A_38] : memref<8192xi32, #tpu.memory_space<hbm>> -> memref<256xi32, #tpu.memory_space<hbm>>
      %dma_wait3A_178 = arith.constant 512 : i32
      %dma_wait3A_179 = tpu.memref_slice %arg6[%dma_wait3A_178] : memref<1024xi32, #tpu.memory_space<vmem>> -> memref<256xi32, #tpu.memory_space<vmem>>
      %dma_wait3A_180 = tpu.memref_slice %arg4[%add3A_38] : memref<8192xi32, #tpu.memory_space<hbm>> -> memref<256xi32, #tpu.memory_space<hbm>>
      tpu.wait_dma2 semaphore(%run_scoped3A : memref<!tpu.dma_semaphore, #tpu.memory_space<semaphore_mem>>) src(%dma_wait3A_180 : memref<256xi32, #tpu.memory_space<hbm>>) dst(%dma_wait3A_179 : memref<256xi32, #tpu.memory_space<vmem>>)
      tpu.yield
    }) : () -> ()
    %add3A_39 = arith.constant 6144 : i32
    %add3A_40 = arith.addi %add3A_39, %mul3A_32 : i32
    "tpu.region"() ({
      %run_scoped3A = tpu.sem_alloc : memref<!tpu.dma_semaphore, #tpu.memory_space<semaphore_mem>>
      %dma_start3A_169 = arith.constant 768 : i32
      %dma_start3A_170 = tpu.memref_slice %arg6[%dma_start3A_169] : memref<1024xi32, #tpu.memory_space<vmem>> -> memref<256xi32, #tpu.memory_space<vmem>>
      %dma_start3A_171 = tpu.memref_slice %arg4[%add3A_40] : memref<8192xi32, #tpu.memory_space<hbm>> -> memref<256xi32, #tpu.memory_space<hbm>>
      %dma_start3A_172 = arith.constant 768 : i32
      %dma_start3A_173 = tpu.memref_slice %arg6[%dma_start3A_172] : memref<1024xi32, #tpu.memory_space<vmem>> -> memref<256xi32, #tpu.memory_space<vmem>>
      %dma_start3A_174 = tpu.memref_slice %arg4[%add3A_40] : memref<8192xi32, #tpu.memory_space<hbm>> -> memref<256xi32, #tpu.memory_space<hbm>>
      tpu.enqueue_dma source(%dma_start3A_174 : memref<256xi32, #tpu.memory_space<hbm>>) target(%dma_start3A_173 : memref<256xi32, #tpu.memory_space<vmem>>) target_semaphore(%run_scoped3A : memref<!tpu.dma_semaphore, #tpu.memory_space<semaphore_mem>>)
      %dma_wait3A_175 = arith.constant 768 : i32
      %dma_wait3A_176 = tpu.memref_slice %arg6[%dma_wait3A_175] : memref<1024xi32, #tpu.memory_space<vmem>> -> memref<256xi32, #tpu.memory_space<vmem>>
      %dma_wait3A_177 = tpu.memref_slice %arg4[%add3A_40] : memref<8192xi32, #tpu.memory_space<hbm>> -> memref<256xi32, #tpu.memory_space<hbm>>
      %dma_wait3A_178 = arith.constant 768 : i32
      %dma_wait3A_179 = tpu.memref_slice %arg6[%dma_wait3A_178] : memref<1024xi32, #tpu.memory_space<vmem>> -> memref<256xi32, #tpu.memory_space<vmem>>
      %dma_wait3A_180 = tpu.memref_slice %arg4[%add3A_40] : memref<8192xi32, #tpu.memory_space<hbm>> -> memref<256xi32, #tpu.memory_space<hbm>>
      tpu.wait_dma2 semaphore(%run_scoped3A : memref<!tpu.dma_semaphore, #tpu.memory_space<semaphore_mem>>) src(%dma_wait3A_180 : memref<256xi32, #tpu.memory_space<hbm>>) dst(%dma_wait3A_179 : memref<256xi32, #tpu.memory_space<vmem>>)
      tpu.yield
    }) : () -> ()
    %mul3A_41 = arith.constant 2048 : i32
    %mul3A_42 = arith.muli %select_n3A, %mul3A_41 : i32
    %add3A_43 = arith.addi %mul3A_42, %mul3A_32 : i32
    %add3A_44 = arith.constant 0 : i32
    %add3A_45 = arith.addi %add3A_43, %add3A_44 : i32
    %dma_start3A = arith.constant 0 : i32
    %dma_start3A_46 = arith.constant 0 : i32
    %dma_start3A_47 = arith.constant 0 : i32
    %dma_start3A_48 = tpu.memref_slice %arg7[%dma_start3A, %dma_start3A_46, %dma_start3A_47] : memref<2x8x768xf32, #tpu.memory_space<vmem>> -> memref<1x8x768xf32, #tpu.memory_space<vmem>>
    %dma_start3A_49 = tpu.memref_squeeze %dma_start3A_48 : memref<1x8x768xf32, #tpu.memory_space<vmem>> -> memref<8x768xf32, #tpu.memory_space<vmem>>
    %dma_start3A_50 = arith.constant 0 : i32
    %dma_start3A_51 = tpu.memref_slice %arg2[%add3A_45, %dma_start3A_50] : memref<8192x768xf32, #tpu.memory_space<hbm>> -> memref<8x768xf32, #tpu.memory_space<hbm>>
    %dma_start3A_52 = arith.constant 0 : i32
    %dma_start3A_53 = arith.constant 0 : i32
    %dma_start3A_54 = tpu.memref_slice %arg7[%dma_start3A, %dma_start3A_52, %dma_start3A_53] : memref<2x8x768xf32, #tpu.memory_space<vmem>> -> memref<1x8x768xf32, #tpu.memory_space<vmem>>
    %dma_start3A_55 = tpu.memref_squeeze %dma_start3A_54 : memref<1x8x768xf32, #tpu.memory_space<vmem>> -> memref<8x768xf32, #tpu.memory_space<vmem>>
    %dma_start3A_56 = arith.constant 0 : i32
    %dma_start3A_57 = tpu.memref_slice %arg2[%add3A_45, %dma_start3A_56] : memref<8192x768xf32, #tpu.memory_space<hbm>> -> memref<8x768xf32, #tpu.memory_space<hbm>>
    tpu.enqueue_dma source(%dma_start3A_57 : memref<8x768xf32, #tpu.memory_space<hbm>>) target(%dma_start3A_55 : memref<8x768xf32, #tpu.memory_space<vmem>>) target_semaphore(%arg10 : memref<!tpu.dma_semaphore, #tpu.memory_space<semaphore_mem>>)
    %dma_start3A_58 = arith.constant 0 : i32
    %dma_start3A_59 = arith.constant 0 : i32
    %dma_start3A_60 = arith.constant 0 : i32
    %dma_start3A_61 = arith.constant 0 : i32
    %dma_start3A_62 = tpu.memref_slice %arg8[%dma_start3A_58, %dma_start3A_59, %dma_start3A_60, %dma_start3A_61] : memref<2x4x8x768xf32, #tpu.memory_space<vmem>> -> memref<1x1x8x768xf32, #tpu.memory_space<vmem>>
    %dma_start3A_63 = tpu.memref_squeeze %dma_start3A_62 : memref<1x1x8x768xf32, #tpu.memory_space<vmem>> -> memref<8x768xf32, #tpu.memory_space<vmem>>
    %dma_start3A_64 = arith.constant 0 : i32
    %dma_start3A_65 = tpu.memref_slice %arg6[%dma_start3A_64] : memref<1024xi32, #tpu.memory_space<vmem>> -> memref<8xi32, #tpu.memory_space<vmem>>
    %dma_start3A_66 = arith.constant 0 : i32
    %dma_start3A_67 = arith.constant 0 : i32
    %dma_start3A_68 = tpu.memref_slice %arg3[%select_n3A, %dma_start3A_66, %dma_start3A_67] : memref<4x128x768xf32, #tpu.memory_space<hbm>> -> memref<1x128x768xf32, #tpu.memory_space<hbm>>
    %dma_start3A_69 = tpu.memref_squeeze %dma_start3A_68 : memref<1x128x768xf32, #tpu.memory_space<hbm>> -> memref<128x768xf32, #tpu.memory_space<hbm>>
    %dma_start3A_70 = arith.constant 0 : i32
    %dma_start3A_71 = arith.constant 0 : i32
    %dma_start3A_72 = tpu.memref_slice %dma_start3A_69[%dma_start3A_70, %dma_start3A_71] : memref<128x768xf32, #tpu.memory_space<hbm>> -> memref<128x768xf32, #tpu.memory_space<hbm>>
    tpu.enqueue_indirect_dma source(%dma_start3A_72 : memref<128x768xf32, #tpu.memory_space<hbm>>) target(%dma_start3A_63 : memref<8x768xf32, #tpu.memory_space<vmem>>) offsets(%dma_start3A_65 : memref<8xi32, #tpu.memory_space<vmem>>) semaphore(%arg10 : memref<!tpu.dma_semaphore, #tpu.memory_space<semaphore_mem>>)
    %dma_start3A_73 = arith.constant 0 : i32
    %dma_start3A_74 = arith.constant 1 : i32
    %dma_start3A_75 = arith.constant 0 : i32
    %dma_start3A_76 = arith.constant 0 : i32
    %dma_start3A_77 = tpu.memref_slice %arg8[%dma_start3A_73, %dma_start3A_74, %dma_start3A_75, %dma_start3A_76] : memref<2x4x8x768xf32, #tpu.memory_space<vmem>> -> memref<1x1x8x768xf32, #tpu.memory_space<vmem>>
    %dma_start3A_78 = tpu.memref_squeeze %dma_start3A_77 : memref<1x1x8x768xf32, #tpu.memory_space<vmem>> -> memref<8x768xf32, #tpu.memory_space<vmem>>
    %dma_start3A_79 = arith.constant 256 : i32
    %dma_start3A_80 = tpu.memref_slice %arg6[%dma_start3A_79] : memref<1024xi32, #tpu.memory_space<vmem>> -> memref<8xi32, #tpu.memory_space<vmem>>
    %dma_start3A_81 = arith.constant 0 : i32
    %dma_start3A_82 = arith.constant 0 : i32
    %dma_start3A_83 = tpu.memref_slice %arg3[%select_n3A, %dma_start3A_81, %dma_start3A_82] : memref<4x128x768xf32, #tpu.memory_space<hbm>> -> memref<1x128x768xf32, #tpu.memory_space<hbm>>
    %dma_start3A_84 = tpu.memref_squeeze %dma_start3A_83 : memref<1x128x768xf32, #tpu.memory_space<hbm>> -> memref<128x768xf32, #tpu.memory_space<hbm>>
    %dma_start3A_85 = arith.constant 0 : i32
    %dma_start3A_86 = arith.constant 0 : i32
    %dma_start3A_87 = tpu.memref_slice %dma_start3A_84[%dma_start3A_85, %dma_start3A_86] : memref<128x768xf32, #tpu.memory_space<hbm>> -> memref<128x768xf32, #tpu.memory_space<hbm>>
    tpu.enqueue_indirect_dma source(%dma_start3A_87 : memref<128x768xf32, #tpu.memory_space<hbm>>) target(%dma_start3A_78 : memref<8x768xf32, #tpu.memory_space<vmem>>) offsets(%dma_start3A_80 : memref<8xi32, #tpu.memory_space<vmem>>) semaphore(%arg10 : memref<!tpu.dma_semaphore, #tpu.memory_space<semaphore_mem>>)
    %dma_start3A_88 = arith.constant 0 : i32
    %dma_start3A_89 = arith.constant 2 : i32
    %dma_start3A_90 = arith.constant 0 : i32
    %dma_start3A_91 = arith.constant 0 : i32
    %dma_start3A_92 = tpu.memref_slice %arg8[%dma_start3A_88, %dma_start3A_89, %dma_start3A_90, %dma_start3A_91] : memref<2x4x8x768xf32, #tpu.memory_space<vmem>> -> memref<1x1x8x768xf32, #tpu.memory_space<vmem>>
    %dma_start3A_93 = tpu.memref_squeeze %dma_start3A_92 : memref<1x1x8x768xf32, #tpu.memory_space<vmem>> -> memref<8x768xf32, #tpu.memory_space<vmem>>
    %dma_start3A_94 = arith.constant 512 : i32
    %dma_start3A_95 = tpu.memref_slice %arg6[%dma_start3A_94] : memref<1024xi32, #tpu.memory_space<vmem>> -> memref<8xi32, #tpu.memory_space<vmem>>
    %dma_start3A_96 = arith.constant 0 : i32
    %dma_start3A_97 = arith.constant 0 : i32
    %dma_start3A_98 = tpu.memref_slice %arg3[%select_n3A, %dma_start3A_96, %dma_start3A_97] : memref<4x128x768xf32, #tpu.memory_space<hbm>> -> memref<1x128x768xf32, #tpu.memory_space<hbm>>
    %dma_start3A_99 = tpu.memref_squeeze %dma_start3A_98 : memref<1x128x768xf32, #tpu.memory_space<hbm>> -> memref<128x768xf32, #tpu.memory_space<hbm>>
    %dma_start3A_100 = arith.constant 0 : i32
    %dma_start3A_101 = arith.constant 0 : i32
    %dma_start3A_102 = tpu.memref_slice %dma_start3A_99[%dma_start3A_100, %dma_start3A_101] : memref<128x768xf32, #tpu.memory_space<hbm>> -> memref<128x768xf32, #tpu.memory_space<hbm>>
    tpu.enqueue_indirect_dma source(%dma_start3A_102 : memref<128x768xf32, #tpu.memory_space<hbm>>) target(%dma_start3A_93 : memref<8x768xf32, #tpu.memory_space<vmem>>) offsets(%dma_start3A_95 : memref<8xi32, #tpu.memory_space<vmem>>) semaphore(%arg10 : memref<!tpu.dma_semaphore, #tpu.memory_space<semaphore_mem>>)
    %dma_start3A_103 = arith.constant 0 : i32
    %dma_start3A_104 = arith.constant 3 : i32
    %dma_start3A_105 = arith.constant 0 : i32
    %dma_start3A_106 = arith.constant 0 : i32
    %dma_start3A_107 = tpu.memref_slice %arg8[%dma_start3A_103, %dma_start3A_104, %dma_start3A_105, %dma_start3A_106] : memref<2x4x8x768xf32, #tpu.memory_space<vmem>> -> memref<1x1x8x768xf32, #tpu.memory_space<vmem>>
    %dma_start3A_108 = tpu.memref_squeeze %dma_start3A_107 : memref<1x1x8x768xf32, #tpu.memory_space<vmem>> -> memref<8x768xf32, #tpu.memory_space<vmem>>
    %dma_start3A_109 = arith.constant 768 : i32
    %dma_start3A_110 = tpu.memref_slice %arg6[%dma_start3A_109] : memref<1024xi32, #tpu.memory_space<vmem>> -> memref<8xi32, #tpu.memory_space<vmem>>
    %dma_start3A_111 = arith.constant 0 : i32
    %dma_start3A_112 = arith.constant 0 : i32
    %dma_start3A_113 = tpu.memref_slice %arg3[%select_n3A, %dma_start3A_111, %dma_start3A_112] : memref<4x128x768xf32, #tpu.memory_space<hbm>> -> memref<1x128x768xf32, #tpu.memory_space<hbm>>
    %dma_start3A_114 = tpu.memref_squeeze %dma_start3A_113 : memref<1x128x768xf32, #tpu.memory_space<hbm>> -> memref<128x768xf32, #tpu.memory_space<hbm>>
    %dma_start3A_115 = arith.constant 0 : i32
    %dma_start3A_116 = arith.constant 0 : i32
    %dma_start3A_117 = tpu.memref_slice %dma_start3A_114[%dma_start3A_115, %dma_start3A_116] : memref<128x768xf32, #tpu.memory_space<hbm>> -> memref<128x768xf32, #tpu.memory_space<hbm>>
    tpu.enqueue_indirect_dma source(%dma_start3A_117 : memref<128x768xf32, #tpu.memory_space<hbm>>) target(%dma_start3A_108 : memref<8x768xf32, #tpu.memory_space<vmem>>) offsets(%dma_start3A_110 : memref<8xi32, #tpu.memory_space<vmem>>) semaphore(%arg10 : memref<!tpu.dma_semaphore, #tpu.memory_space<semaphore_mem>>)
    %scan3A = arith.constant 0 : i32
    %scan3A_118 = arith.constant 0 : i32
    %scan3A_119 = arith.constant 16 : i32
    %scan3A_120 = arith.addi %scan3A_118, %scan3A_119 : i32
    %scan3A_121 = arith.constant 1 : i32
    %scan3A_122 = scf.for %scan3A_169 = %scan3A_118 to %scan3A_120 step %scan3A_121 iter_args(%scan3A_170 = %scan3A) -> (i32)  : i32 {
      %mul3A_171 = arith.constant 2 : i32
      %mul3A_172 = arith.muli %mul3A_171, %scan3A_169 : i32
      %add3A_173 = arith.constant 0 : i32
      %add3A_174 = arith.addi %mul3A_172, %add3A_173 : i32
      %add3A_175 = arith.constant 1 : i32
      %add3A_176 = arith.addi %add3A_174, %add3A_175 : i32
      %lt3A_177 = arith.constant 32 : i32
      %lt3A_178 = arith.cmpi slt, %add3A_176, %lt3A_177 : i32
      %convert_element_type3A = arith.extui %lt3A_178 : i1 to i32
      %cond3A = arith.constant 0 : i32
      %cond3A_179 = arith.cmpi ne, %convert_element_type3A, %cond3A : i32
      scf.if %cond3A_179 {
        %mul3A_537 = arith.constant 2048 : i32
        %mul3A_538 = arith.muli %select_n3A, %mul3A_537 : i32
        %add3A_539 = arith.addi %mul3A_538, %mul3A_32 : i32
        %mul3A_540 = arith.constant 8 : i32
        %mul3A_541 = arith.muli %add3A_176, %mul3A_540 : i32
        %add3A_542 = arith.addi %add3A_539, %mul3A_541 : i32
        %mul3A_543 = arith.constant 8 : i32
        %mul3A_544 = arith.muli %add3A_176, %mul3A_543 : i32
        %add3A_545 = arith.constant 0 : i32
        %add3A_546 = arith.addi %add3A_545, %mul3A_544 : i32
        %mul3A_547 = arith.constant 8 : i32
        %mul3A_548 = arith.muli %add3A_176, %mul3A_547 : i32
        %add3A_549 = arith.constant 256 : i32
        %add3A_550 = arith.addi %add3A_549, %mul3A_548 : i32
        %mul3A_551 = arith.constant 8 : i32
        %mul3A_552 = arith.muli %add3A_176, %mul3A_551 : i32
        %add3A_553 = arith.constant 512 : i32
        %add3A_554 = arith.addi %add3A_553, %mul3A_552 : i32
        %mul3A_555 = arith.constant 8 : i32
        %mul3A_556 = arith.muli %add3A_176, %mul3A_555 : i32
        %add3A_557 = arith.constant 768 : i32
        %add3A_558 = arith.addi %add3A_557, %mul3A_556 : i32
        %dma_start3A_559 = arith.constant 1 : i32
        %dma_start3A_560 = arith.constant 0 : i32
        %dma_start3A_561 = arith.constant 0 : i32
        %dma_start3A_562 = tpu.memref_slice %arg7[%dma_start3A_559, %dma_start3A_560, %dma_start3A_561] : memref<2x8x768xf32, #tpu.memory_space<vmem>> -> memref<1x8x768xf32, #tpu.memory_space<vmem>>
        %dma_start3A_563 = tpu.memref_squeeze %dma_start3A_562 : memref<1x8x768xf32, #tpu.memory_space<vmem>> -> memref<8x768xf32, #tpu.memory_space<vmem>>
        %dma_start3A_564 = arith.constant 0 : i32
        %dma_start3A_565 = tpu.memref_slice %arg2[%add3A_542, %dma_start3A_564] : memref<8192x768xf32, #tpu.memory_space<hbm>> -> memref<8x768xf32, #tpu.memory_space<hbm>>
        %dma_start3A_566 = arith.constant 0 : i32
        %dma_start3A_567 = arith.constant 0 : i32
        %dma_start3A_568 = tpu.memref_slice %arg7[%dma_start3A_559, %dma_start3A_566, %dma_start3A_567] : memref<2x8x768xf32, #tpu.memory_space<vmem>> -> memref<1x8x768xf32, #tpu.memory_space<vmem>>
        %dma_start3A_569 = tpu.memref_squeeze %dma_start3A_568 : memref<1x8x768xf32, #tpu.memory_space<vmem>> -> memref<8x768xf32, #tpu.memory_space<vmem>>
        %dma_start3A_570 = arith.constant 0 : i32
        %dma_start3A_571 = tpu.memref_slice %arg2[%add3A_542, %dma_start3A_570] : memref<8192x768xf32, #tpu.memory_space<hbm>> -> memref<8x768xf32, #tpu.memory_space<hbm>>
        tpu.enqueue_dma source(%dma_start3A_571 : memref<8x768xf32, #tpu.memory_space<hbm>>) target(%dma_start3A_569 : memref<8x768xf32, #tpu.memory_space<vmem>>) target_semaphore(%arg11 : memref<!tpu.dma_semaphore, #tpu.memory_space<semaphore_mem>>)
        %dma_start3A_572 = arith.constant 1 : i32
        %dma_start3A_573 = arith.constant 0 : i32
        %dma_start3A_574 = arith.constant 0 : i32
        %dma_start3A_575 = arith.constant 0 : i32
        %dma_start3A_576 = tpu.memref_slice %arg8[%dma_start3A_572, %dma_start3A_573, %dma_start3A_574, %dma_start3A_575] : memref<2x4x8x768xf32, #tpu.memory_space<vmem>> -> memref<1x1x8x768xf32, #tpu.memory_space<vmem>>
        %dma_start3A_577 = tpu.memref_squeeze %dma_start3A_576 : memref<1x1x8x768xf32, #tpu.memory_space<vmem>> -> memref<8x768xf32, #tpu.memory_space<vmem>>
        %dma_start3A_578 = tpu.memref_slice %arg6[%add3A_546] : memref<1024xi32, #tpu.memory_space<vmem>> -> memref<8xi32, #tpu.memory_space<vmem>>
        %dma_start3A_579 = arith.constant 0 : i32
        %dma_start3A_580 = arith.constant 0 : i32
        %dma_start3A_581 = tpu.memref_slice %arg3[%select_n3A, %dma_start3A_579, %dma_start3A_580] : memref<4x128x768xf32, #tpu.memory_space<hbm>> -> memref<1x128x768xf32, #tpu.memory_space<hbm>>
        %dma_start3A_582 = tpu.memref_squeeze %dma_start3A_581 : memref<1x128x768xf32, #tpu.memory_space<hbm>> -> memref<128x768xf32, #tpu.memory_space<hbm>>
        %dma_start3A_583 = arith.constant 0 : i32
        %dma_start3A_584 = arith.constant 0 : i32
        %dma_start3A_585 = tpu.memref_slice %dma_start3A_582[%dma_start3A_583, %dma_start3A_584] : memref<128x768xf32, #tpu.memory_space<hbm>> -> memref<128x768xf32, #tpu.memory_space<hbm>>
        tpu.enqueue_indirect_dma source(%dma_start3A_585 : memref<128x768xf32, #tpu.memory_space<hbm>>) target(%dma_start3A_577 : memref<8x768xf32, #tpu.memory_space<vmem>>) offsets(%dma_start3A_578 : memref<8xi32, #tpu.memory_space<vmem>>) semaphore(%arg11 : memref<!tpu.dma_semaphore, #tpu.memory_space<semaphore_mem>>)
        %dma_start3A_586 = arith.constant 1 : i32
        %dma_start3A_587 = arith.constant 1 : i32
        %dma_start3A_588 = arith.constant 0 : i32
        %dma_start3A_589 = arith.constant 0 : i32
        %dma_start3A_590 = tpu.memref_slice %arg8[%dma_start3A_586, %dma_start3A_587, %dma_start3A_588, %dma_start3A_589] : memref<2x4x8x768xf32, #tpu.memory_space<vmem>> -> memref<1x1x8x768xf32, #tpu.memory_space<vmem>>
        %dma_start3A_591 = tpu.memref_squeeze %dma_start3A_590 : memref<1x1x8x768xf32, #tpu.memory_space<vmem>> -> memref<8x768xf32, #tpu.memory_space<vmem>>
        %dma_start3A_592 = tpu.memref_slice %arg6[%add3A_550] : memref<1024xi32, #tpu.memory_space<vmem>> -> memref<8xi32, #tpu.memory_space<vmem>>
        %dma_start3A_593 = arith.constant 0 : i32
        %dma_start3A_594 = arith.constant 0 : i32
        %dma_start3A_595 = tpu.memref_slice %arg3[%select_n3A, %dma_start3A_593, %dma_start3A_594] : memref<4x128x768xf32, #tpu.memory_space<hbm>> -> memref<1x128x768xf32, #tpu.memory_space<hbm>>
        %dma_start3A_596 = tpu.memref_squeeze %dma_start3A_595 : memref<1x128x768xf32, #tpu.memory_space<hbm>> -> memref<128x768xf32, #tpu.memory_space<hbm>>
        %dma_start3A_597 = arith.constant 0 : i32
        %dma_start3A_598 = arith.constant 0 : i32
        %dma_start3A_599 = tpu.memref_slice %dma_start3A_596[%dma_start3A_597, %dma_start3A_598] : memref<128x768xf32, #tpu.memory_space<hbm>> -> memref<128x768xf32, #tpu.memory_space<hbm>>
        tpu.enqueue_indirect_dma source(%dma_start3A_599 : memref<128x768xf32, #tpu.memory_space<hbm>>) target(%dma_start3A_591 : memref<8x768xf32, #tpu.memory_space<vmem>>) offsets(%dma_start3A_592 : memref<8xi32, #tpu.memory_space<vmem>>) semaphore(%arg11 : memref<!tpu.dma_semaphore, #tpu.memory_space<semaphore_mem>>)
        %dma_start3A_600 = arith.constant 1 : i32
        %dma_start3A_601 = arith.constant 2 : i32
        %dma_start3A_602 = arith.constant 0 : i32
        %dma_start3A_603 = arith.constant 0 : i32
        %dma_start3A_604 = tpu.memref_slice %arg8[%dma_start3A_600, %dma_start3A_601, %dma_start3A_602, %dma_start3A_603] : memref<2x4x8x768xf32, #tpu.memory_space<vmem>> -> memref<1x1x8x768xf32, #tpu.memory_space<vmem>>
        %dma_start3A_605 = tpu.memref_squeeze %dma_start3A_604 : memref<1x1x8x768xf32, #tpu.memory_space<vmem>> -> memref<8x768xf32, #tpu.memory_space<vmem>>
        %dma_start3A_606 = tpu.memref_slice %arg6[%add3A_554] : memref<1024xi32, #tpu.memory_space<vmem>> -> memref<8xi32, #tpu.memory_space<vmem>>
        %dma_start3A_607 = arith.constant 0 : i32
        %dma_start3A_608 = arith.constant 0 : i32
        %dma_start3A_609 = tpu.memref_slice %arg3[%select_n3A, %dma_start3A_607, %dma_start3A_608] : memref<4x128x768xf32, #tpu.memory_space<hbm>> -> memref<1x128x768xf32, #tpu.memory_space<hbm>>
        %dma_start3A_610 = tpu.memref_squeeze %dma_start3A_609 : memref<1x128x768xf32, #tpu.memory_space<hbm>> -> memref<128x768xf32, #tpu.memory_space<hbm>>
        %dma_start3A_611 = arith.constant 0 : i32
        %dma_start3A_612 = arith.constant 0 : i32
        %dma_start3A_613 = tpu.memref_slice %dma_start3A_610[%dma_start3A_611, %dma_start3A_612] : memref<128x768xf32, #tpu.memory_space<hbm>> -> memref<128x768xf32, #tpu.memory_space<hbm>>
        tpu.enqueue_indirect_dma source(%dma_start3A_613 : memref<128x768xf32, #tpu.memory_space<hbm>>) target(%dma_start3A_605 : memref<8x768xf32, #tpu.memory_space<vmem>>) offsets(%dma_start3A_606 : memref<8xi32, #tpu.memory_space<vmem>>) semaphore(%arg11 : memref<!tpu.dma_semaphore, #tpu.memory_space<semaphore_mem>>)
        %dma_start3A_614 = arith.constant 1 : i32
        %dma_start3A_615 = arith.constant 3 : i32
        %dma_start3A_616 = arith.constant 0 : i32
        %dma_start3A_617 = arith.constant 0 : i32
        %dma_start3A_618 = tpu.memref_slice %arg8[%dma_start3A_614, %dma_start3A_615, %dma_start3A_616, %dma_start3A_617] : memref<2x4x8x768xf32, #tpu.memory_space<vmem>> -> memref<1x1x8x768xf32, #tpu.memory_space<vmem>>
        %dma_start3A_619 = tpu.memref_squeeze %dma_start3A_618 : memref<1x1x8x768xf32, #tpu.memory_space<vmem>> -> memref<8x768xf32, #tpu.memory_space<vmem>>
        %dma_start3A_620 = tpu.memref_slice %arg6[%add3A_558] : memref<1024xi32, #tpu.memory_space<vmem>> -> memref<8xi32, #tpu.memory_space<vmem>>
        %dma_start3A_621 = arith.constant 0 : i32
        %dma_start3A_622 = arith.constant 0 : i32
        %dma_start3A_623 = tpu.memref_slice %arg3[%select_n3A, %dma_start3A_621, %dma_start3A_622] : memref<4x128x768xf32, #tpu.memory_space<hbm>> -> memref<1x128x768xf32, #tpu.memory_space<hbm>>
        %dma_start3A_624 = tpu.memref_squeeze %dma_start3A_623 : memref<1x128x768xf32, #tpu.memory_space<hbm>> -> memref<128x768xf32, #tpu.memory_space<hbm>>
        %dma_start3A_625 = arith.constant 0 : i32
        %dma_start3A_626 = arith.constant 0 : i32
        %dma_start3A_627 = tpu.memref_slice %dma_start3A_624[%dma_start3A_625, %dma_start3A_626] : memref<128x768xf32, #tpu.memory_space<hbm>> -> memref<128x768xf32, #tpu.memory_space<hbm>>
        tpu.enqueue_indirect_dma source(%dma_start3A_627 : memref<128x768xf32, #tpu.memory_space<hbm>>) target(%dma_start3A_619 : memref<8x768xf32, #tpu.memory_space<vmem>>) offsets(%dma_start3A_620 : memref<8xi32, #tpu.memory_space<vmem>>) semaphore(%arg11 : memref<!tpu.dma_semaphore, #tpu.memory_space<semaphore_mem>>)
      } else {
      }
      %mul3A_180 = arith.constant 2048 : i32
      %mul3A_181 = arith.muli %select_n3A, %mul3A_180 : i32
      %add3A_182 = arith.addi %mul3A_181, %mul3A_32 : i32
      %mul3A_183 = arith.constant 8 : i32
      %mul3A_184 = arith.muli %add3A_174, %mul3A_183 : i32
      %add3A_185 = arith.addi %add3A_182, %mul3A_184 : i32
      %mul3A_186 = arith.constant 8 : i32
      %mul3A_187 = arith.muli %add3A_174, %mul3A_186 : i32
      %add3A_188 = arith.constant 0 : i32
      %add3A_189 = arith.addi %add3A_188, %mul3A_187 : i32
      %mul3A_190 = arith.constant 8 : i32
      %mul3A_191 = arith.muli %add3A_174, %mul3A_190 : i32
      %add3A_192 = arith.constant 256 : i32
      %add3A_193 = arith.addi %add3A_192, %mul3A_191 : i32
      %mul3A_194 = arith.constant 8 : i32
      %mul3A_195 = arith.muli %add3A_174, %mul3A_194 : i32
      %add3A_196 = arith.constant 512 : i32
      %add3A_197 = arith.addi %add3A_196, %mul3A_195 : i32
      %mul3A_198 = arith.constant 8 : i32
      %mul3A_199 = arith.muli %add3A_174, %mul3A_198 : i32
      %add3A_200 = arith.constant 768 : i32
      %add3A_201 = arith.addi %add3A_200, %mul3A_199 : i32
      %dma_wait3A_202 = arith.constant 0 : i32
      %dma_wait3A_203 = arith.constant 0 : i32
      %dma_wait3A_204 = arith.constant 0 : i32
      %dma_wait3A_205 = tpu.memref_slice %arg7[%dma_wait3A_202, %dma_wait3A_203, %dma_wait3A_204] : memref<2x8x768xf32, #tpu.memory_space<vmem>> -> memref<1x8x768xf32, #tpu.memory_space<vmem>>
      %dma_wait3A_206 = tpu.memref_squeeze %dma_wait3A_205 : memref<1x8x768xf32, #tpu.memory_space<vmem>> -> memref<8x768xf32, #tpu.memory_space<vmem>>
      %dma_wait3A_207 = arith.constant 0 : i32
      %dma_wait3A_208 = tpu.memref_slice %arg2[%add3A_185, %dma_wait3A_207] : memref<8192x768xf32, #tpu.memory_space<hbm>> -> memref<8x768xf32, #tpu.memory_space<hbm>>
      %dma_wait3A_209 = arith.constant 0 : i32
      %dma_wait3A_210 = arith.constant 0 : i32
      %dma_wait3A_211 = tpu.memref_slice %arg7[%dma_wait3A_202, %dma_wait3A_209, %dma_wait3A_210] : memref<2x8x768xf32, #tpu.memory_space<vmem>> -> memref<1x8x768xf32, #tpu.memory_space<vmem>>
      %dma_wait3A_212 = tpu.memref_squeeze %dma_wait3A_211 : memref<1x8x768xf32, #tpu.memory_space<vmem>> -> memref<8x768xf32, #tpu.memory_space<vmem>>
      %dma_wait3A_213 = arith.constant 0 : i32
      %dma_wait3A_214 = tpu.memref_slice %arg2[%add3A_185, %dma_wait3A_213] : memref<8192x768xf32, #tpu.memory_space<hbm>> -> memref<8x768xf32, #tpu.memory_space<hbm>>
      tpu.wait_dma2 semaphore(%arg10 : memref<!tpu.dma_semaphore, #tpu.memory_space<semaphore_mem>>) src(%dma_wait3A_214 : memref<8x768xf32, #tpu.memory_space<hbm>>) dst(%dma_wait3A_212 : memref<8x768xf32, #tpu.memory_space<vmem>>)
      %dma_wait3A_215 = arith.constant 0 : i32
      %dma_wait3A_216 = arith.constant 0 : i32
      %dma_wait3A_217 = arith.constant 0 : i32
      %dma_wait3A_218 = arith.constant 0 : i32
      %dma_wait3A_219 = tpu.memref_slice %arg8[%dma_wait3A_215, %dma_wait3A_216, %dma_wait3A_217, %dma_wait3A_218] : memref<2x4x8x768xf32, #tpu.memory_space<vmem>> -> memref<1x1x8x768xf32, #tpu.memory_space<vmem>>
      %dma_wait3A_220 = tpu.memref_squeeze %dma_wait3A_219 : memref<1x1x8x768xf32, #tpu.memory_space<vmem>> -> memref<8x768xf32, #tpu.memory_space<vmem>>
      %dma_wait3A_221 = tpu.memref_slice %arg6[%add3A_189] : memref<1024xi32, #tpu.memory_space<vmem>> -> memref<8xi32, #tpu.memory_space<vmem>>
      %dma_wait3A_222 = arith.constant 0 : i32
      %dma_wait3A_223 = arith.constant 0 : i32
      %dma_wait3A_224 = tpu.memref_slice %arg3[%select_n3A, %dma_wait3A_222, %dma_wait3A_223] : memref<4x128x768xf32, #tpu.memory_space<hbm>> -> memref<1x128x768xf32, #tpu.memory_space<hbm>>
      %dma_wait3A_225 = tpu.memref_squeeze %dma_wait3A_224 : memref<1x128x768xf32, #tpu.memory_space<hbm>> -> memref<128x768xf32, #tpu.memory_space<hbm>>
      %dma_wait3A_226 = arith.constant 0 : i32
      %dma_wait3A_227 = arith.constant 0 : i32
      %dma_wait3A_228 = tpu.memref_slice %dma_wait3A_225[%dma_wait3A_226, %dma_wait3A_227] : memref<128x768xf32, #tpu.memory_space<hbm>> -> memref<128x768xf32, #tpu.memory_space<hbm>>
      tpu.wait_indirect_dma semaphore(%arg10 : memref<!tpu.dma_semaphore, #tpu.memory_space<semaphore_mem>>) src(%dma_wait3A_228 : memref<128x768xf32, #tpu.memory_space<hbm>>) dst(%dma_wait3A_220 : memref<8x768xf32, #tpu.memory_space<vmem>>)
      %dma_wait3A_229 = arith.constant 0 : i32
      %dma_wait3A_230 = arith.constant 1 : i32
      %dma_wait3A_231 = arith.constant 0 : i32
      %dma_wait3A_232 = arith.constant 0 : i32
      %dma_wait3A_233 = tpu.memref_slice %arg8[%dma_wait3A_229, %dma_wait3A_230, %dma_wait3A_231, %dma_wait3A_232] : memref<2x4x8x768xf32, #tpu.memory_space<vmem>> -> memref<1x1x8x768xf32, #tpu.memory_space<vmem>>
      %dma_wait3A_234 = tpu.memref_squeeze %dma_wait3A_233 : memref<1x1x8x768xf32, #tpu.memory_space<vmem>> -> memref<8x768xf32, #tpu.memory_space<vmem>>
      %dma_wait3A_235 = tpu.memref_slice %arg6[%add3A_193] : memref<1024xi32, #tpu.memory_space<vmem>> -> memref<8xi32, #tpu.memory_space<vmem>>
      %dma_wait3A_236 = arith.constant 0 : i32
      %dma_wait3A_237 = arith.constant 0 : i32
      %dma_wait3A_238 = tpu.memref_slice %arg3[%select_n3A, %dma_wait3A_236, %dma_wait3A_237] : memref<4x128x768xf32, #tpu.memory_space<hbm>> -> memref<1x128x768xf32, #tpu.memory_space<hbm>>
      %dma_wait3A_239 = tpu.memref_squeeze %dma_wait3A_238 : memref<1x128x768xf32, #tpu.memory_space<hbm>> -> memref<128x768xf32, #tpu.memory_space<hbm>>
      %dma_wait3A_240 = arith.constant 0 : i32
      %dma_wait3A_241 = arith.constant 0 : i32
      %dma_wait3A_242 = tpu.memref_slice %dma_wait3A_239[%dma_wait3A_240, %dma_wait3A_241] : memref<128x768xf32, #tpu.memory_space<hbm>> -> memref<128x768xf32, #tpu.memory_space<hbm>>
      tpu.wait_indirect_dma semaphore(%arg10 : memref<!tpu.dma_semaphore, #tpu.memory_space<semaphore_mem>>) src(%dma_wait3A_242 : memref<128x768xf32, #tpu.memory_space<hbm>>) dst(%dma_wait3A_234 : memref<8x768xf32, #tpu.memory_space<vmem>>)
      %dma_wait3A_243 = arith.constant 0 : i32
      %dma_wait3A_244 = arith.constant 2 : i32
      %dma_wait3A_245 = arith.constant 0 : i32
      %dma_wait3A_246 = arith.constant 0 : i32
      %dma_wait3A_247 = tpu.memref_slice %arg8[%dma_wait3A_243, %dma_wait3A_244, %dma_wait3A_245, %dma_wait3A_246] : memref<2x4x8x768xf32, #tpu.memory_space<vmem>> -> memref<1x1x8x768xf32, #tpu.memory_space<vmem>>
      %dma_wait3A_248 = tpu.memref_squeeze %dma_wait3A_247 : memref<1x1x8x768xf32, #tpu.memory_space<vmem>> -> memref<8x768xf32, #tpu.memory_space<vmem>>
      %dma_wait3A_249 = tpu.memref_slice %arg6[%add3A_197] : memref<1024xi32, #tpu.memory_space<vmem>> -> memref<8xi32, #tpu.memory_space<vmem>>
      %dma_wait3A_250 = arith.constant 0 : i32
      %dma_wait3A_251 = arith.constant 0 : i32
      %dma_wait3A_252 = tpu.memref_slice %arg3[%select_n3A, %dma_wait3A_250, %dma_wait3A_251] : memref<4x128x768xf32, #tpu.memory_space<hbm>> -> memref<1x128x768xf32, #tpu.memory_space<hbm>>
      %dma_wait3A_253 = tpu.memref_squeeze %dma_wait3A_252 : memref<1x128x768xf32, #tpu.memory_space<hbm>> -> memref<128x768xf32, #tpu.memory_space<hbm>>
      %dma_wait3A_254 = arith.constant 0 : i32
      %dma_wait3A_255 = arith.constant 0 : i32
      %dma_wait3A_256 = tpu.memref_slice %dma_wait3A_253[%dma_wait3A_254, %dma_wait3A_255] : memref<128x768xf32, #tpu.memory_space<hbm>> -> memref<128x768xf32, #tpu.memory_space<hbm>>
      tpu.wait_indirect_dma semaphore(%arg10 : memref<!tpu.dma_semaphore, #tpu.memory_space<semaphore_mem>>) src(%dma_wait3A_256 : memref<128x768xf32, #tpu.memory_space<hbm>>) dst(%dma_wait3A_248 : memref<8x768xf32, #tpu.memory_space<vmem>>)
      %dma_wait3A_257 = arith.constant 0 : i32
      %dma_wait3A_258 = arith.constant 3 : i32
      %dma_wait3A_259 = arith.constant 0 : i32
      %dma_wait3A_260 = arith.constant 0 : i32
      %dma_wait3A_261 = tpu.memref_slice %arg8[%dma_wait3A_257, %dma_wait3A_258, %dma_wait3A_259, %dma_wait3A_260] : memref<2x4x8x768xf32, #tpu.memory_space<vmem>> -> memref<1x1x8x768xf32, #tpu.memory_space<vmem>>
      %dma_wait3A_262 = tpu.memref_squeeze %dma_wait3A_261 : memref<1x1x8x768xf32, #tpu.memory_space<vmem>> -> memref<8x768xf32, #tpu.memory_space<vmem>>
      %dma_wait3A_263 = tpu.memref_slice %arg6[%add3A_201] : memref<1024xi32, #tpu.memory_space<vmem>> -> memref<8xi32, #tpu.memory_space<vmem>>
      %dma_wait3A_264 = arith.constant 0 : i32
      %dma_wait3A_265 = arith.constant 0 : i32
      %dma_wait3A_266 = tpu.memref_slice %arg3[%select_n3A, %dma_wait3A_264, %dma_wait3A_265] : memref<4x128x768xf32, #tpu.memory_space<hbm>> -> memref<1x128x768xf32, #tpu.memory_space<hbm>>
      %dma_wait3A_267 = tpu.memref_squeeze %dma_wait3A_266 : memref<1x128x768xf32, #tpu.memory_space<hbm>> -> memref<128x768xf32, #tpu.memory_space<hbm>>
      %dma_wait3A_268 = arith.constant 0 : i32
      %dma_wait3A_269 = arith.constant 0 : i32
      %dma_wait3A_270 = tpu.memref_slice %dma_wait3A_267[%dma_wait3A_268, %dma_wait3A_269] : memref<128x768xf32, #tpu.memory_space<hbm>> -> memref<128x768xf32, #tpu.memory_space<hbm>>
      tpu.wait_indirect_dma semaphore(%arg10 : memref<!tpu.dma_semaphore, #tpu.memory_space<semaphore_mem>>) src(%dma_wait3A_270 : memref<128x768xf32, #tpu.memory_space<hbm>>) dst(%dma_wait3A_262 : memref<8x768xf32, #tpu.memory_space<vmem>>)
      %mul3A_271 = arith.constant 2 : i32
      %mul3A_272 = arith.muli %mul3A_271, %add3A_174 : i32
      %add3A_273 = arith.constant 0 : i32
      %add3A_274 = arith.addi %mul3A_272, %add3A_273 : i32
      %rem3A_275 = arith.constant 2 : i32
      %rem3A_276 = arith.remsi %add3A_274, %rem3A_275 : i32
      %ge3A = arith.constant 2 : i32
      %ge3A_277 = arith.cmpi sge, %add3A_274, %ge3A : i32
      %convert_element_type3A_278 = arith.extui %ge3A_277 : i1 to i32
      %cond3A_279 = arith.constant 0 : i32
      %cond3A_280 = arith.cmpi ne, %convert_element_type3A_278, %cond3A_279 : i32
      scf.if %cond3A_280 {
        %mul3A_537 = arith.constant 8 : i32
        %mul3A_538 = arith.muli %add3A_174, %mul3A_537 : i32
        %add3A_539 = arith.addi %mul3A_32, %mul3A_538 : i32
        %add3A_540 = arith.constant 0 : i32
        %add3A_541 = arith.addi %add3A_539, %add3A_540 : i32
        %dma_wait3A_542 = arith.constant 0 : i32
        %dma_wait3A_543 = arith.constant 0 : i32
        %dma_wait3A_544 = arith.constant 0 : i32
        %dma_wait3A_545 = tpu.memref_slice %arg9[%rem3A_276, %dma_wait3A_542, %dma_wait3A_543, %dma_wait3A_544] : memref<2x4x12x320xf32, #tpu.memory_space<vmem>> -> memref<1x4x12x320xf32, #tpu.memory_space<vmem>>
        %dma_wait3A_546 = tpu.memref_squeeze %dma_wait3A_545 : memref<1x4x12x320xf32, #tpu.memory_space<vmem>> -> memref<4x12x320xf32, #tpu.memory_space<vmem>>
        %dma_wait3A_547 = arith.constant 0 : i32
        %dma_wait3A_548 = arith.constant 0 : i32
        %dma_wait3A_549 = tpu.memref_slice %arg5[%select_n3A, %add3A_541, %dma_wait3A_547, %dma_wait3A_548] : memref<4x2048x12x320xf32, #tpu.memory_space<hbm>> -> memref<1x4x12x320xf32, #tpu.memory_space<hbm>>
        %dma_wait3A_550 = tpu.memref_squeeze %dma_wait3A_549 : memref<1x4x12x320xf32, #tpu.memory_space<hbm>> -> memref<4x12x320xf32, #tpu.memory_space<hbm>>
        %dma_wait3A_551 = arith.constant 0 : i32
        %dma_wait3A_552 = arith.constant 0 : i32
        %dma_wait3A_553 = tpu.memref_slice %arg5[%select_n3A, %add3A_541, %dma_wait3A_551, %dma_wait3A_552] : memref<4x2048x12x320xf32, #tpu.memory_space<hbm>> -> memref<1x4x12x320xf32, #tpu.memory_space<hbm>>
        %dma_wait3A_554 = tpu.memref_squeeze %dma_wait3A_553 : memref<1x4x12x320xf32, #tpu.memory_space<hbm>> -> memref<4x12x320xf32, #tpu.memory_space<hbm>>
        %dma_wait3A_555 = arith.constant 0 : i32
        %dma_wait3A_556 = arith.constant 0 : i32
        %dma_wait3A_557 = arith.constant 0 : i32
        %dma_wait3A_558 = tpu.memref_slice %arg9[%rem3A_276, %dma_wait3A_555, %dma_wait3A_556, %dma_wait3A_557] : memref<2x4x12x320xf32, #tpu.memory_space<vmem>> -> memref<1x4x12x320xf32, #tpu.memory_space<vmem>>
        %dma_wait3A_559 = tpu.memref_squeeze %dma_wait3A_558 : memref<1x4x12x320xf32, #tpu.memory_space<vmem>> -> memref<4x12x320xf32, #tpu.memory_space<vmem>>
        tpu.wait_dma2 semaphore(%arg12 : memref<!tpu.dma_semaphore, #tpu.memory_space<semaphore_mem>>) src(%dma_wait3A_559 : memref<4x12x320xf32, #tpu.memory_space<vmem>>) dst(%dma_wait3A_554 : memref<4x12x320xf32, #tpu.memory_space<hbm>>)
      } else {
      }
      %scan3A_281 = arith.constant 0 : i32
      %scan3A_282 = arith.constant 0 : i32
      %scan3A_283 = arith.constant 4 : i32
      %scan3A_284 = arith.addi %scan3A_282, %scan3A_283 : i32
      %scan3A_285 = arith.constant 1 : i32
      %scan3A_286 = scf.for %scan3A_537 = %scan3A_282 to %scan3A_284 step %scan3A_285 iter_args(%scan3A_538 = %scan3A_281) -> (i32)  : i32 {
        %add3A_539 = arith.constant 0 : i32
        %add3A_540 = arith.addi %add3A_539, %scan3A_537 : i32
        %scan3A_541 = arith.constant 0 : i32
        %scan3A_542 = arith.constant 0 : i32
        %scan3A_543 = arith.constant 12 : i32
        %scan3A_544 = arith.addi %scan3A_542, %scan3A_543 : i32
        %scan3A_545 = arith.constant 1 : i32
        %scan3A_546 = scf.for %scan3A_548 = %scan3A_542 to %scan3A_544 step %scan3A_545 iter_args(%scan3A_549 = %scan3A_541) -> (i32)  : i32 {
          %mul3A_550 = arith.constant 64 : i32
          %mul3A_551 = arith.muli %scan3A_548, %mul3A_550 : i32
          %multiple_of3A = tpu.assume_multiple %mul3A_551, 16 : i32
          %add3A_552 = arith.constant 0 : i32
          %add3A_553 = arith.addi %multiple_of3A, %add3A_552 : i32
          %get3A = arith.constant 0 : i32
          %get3A_554 = arith.index_cast %get3A : i32 to index
          %get3A_555 = arith.index_cast %add3A_540 : i32 to index
          %get3A_556 = arith.index_cast %add3A_553 : i32 to index
          %get3A_557 = tpu.vector_load %arg7[%get3A_554, %get3A_555, %get3A_556] {strides = array<i32>} : memref<2x8x768xf32, #tpu.memory_space<vmem>>, vector<1x1x16xf32>,
          %get3A_558 = vector.shape_cast %get3A_557 : vector<1x1x16xf32> to vector<16xf32>
          %swap3A = arith.index_cast %rem3A_276 : i32 to index
          %swap3A_559 = arith.index_cast %scan3A_537 : i32 to index
          %swap3A_560 = arith.index_cast %scan3A_548 : i32 to index
          %swap3A_561 = arith.constant 0 : index
          %swap3A_562 = tpu.vector_load %arg9[%swap3A, %swap3A_559, %swap3A_560, %swap3A_561] {strides = array<i32>} : memref<2x4x12x320xf32, #tpu.memory_space<vmem>>, vector<1x1x1x16xf32>,
          %swap3A_563 = vector.shape_cast %swap3A_562 : vector<1x1x1x16xf32> to vector<16xf32>
          %swap3A_564 = vector.shape_cast %get3A_558 : vector<16xf32> to vector<1x1x1x16xf32>
          tpu.vector_store %arg9[%swap3A, %swap3A_559, %swap3A_560, %swap3A_561], %swap3A_564 {strides = array<i32>} : memref<2x4x12x320xf32, #tpu.memory_space<vmem>>, vector<1x1x1x16xf32>,
          %add3A_565 = arith.constant 16 : i32
          %add3A_566 = arith.addi %multiple_of3A, %add3A_565 : i32
          %get3A_567 = arith.constant 0 : i32
          %get3A_568 = arith.index_cast %get3A_567 : i32 to index
          %get3A_569 = arith.index_cast %add3A_540 : i32 to index
          %get3A_570 = arith.index_cast %add3A_566 : i32 to index
          %get3A_571 = tpu.vector_load %arg7[%get3A_568, %get3A_569, %get3A_570] {strides = array<i32>} : memref<2x8x768xf32, #tpu.memory_space<vmem>>, vector<1x1x16xf32>,
          %get3A_572 = vector.shape_cast %get3A_571 : vector<1x1x16xf32> to vector<16xf32>
          %swap3A_573 = arith.index_cast %rem3A_276 : i32 to index
          %swap3A_574 = arith.index_cast %scan3A_537 : i32 to index
          %swap3A_575 = arith.index_cast %scan3A_548 : i32 to index
          %swap3A_576 = arith.constant 16 : index
          %swap3A_577 = tpu.vector_load %arg9[%swap3A_573, %swap3A_574, %swap3A_575, %swap3A_576] {strides = array<i32>} : memref<2x4x12x320xf32, #tpu.memory_space<vmem>>, vector<1x1x1x16xf32>,
          %swap3A_578 = vector.shape_cast %swap3A_577 : vector<1x1x1x16xf32> to vector<16xf32>
          %swap3A_579 = vector.shape_cast %get3A_572 : vector<16xf32> to vector<1x1x1x16xf32>
          tpu.vector_store %arg9[%swap3A_573, %swap3A_574, %swap3A_575, %swap3A_576], %swap3A_579 {strides = array<i32>} : memref<2x4x12x320xf32, #tpu.memory_space<vmem>>, vector<1x1x1x16xf32>,
          %add3A_580 = arith.constant 32 : i32
          %add3A_581 = arith.addi %multiple_of3A, %add3A_580 : i32
          %get3A_582 = arith.constant 0 : i32
          %get3A_583 = arith.index_cast %get3A_582 : i32 to index
          %get3A_584 = arith.index_cast %add3A_540 : i32 to index
          %get3A_585 = arith.index_cast %add3A_581 : i32 to index
          %get3A_586 = tpu.vector_load %arg7[%get3A_583, %get3A_584, %get3A_585] {strides = array<i32>} : memref<2x8x768xf32, #tpu.memory_space<vmem>>, vector<1x1x16xf32>,
          %get3A_587 = vector.shape_cast %get3A_586 : vector<1x1x16xf32> to vector<16xf32>
          %swap3A_588 = arith.index_cast %rem3A_276 : i32 to index
          %swap3A_589 = arith.index_cast %scan3A_537 : i32 to index
          %swap3A_590 = arith.index_cast %scan3A_548 : i32 to index
          %swap3A_591 = arith.constant 32 : index
          %swap3A_592 = tpu.vector_load %arg9[%swap3A_588, %swap3A_589, %swap3A_590, %swap3A_591] {strides = array<i32>} : memref<2x4x12x320xf32, #tpu.memory_space<vmem>>, vector<1x1x1x16xf32>,
          %swap3A_593 = vector.shape_cast %swap3A_592 : vector<1x1x1x16xf32> to vector<16xf32>
          %swap3A_594 = vector.shape_cast %get3A_587 : vector<16xf32> to vector<1x1x1x16xf32>
          tpu.vector_store %arg9[%swap3A_588, %swap3A_589, %swap3A_590, %swap3A_591], %swap3A_594 {strides = array<i32>} : memref<2x4x12x320xf32, #tpu.memory_space<vmem>>, vector<1x1x1x16xf32>,
          %add3A_595 = arith.constant 48 : i32
          %add3A_596 = arith.addi %multiple_of3A, %add3A_595 : i32
          %get3A_597 = arith.constant 0 : i32
          %get3A_598 = arith.index_cast %get3A_597 : i32 to index
          %get3A_599 = arith.index_cast %add3A_540 : i32 to index
          %get3A_600 = arith.index_cast %add3A_596 : i32 to index
          %get3A_601 = tpu.vector_load %arg7[%get3A_598, %get3A_599, %get3A_600] {strides = array<i32>} : memref<2x8x768xf32, #tpu.memory_space<vmem>>, vector<1x1x16xf32>,
          %get3A_602 = vector.shape_cast %get3A_601 : vector<1x1x16xf32> to vector<16xf32>
          %swap3A_603 = arith.index_cast %rem3A_276 : i32 to index
          %swap3A_604 = arith.index_cast %scan3A_537 : i32 to index
          %swap3A_605 = arith.index_cast %scan3A_548 : i32 to index
          %swap3A_606 = arith.constant 48 : index
          %swap3A_607 = tpu.vector_load %arg9[%swap3A_603, %swap3A_604, %swap3A_605, %swap3A_606] {strides = array<i32>} : memref<2x4x12x320xf32, #tpu.memory_space<vmem>>, vector<1x1x1x16xf32>,
          %swap3A_608 = vector.shape_cast %swap3A_607 : vector<1x1x1x16xf32> to vector<16xf32>
          %swap3A_609 = vector.shape_cast %get3A_602 : vector<16xf32> to vector<1x1x1x16xf32>
          tpu.vector_store %arg9[%swap3A_603, %swap3A_604, %swap3A_605, %swap3A_606], %swap3A_609 {strides = array<i32>} : memref<2x4x12x320xf32, #tpu.memory_space<vmem>>, vector<1x1x1x16xf32>,
          %add3A_610 = arith.constant 0 : i32
          %add3A_611 = arith.addi %multiple_of3A, %add3A_610 : i32
          %get3A_612 = arith.constant 0 : i32
          %get3A_613 = arith.constant 0 : i32
          %get3A_614 = arith.index_cast %get3A_612 : i32 to index
          %get3A_615 = arith.index_cast %get3A_613 : i32 to index
          %get3A_616 = arith.index_cast %add3A_540 : i32 to index
          %get3A_617 = arith.index_cast %add3A_611 : i32 to index
          %get3A_618 = tpu.vector_load %arg8[%get3A_614, %get3A_615, %get3A_616, %get3A_617] {strides = array<i32>} : memref<2x4x8x768xf32, #tpu.memory_space<vmem>>, vector<1x1x1x16xf32>,
          %get3A_619 = vector.shape_cast %get3A_618 : vector<1x1x1x16xf32> to vector<16xf32>
          %swap3A_620 = arith.index_cast %rem3A_276 : i32 to index
          %swap3A_621 = arith.index_cast %scan3A_537 : i32 to index
          %swap3A_622 = arith.index_cast %scan3A_548 : i32 to index
          %swap3A_623 = arith.constant 64 : index
          %swap3A_624 = tpu.vector_load %arg9[%swap3A_620, %swap3A_621, %swap3A_622, %swap3A_623] {strides = array<i32>} : memref<2x4x12x320xf32, #tpu.memory_space<vmem>>, vector<1x1x1x16xf32>,
          %swap3A_625 = vector.shape_cast %swap3A_624 : vector<1x1x1x16xf32> to vector<16xf32>
          %swap3A_626 = vector.shape_cast %get3A_619 : vector<16xf32> to vector<1x1x1x16xf32>
          tpu.vector_store %arg9[%swap3A_620, %swap3A_621, %swap3A_622, %swap3A_623], %swap3A_626 {strides = array<i32>} : memref<2x4x12x320xf32, #tpu.memory_space<vmem>>, vector<1x1x1x16xf32>,
          %add3A_627 = arith.constant 16 : i32
          %add3A_628 = arith.addi %multiple_of3A, %add3A_627 : i32
          %get3A_629 = arith.constant 0 : i32
          %get3A_630 = arith.constant 0 : i32
          %get3A_631 = arith.index_cast %get3A_629 : i32 to index
          %get3A_632 = arith.index_cast %get3A_630 : i32 to index
          %get3A_633 = arith.index_cast %add3A_540 : i32 to index
          %get3A_634 = arith.index_cast %add3A_628 : i32 to index
          %get3A_635 = tpu.vector_load %arg8[%get3A_631, %get3A_632, %get3A_633, %get3A_634] {strides = array<i32>} : memref<2x4x8x768xf32, #tpu.memory_space<vmem>>, vector<1x1x1x16xf32>,
          %get3A_636 = vector.shape_cast %get3A_635 : vector<1x1x1x16xf32> to vector<16xf32>
          %swap3A_637 = arith.index_cast %rem3A_276 : i32 to index
          %swap3A_638 = arith.index_cast %scan3A_537 : i32 to index
          %swap3A_639 = arith.index_cast %scan3A_548 : i32 to index
          %swap3A_640 = arith.constant 80 : index
          %swap3A_641 = tpu.vector_load %arg9[%swap3A_637, %swap3A_638, %swap3A_639, %swap3A_640] {strides = array<i32>} : memref<2x4x12x320xf32, #tpu.memory_space<vmem>>, vector<1x1x1x16xf32>,
          %swap3A_642 = vector.shape_cast %swap3A_641 : vector<1x1x1x16xf32> to vector<16xf32>
          %swap3A_643 = vector.shape_cast %get3A_636 : vector<16xf32> to vector<1x1x1x16xf32>
          tpu.vector_store %arg9[%swap3A_637, %swap3A_638, %swap3A_639, %swap3A_640], %swap3A_643 {strides = array<i32>} : memref<2x4x12x320xf32, #tpu.memory_space<vmem>>, vector<1x1x1x16xf32>,
          %add3A_644 = arith.constant 32 : i32
          %add3A_645 = arith.addi %multiple_of3A, %add3A_644 : i32
          %get3A_646 = arith.constant 0 : i32
          %get3A_647 = arith.constant 0 : i32
          %get3A_648 = arith.index_cast %get3A_646 : i32 to index
          %get3A_649 = arith.index_cast %get3A_647 : i32 to index
          %get3A_650 = arith.index_cast %add3A_540 : i32 to index
          %get3A_651 = arith.index_cast %add3A_645 : i32 to index
          %get3A_652 = tpu.vector_load %arg8[%get3A_648, %get3A_649, %get3A_650, %get3A_651] {strides = array<i32>} : memref<2x4x8x768xf32, #tpu.memory_space<vmem>>, vector<1x1x1x16xf32>,
          %get3A_653 = vector.shape_cast %get3A_652 : vector<1x1x1x16xf32> to vector<16xf32>
          %swap3A_654 = arith.index_cast %rem3A_276 : i32 to index
          %swap3A_655 = arith.index_cast %scan3A_537 : i32 to index
          %swap3A_656 = arith.index_cast %scan3A_548 : i32 to index
          %swap3A_657 = arith.constant 96 : index
          %swap3A_658 = tpu.vector_load %arg9[%swap3A_654, %swap3A_655, %swap3A_656, %swap3A_657] {strides = array<i32>} : memref<2x4x12x320xf32, #tpu.memory_space<vmem>>, vector<1x1x1x16xf32>,
          %swap3A_659 = vector.shape_cast %swap3A_658 : vector<1x1x1x16xf32> to vector<16xf32>
          %swap3A_660 = vector.shape_cast %get3A_653 : vector<16xf32> to vector<1x1x1x16xf32>
          tpu.vector_store %arg9[%swap3A_654, %swap3A_655, %swap3A_656, %swap3A_657], %swap3A_660 {strides = array<i32>} : memref<2x4x12x320xf32, #tpu.memory_space<vmem>>, vector<1x1x1x16xf32>,
          %add3A_661 = arith.constant 48 : i32
          %add3A_662 = arith.addi %multiple_of3A, %add3A_661 : i32
          %get3A_663 = arith.constant 0 : i32
          %get3A_664 = arith.constant 0 : i32
          %get3A_665 = arith.index_cast %get3A_663 : i32 to index
          %get3A_666 = arith.index_cast %get3A_664 : i32 to index
          %get3A_667 = arith.index_cast %add3A_540 : i32 to index
          %get3A_668 = arith.index_cast %add3A_662 : i32 to index
          %get3A_669 = tpu.vector_load %arg8[%get3A_665, %get3A_666, %get3A_667, %get3A_668] {strides = array<i32>} : memref<2x4x8x768xf32, #tpu.memory_space<vmem>>, vector<1x1x1x16xf32>,
          %get3A_670 = vector.shape_cast %get3A_669 : vector<1x1x1x16xf32> to vector<16xf32>
          %swap3A_671 = arith.index_cast %rem3A_276 : i32 to index
          %swap3A_672 = arith.index_cast %scan3A_537 : i32 to index
          %swap3A_673 = arith.index_cast %scan3A_548 : i32 to index
          %swap3A_674 = arith.constant 112 : index
          %swap3A_675 = tpu.vector_load %arg9[%swap3A_671, %swap3A_672, %swap3A_673, %swap3A_674] {strides = array<i32>} : memref<2x4x12x320xf32, #tpu.memory_space<vmem>>, vector<1x1x1x16xf32>,
          %swap3A_676 = vector.shape_cast %swap3A_675 : vector<1x1x1x16xf32> to vector<16xf32>
          %swap3A_677 = vector.shape_cast %get3A_670 : vector<16xf32> to vector<1x1x1x16xf32>
          tpu.vector_store %arg9[%swap3A_671, %swap3A_672, %swap3A_673, %swap3A_674], %swap3A_677 {strides = array<i32>} : memref<2x4x12x320xf32, #tpu.memory_space<vmem>>, vector<1x1x1x16xf32>,
          %add3A_678 = arith.constant 0 : i32
          %add3A_679 = arith.addi %multiple_of3A, %add3A_678 : i32
          %get3A_680 = arith.constant 0 : i32
          %get3A_681 = arith.constant 1 : i32
          %get3A_682 = arith.index_cast %get3A_680 : i32 to index
          %get3A_683 = arith.index_cast %get3A_681 : i32 to index
          %get3A_684 = arith.index_cast %add3A_540 : i32 to index
          %get3A_685 = arith.index_cast %add3A_679 : i32 to index
          %get3A_686 = tpu.vector_load %arg8[%get3A_682, %get3A_683, %get3A_684, %get3A_685] {strides = array<i32>} : memref<2x4x8x768xf32, #tpu.memory_space<vmem>>, vector<1x1x1x16xf32>,
          %get3A_687 = vector.shape_cast %get3A_686 : vector<1x1x1x16xf32> to vector<16xf32>
          %swap3A_688 = arith.index_cast %rem3A_276 : i32 to index
          %swap3A_689 = arith.index_cast %scan3A_537 : i32 to index
          %swap3A_690 = arith.index_cast %scan3A_548 : i32 to index
          %swap3A_691 = arith.constant 128 : index
          %swap3A_692 = tpu.vector_load %arg9[%swap3A_688, %swap3A_689, %swap3A_690, %swap3A_691] {strides = array<i32>} : memref<2x4x12x320xf32, #tpu.memory_space<vmem>>, vector<1x1x1x16xf32>,
          %swap3A_693 = vector.shape_cast %swap3A_692 : vector<1x1x1x16xf32> to vector<16xf32>
          %swap3A_694 = vector.shape_cast %get3A_687 : vector<16xf32> to vector<1x1x1x16xf32>
          tpu.vector_store %arg9[%swap3A_688, %swap3A_689, %swap3A_690, %swap3A_691], %swap3A_694 {strides = array<i32>} : memref<2x4x12x320xf32, #tpu.memory_space<vmem>>, vector<1x1x1x16xf32>,
          %add3A_695 = arith.constant 16 : i32
          %add3A_696 = arith.addi %multiple_of3A, %add3A_695 : i32
          %get3A_697 = arith.constant 0 : i32
          %get3A_698 = arith.constant 1 : i32
          %get3A_699 = arith.index_cast %get3A_697 : i32 to index
          %get3A_700 = arith.index_cast %get3A_698 : i32 to index
          %get3A_701 = arith.index_cast %add3A_540 : i32 to index
          %get3A_702 = arith.index_cast %add3A_696 : i32 to index
          %get3A_703 = tpu.vector_load %arg8[%get3A_699, %get3A_700, %get3A_701, %get3A_702] {strides = array<i32>} : memref<2x4x8x768xf32, #tpu.memory_space<vmem>>, vector<1x1x1x16xf32>,
          %get3A_704 = vector.shape_cast %get3A_703 : vector<1x1x1x16xf32> to vector<16xf32>
          %swap3A_705 = arith.index_cast %rem3A_276 : i32 to index
          %swap3A_706 = arith.index_cast %scan3A_537 : i32 to index
          %swap3A_707 = arith.index_cast %scan3A_548 : i32 to index
          %swap3A_708 = arith.constant 144 : index
          %swap3A_709 = tpu.vector_load %arg9[%swap3A_705, %swap3A_706, %swap3A_707, %swap3A_708] {strides = array<i32>} : memref<2x4x12x320xf32, #tpu.memory_space<vmem>>, vector<1x1x1x16xf32>,
          %swap3A_710 = vector.shape_cast %swap3A_709 : vector<1x1x1x16xf32> to vector<16xf32>
          %swap3A_711 = vector.shape_cast %get3A_704 : vector<16xf32> to vector<1x1x1x16xf32>
          tpu.vector_store %arg9[%swap3A_705, %swap3A_706, %swap3A_707, %swap3A_708], %swap3A_711 {strides = array<i32>} : memref<2x4x12x320xf32, #tpu.memory_space<vmem>>, vector<1x1x1x16xf32>,
          %add3A_712 = arith.constant 32 : i32
          %add3A_713 = arith.addi %multiple_of3A, %add3A_712 : i32
          %get3A_714 = arith.constant 0 : i32
          %get3A_715 = arith.constant 1 : i32
          %get3A_716 = arith.index_cast %get3A_714 : i32 to index
          %get3A_717 = arith.index_cast %get3A_715 : i32 to index
          %get3A_718 = arith.index_cast %add3A_540 : i32 to index
          %get3A_719 = arith.index_cast %add3A_713 : i32 to index
          %get3A_720 = tpu.vector_load %arg8[%get3A_716, %get3A_717, %get3A_718, %get3A_719] {strides = array<i32>} : memref<2x4x8x768xf32, #tpu.memory_space<vmem>>, vector<1x1x1x16xf32>,
          %get3A_721 = vector.shape_cast %get3A_720 : vector<1x1x1x16xf32> to vector<16xf32>
          %swap3A_722 = arith.index_cast %rem3A_276 : i32 to index
          %swap3A_723 = arith.index_cast %scan3A_537 : i32 to index
          %swap3A_724 = arith.index_cast %scan3A_548 : i32 to index
          %swap3A_725 = arith.constant 160 : index
          %swap3A_726 = tpu.vector_load %arg9[%swap3A_722, %swap3A_723, %swap3A_724, %swap3A_725] {strides = array<i32>} : memref<2x4x12x320xf32, #tpu.memory_space<vmem>>, vector<1x1x1x16xf32>,
          %swap3A_727 = vector.shape_cast %swap3A_726 : vector<1x1x1x16xf32> to vector<16xf32>
          %swap3A_728 = vector.shape_cast %get3A_721 : vector<16xf32> to vector<1x1x1x16xf32>
          tpu.vector_store %arg9[%swap3A_722, %swap3A_723, %swap3A_724, %swap3A_725], %swap3A_728 {strides = array<i32>} : memref<2x4x12x320xf32, #tpu.memory_space<vmem>>, vector<1x1x1x16xf32>,
          %add3A_729 = arith.constant 48 : i32
          %add3A_730 = arith.addi %multiple_of3A, %add3A_729 : i32
          %get3A_731 = arith.constant 0 : i32
          %get3A_732 = arith.constant 1 : i32
          %get3A_733 = arith.index_cast %get3A_731 : i32 to index
          %get3A_734 = arith.index_cast %get3A_732 : i32 to index
          %get3A_735 = arith.index_cast %add3A_540 : i32 to index
          %get3A_736 = arith.index_cast %add3A_730 : i32 to index
          %get3A_737 = tpu.vector_load %arg8[%get3A_733, %get3A_734, %get3A_735, %get3A_736] {strides = array<i32>} : memref<2x4x8x768xf32, #tpu.memory_space<vmem>>, vector<1x1x1x16xf32>,
          %get3A_738 = vector.shape_cast %get3A_737 : vector<1x1x1x16xf32> to vector<16xf32>
          %swap3A_739 = arith.index_cast %rem3A_276 : i32 to index
          %swap3A_740 = arith.index_cast %scan3A_537 : i32 to index
          %swap3A_741 = arith.index_cast %scan3A_548 : i32 to index
          %swap3A_742 = arith.constant 176 : index
          %swap3A_743 = tpu.vector_load %arg9[%swap3A_739, %swap3A_740, %swap3A_741, %swap3A_742] {strides = array<i32>} : memref<2x4x12x320xf32, #tpu.memory_space<vmem>>, vector<1x1x1x16xf32>,
          %swap3A_744 = vector.shape_cast %swap3A_743 : vector<1x1x1x16xf32> to vector<16xf32>
          %swap3A_745 = vector.shape_cast %get3A_738 : vector<16xf32> to vector<1x1x1x16xf32>
          tpu.vector_store %arg9[%swap3A_739, %swap3A_740, %swap3A_741, %swap3A_742], %swap3A_745 {strides = array<i32>} : memref<2x4x12x320xf32, #tpu.memory_space<vmem>>, vector<1x1x1x16xf32>,
          %add3A_746 = arith.constant 0 : i32
          %add3A_747 = arith.addi %multiple_of3A, %add3A_746 : i32
          %get3A_748 = arith.constant 0 : i32
          %get3A_749 = arith.constant 2 : i32
          %get3A_750 = arith.index_cast %get3A_748 : i32 to index
          %get3A_751 = arith.index_cast %get3A_749 : i32 to index
          %get3A_752 = arith.index_cast %add3A_540 : i32 to index
          %get3A_753 = arith.index_cast %add3A_747 : i32 to index
          %get3A_754 = tpu.vector_load %arg8[%get3A_750, %get3A_751, %get3A_752, %get3A_753] {strides = array<i32>} : memref<2x4x8x768xf32, #tpu.memory_space<vmem>>, vector<1x1x1x16xf32>,
          %get3A_755 = vector.shape_cast %get3A_754 : vector<1x1x1x16xf32> to vector<16xf32>
          %swap3A_756 = arith.index_cast %rem3A_276 : i32 to index
          %swap3A_757 = arith.index_cast %scan3A_537 : i32 to index
          %swap3A_758 = arith.index_cast %scan3A_548 : i32 to index
          %swap3A_759 = arith.constant 192 : index
          %swap3A_760 = tpu.vector_load %arg9[%swap3A_756, %swap3A_757, %swap3A_758, %swap3A_759] {strides = array<i32>} : memref<2x4x12x320xf32, #tpu.memory_space<vmem>>, vector<1x1x1x16xf32>,
          %swap3A_761 = vector.shape_cast %swap3A_760 : vector<1x1x1x16xf32> to vector<16xf32>
          %swap3A_762 = vector.shape_cast %get3A_755 : vector<16xf32> to vector<1x1x1x16xf32>
          tpu.vector_store %arg9[%swap3A_756, %swap3A_757, %swap3A_758, %swap3A_759], %swap3A_762 {strides = array<i32>} : memref<2x4x12x320xf32, #tpu.memory_space<vmem>>, vector<1x1x1x16xf32>,
          %add3A_763 = arith.constant 16 : i32
          %add3A_764 = arith.addi %multiple_of3A, %add3A_763 : i32
          %get3A_765 = arith.constant 0 : i32
          %get3A_766 = arith.constant 2 : i32
          %get3A_767 = arith.index_cast %get3A_765 : i32 to index
          %get3A_768 = arith.index_cast %get3A_766 : i32 to index
          %get3A_769 = arith.index_cast %add3A_540 : i32 to index
          %get3A_770 = arith.index_cast %add3A_764 : i32 to index
          %get3A_771 = tpu.vector_load %arg8[%get3A_767, %get3A_768, %get3A_769, %get3A_770] {strides = array<i32>} : memref<2x4x8x768xf32, #tpu.memory_space<vmem>>, vector<1x1x1x16xf32>,
          %get3A_772 = vector.shape_cast %get3A_771 : vector<1x1x1x16xf32> to vector<16xf32>
          %swap3A_773 = arith.index_cast %rem3A_276 : i32 to index
          %swap3A_774 = arith.index_cast %scan3A_537 : i32 to index
          %swap3A_775 = arith.index_cast %scan3A_548 : i32 to index
          %swap3A_776 = arith.constant 208 : index
          %swap3A_777 = tpu.vector_load %arg9[%swap3A_773, %swap3A_774, %swap3A_775, %swap3A_776] {strides = array<i32>} : memref<2x4x12x320xf32, #tpu.memory_space<vmem>>, vector<1x1x1x16xf32>,
          %swap3A_778 = vector.shape_cast %swap3A_777 : vector<1x1x1x16xf32> to vector<16xf32>
          %swap3A_779 = vector.shape_cast %get3A_772 : vector<16xf32> to vector<1x1x1x16xf32>
          tpu.vector_store %arg9[%swap3A_773, %swap3A_774, %swap3A_775, %swap3A_776], %swap3A_779 {strides = array<i32>} : memref<2x4x12x320xf32, #tpu.memory_space<vmem>>, vector<1x1x1x16xf32>,
          %add3A_780 = arith.constant 32 : i32
          %add3A_781 = arith.addi %multiple_of3A, %add3A_780 : i32
          %get3A_782 = arith.constant 0 : i32
          %get3A_783 = arith.constant 2 : i32
          %get3A_784 = arith.index_cast %get3A_782 : i32 to index
          %get3A_785 = arith.index_cast %get3A_783 : i32 to index
          %get3A_786 = arith.index_cast %add3A_540 : i32 to index
          %get3A_787 = arith.index_cast %add3A_781 : i32 to index
          %get3A_788 = tpu.vector_load %arg8[%get3A_784, %get3A_785, %get3A_786, %get3A_787] {strides = array<i32>} : memref<2x4x8x768xf32, #tpu.memory_space<vmem>>, vector<1x1x1x16xf32>,
          %get3A_789 = vector.shape_cast %get3A_788 : vector<1x1x1x16xf32> to vector<16xf32>
          %swap3A_790 = arith.index_cast %rem3A_276 : i32 to index
          %swap3A_791 = arith.index_cast %scan3A_537 : i32 to index
          %swap3A_792 = arith.index_cast %scan3A_548 : i32 to index
          %swap3A_793 = arith.constant 224 : index
          %swap3A_794 = tpu.vector_load %arg9[%swap3A_790, %swap3A_791, %swap3A_792, %swap3A_793] {strides = array<i32>} : memref<2x4x12x320xf32, #tpu.memory_space<vmem>>, vector<1x1x1x16xf32>,
          %swap3A_795 = vector.shape_cast %swap3A_794 : vector<1x1x1x16xf32> to vector<16xf32>
          %swap3A_796 = vector.shape_cast %get3A_789 : vector<16xf32> to vector<1x1x1x16xf32>
          tpu.vector_store %arg9[%swap3A_790, %swap3A_791, %swap3A_792, %swap3A_793], %swap3A_796 {strides = array<i32>} : memref<2x4x12x320xf32, #tpu.memory_space<vmem>>, vector<1x1x1x16xf32>,
          %add3A_797 = arith.constant 48 : i32
          %add3A_798 = arith.addi %multiple_of3A, %add3A_797 : i32
          %get3A_799 = arith.constant 0 : i32
          %get3A_800 = arith.constant 2 : i32
          %get3A_801 = arith.index_cast %get3A_799 : i32 to index
          %get3A_802 = arith.index_cast %get3A_800 : i32 to index
          %get3A_803 = arith.index_cast %add3A_540 : i32 to index
          %get3A_804 = arith.index_cast %add3A_798 : i32 to index
          %get3A_805 = tpu.vector_load %arg8[%get3A_801, %get3A_802, %get3A_803, %get3A_804] {strides = array<i32>} : memref<2x4x8x768xf32, #tpu.memory_space<vmem>>, vector<1x1x1x16xf32>,
          %get3A_806 = vector.shape_cast %get3A_805 : vector<1x1x1x16xf32> to vector<16xf32>
          %swap3A_807 = arith.index_cast %rem3A_276 : i32 to index
          %swap3A_808 = arith.index_cast %scan3A_537 : i32 to index
          %swap3A_809 = arith.index_cast %scan3A_548 : i32 to index
          %swap3A_810 = arith.constant 240 : index
          %swap3A_811 = tpu.vector_load %arg9[%swap3A_807, %swap3A_808, %swap3A_809, %swap3A_810] {strides = array<i32>} : memref<2x4x12x320xf32, #tpu.memory_space<vmem>>, vector<1x1x1x16xf32>,
          %swap3A_812 = vector.shape_cast %swap3A_811 : vector<1x1x1x16xf32> to vector<16xf32>
          %swap3A_813 = vector.shape_cast %get3A_806 : vector<16xf32> to vector<1x1x1x16xf32>
          tpu.vector_store %arg9[%swap3A_807, %swap3A_808, %swap3A_809, %swap3A_810], %swap3A_813 {strides = array<i32>} : memref<2x4x12x320xf32, #tpu.memory_space<vmem>>, vector<1x1x1x16xf32>,
          %add3A_814 = arith.constant 0 : i32
          %add3A_815 = arith.addi %multiple_of3A, %add3A_814 : i32
          %get3A_816 = arith.constant 0 : i32
          %get3A_817 = arith.constant 3 : i32
          %get3A_818 = arith.index_cast %get3A_816 : i32 to index
          %get3A_819 = arith.index_cast %get3A_817 : i32 to index
          %get3A_820 = arith.index_cast %add3A_540 : i32 to index
          %get3A_821 = arith.index_cast %add3A_815 : i32 to index
          %get3A_822 = tpu.vector_load %arg8[%get3A_818, %get3A_819, %get3A_820, %get3A_821] {strides = array<i32>} : memref<2x4x8x768xf32, #tpu.memory_space<vmem>>, vector<1x1x1x16xf32>,
          %get3A_823 = vector.shape_cast %get3A_822 : vector<1x1x1x16xf32> to vector<16xf32>
          %swap3A_824 = arith.index_cast %rem3A_276 : i32 to index
          %swap3A_825 = arith.index_cast %scan3A_537 : i32 to index
          %swap3A_826 = arith.index_cast %scan3A_548 : i32 to index
          %swap3A_827 = arith.constant 256 : index
          %swap3A_828 = tpu.vector_load %arg9[%swap3A_824, %swap3A_825, %swap3A_826, %swap3A_827] {strides = array<i32>} : memref<2x4x12x320xf32, #tpu.memory_space<vmem>>, vector<1x1x1x16xf32>,
          %swap3A_829 = vector.shape_cast %swap3A_828 : vector<1x1x1x16xf32> to vector<16xf32>
          %swap3A_830 = vector.shape_cast %get3A_823 : vector<16xf32> to vector<1x1x1x16xf32>
          tpu.vector_store %arg9[%swap3A_824, %swap3A_825, %swap3A_826, %swap3A_827], %swap3A_830 {strides = array<i32>} : memref<2x4x12x320xf32, #tpu.memory_space<vmem>>, vector<1x1x1x16xf32>,
          %add3A_831 = arith.constant 16 : i32
          %add3A_832 = arith.addi %multiple_of3A, %add3A_831 : i32
          %get3A_833 = arith.constant 0 : i32
          %get3A_834 = arith.constant 3 : i32
          %get3A_835 = arith.index_cast %get3A_833 : i32 to index
          %get3A_836 = arith.index_cast %get3A_834 : i32 to index
          %get3A_837 = arith.index_cast %add3A_540 : i32 to index
          %get3A_838 = arith.index_cast %add3A_832 : i32 to index
          %get3A_839 = tpu.vector_load %arg8[%get3A_835, %get3A_836, %get3A_837, %get3A_838] {strides = array<i32>} : memref<2x4x8x768xf32, #tpu.memory_space<vmem>>, vector<1x1x1x16xf32>,
          %get3A_840 = vector.shape_cast %get3A_839 : vector<1x1x1x16xf32> to vector<16xf32>
          %swap3A_841 = arith.index_cast %rem3A_276 : i32 to index
          %swap3A_842 = arith.index_cast %scan3A_537 : i32 to index
          %swap3A_843 = arith.index_cast %scan3A_548 : i32 to index
          %swap3A_844 = arith.constant 272 : index
          %swap3A_845 = tpu.vector_load %arg9[%swap3A_841, %swap3A_842, %swap3A_843, %swap3A_844] {strides = array<i32>} : memref<2x4x12x320xf32, #tpu.memory_space<vmem>>, vector<1x1x1x16xf32>,
          %swap3A_846 = vector.shape_cast %swap3A_845 : vector<1x1x1x16xf32> to vector<16xf32>
          %swap3A_847 = vector.shape_cast %get3A_840 : vector<16xf32> to vector<1x1x1x16xf32>
          tpu.vector_store %arg9[%swap3A_841, %swap3A_842, %swap3A_843, %swap3A_844], %swap3A_847 {strides = array<i32>} : memref<2x4x12x320xf32, #tpu.memory_space<vmem>>, vector<1x1x1x16xf32>,
          %add3A_848 = arith.constant 32 : i32
          %add3A_849 = arith.addi %multiple_of3A, %add3A_848 : i32
          %get3A_850 = arith.constant 0 : i32
          %get3A_851 = arith.constant 3 : i32
          %get3A_852 = arith.index_cast %get3A_850 : i32 to index
          %get3A_853 = arith.index_cast %get3A_851 : i32 to index
          %get3A_854 = arith.index_cast %add3A_540 : i32 to index
          %get3A_855 = arith.index_cast %add3A_849 : i32 to index
          %get3A_856 = tpu.vector_load %arg8[%get3A_852, %get3A_853, %get3A_854, %get3A_855] {strides = array<i32>} : memref<2x4x8x768xf32, #tpu.memory_space<vmem>>, vector<1x1x1x16xf32>,
          %get3A_857 = vector.shape_cast %get3A_856 : vector<1x1x1x16xf32> to vector<16xf32>
          %swap3A_858 = arith.index_cast %rem3A_276 : i32 to index
          %swap3A_859 = arith.index_cast %scan3A_537 : i32 to index
          %swap3A_860 = arith.index_cast %scan3A_548 : i32 to index
          %swap3A_861 = arith.constant 288 : index
          %swap3A_862 = tpu.vector_load %arg9[%swap3A_858, %swap3A_859, %swap3A_860, %swap3A_861] {strides = array<i32>} : memref<2x4x12x320xf32, #tpu.memory_space<vmem>>, vector<1x1x1x16xf32>,
          %swap3A_863 = vector.shape_cast %swap3A_862 : vector<1x1x1x16xf32> to vector<16xf32>
          %swap3A_864 = vector.shape_cast %get3A_857 : vector<16xf32> to vector<1x1x1x16xf32>
          tpu.vector_store %arg9[%swap3A_858, %swap3A_859, %swap3A_860, %swap3A_861], %swap3A_864 {strides = array<i32>} : memref<2x4x12x320xf32, #tpu.memory_space<vmem>>, vector<1x1x1x16xf32>,
          %add3A_865 = arith.constant 48 : i32
          %add3A_866 = arith.addi %multiple_of3A, %add3A_865 : i32
          %get3A_867 = arith.constant 0 : i32
          %get3A_868 = arith.constant 3 : i32
          %get3A_869 = arith.index_cast %get3A_867 : i32 to index
          %get3A_870 = arith.index_cast %get3A_868 : i32 to index
          %get3A_871 = arith.index_cast %add3A_540 : i32 to index
          %get3A_872 = arith.index_cast %add3A_866 : i32 to index
          %get3A_873 = tpu.vector_load %arg8[%get3A_869, %get3A_870, %get3A_871, %get3A_872] {strides = array<i32>} : memref<2x4x8x768xf32, #tpu.memory_space<vmem>>, vector<1x1x1x16xf32>,
          %get3A_874 = vector.shape_cast %get3A_873 : vector<1x1x1x16xf32> to vector<16xf32>
          %swap3A_875 = arith.index_cast %rem3A_276 : i32 to index
          %swap3A_876 = arith.index_cast %scan3A_537 : i32 to index
          %swap3A_877 = arith.index_cast %scan3A_548 : i32 to index
          %swap3A_878 = arith.constant 304 : index
          %swap3A_879 = tpu.vector_load %arg9[%swap3A_875, %swap3A_876, %swap3A_877, %swap3A_878] {strides = array<i32>} : memref<2x4x12x320xf32, #tpu.memory_space<vmem>>, vector<1x1x1x16xf32>,
          %swap3A_880 = vector.shape_cast %swap3A_879 : vector<1x1x1x16xf32> to vector<16xf32>
          %swap3A_881 = vector.shape_cast %get3A_874 : vector<16xf32> to vector<1x1x1x16xf32>
          tpu.vector_store %arg9[%swap3A_875, %swap3A_876, %swap3A_877, %swap3A_878], %swap3A_881 {strides = array<i32>} : memref<2x4x12x320xf32, #tpu.memory_space<vmem>>, vector<1x1x1x16xf32>,
          %scan3A_882 = arith.constant 0 : i32
          scf.yield %scan3A_882 : i32
        }
        %scan3A_547 = arith.constant 12 : i32
        scf.yield %scan3A_546 : i32
      }
      %scan3A_287 = arith.constant 4 : i32
      %mul3A_288 = arith.constant 8 : i32
      %mul3A_289 = arith.muli %add3A_174, %mul3A_288 : i32
      %add3A_290 = arith.addi %mul3A_32, %mul3A_289 : i32
      %add3A_291 = arith.constant 0 : i32
      %add3A_292 = arith.addi %add3A_290, %add3A_291 : i32
      %dma_start3A_293 = arith.constant 0 : i32
      %dma_start3A_294 = arith.constant 0 : i32
      %dma_start3A_295 = arith.constant 0 : i32
      %dma_start3A_296 = tpu.memref_slice %arg9[%rem3A_276, %dma_start3A_293, %dma_start3A_294, %dma_start3A_295] : memref<2x4x12x320xf32, #tpu.memory_space<vmem>> -> memref<1x4x12x320xf32, #tpu.memory_space<vmem>>
      %dma_start3A_297 = tpu.memref_squeeze %dma_start3A_296 : memref<1x4x12x320xf32, #tpu.memory_space<vmem>> -> memref<4x12x320xf32, #tpu.memory_space<vmem>>
      %dma_start3A_298 = arith.constant 0 : i32
      %dma_start3A_299 = arith.constant 0 : i32
      %dma_start3A_300 = tpu.memref_slice %arg5[%select_n3A, %add3A_292, %dma_start3A_298, %dma_start3A_299] : memref<4x2048x12x320xf32, #tpu.memory_space<hbm>> -> memref<1x4x12x320xf32, #tpu.memory_space<hbm>>
      %dma_start3A_301 = tpu.memref_squeeze %dma_start3A_300 : memref<1x4x12x320xf32, #tpu.memory_space<hbm>> -> memref<4x12x320xf32, #tpu.memory_space<hbm>>
      %dma_start3A_302 = arith.constant 0 : i32
      %dma_start3A_303 = arith.constant 0 : i32
      %dma_start3A_304 = tpu.memref_slice %arg5[%select_n3A, %add3A_292, %dma_start3A_302, %dma_start3A_303] : memref<4x2048x12x320xf32, #tpu.memory_space<hbm>> -> memref<1x4x12x320xf32, #tpu.memory_space<hbm>>
      %dma_start3A_305 = tpu.memref_squeeze %dma_start3A_304 : memref<1x4x12x320xf32, #tpu.memory_space<hbm>> -> memref<4x12x320xf32, #tpu.memory_space<hbm>>
      %dma_start3A_306 = arith.constant 0 : i32
      %dma_start3A_307 = arith.constant 0 : i32
      %dma_start3A_308 = arith.constant 0 : i32
      %dma_start3A_309 = tpu.memref_slice %arg9[%rem3A_276, %dma_start3A_306, %dma_start3A_307, %dma_start3A_308] : memref<2x4x12x320xf32, #tpu.memory_space<vmem>> -> memref<1x4x12x320xf32, #tpu.memory_space<vmem>>
      %dma_start3A_310 = tpu.memref_squeeze %dma_start3A_309 : memref<1x4x12x320xf32, #tpu.memory_space<vmem>> -> memref<4x12x320xf32, #tpu.memory_space<vmem>>
      tpu.enqueue_dma source(%dma_start3A_310 : memref<4x12x320xf32, #tpu.memory_space<vmem>>) target(%dma_start3A_305 : memref<4x12x320xf32, #tpu.memory_space<hbm>>) target_semaphore(%arg12 : memref<!tpu.dma_semaphore, #tpu.memory_space<semaphore_mem>>)
      %mul3A_311 = arith.constant 2 : i32
      %mul3A_312 = arith.muli %mul3A_311, %add3A_174 : i32
      %add3A_313 = arith.constant 1 : i32
      %add3A_314 = arith.addi %mul3A_312, %add3A_313 : i32
      %rem3A_315 = arith.constant 2 : i32
      %rem3A_316 = arith.remsi %add3A_314, %rem3A_315 : i32
      %ge3A_317 = arith.constant 2 : i32
      %ge3A_318 = arith.cmpi sge, %add3A_314, %ge3A_317 : i32
      %convert_element_type3A_319 = arith.extui %ge3A_318 : i1 to i32
      %cond3A_320 = arith.constant 0 : i32
      %cond3A_321 = arith.cmpi ne, %convert_element_type3A_319, %cond3A_320 : i32
      scf.if %cond3A_321 {
        %mul3A_537 = arith.constant 8 : i32
        %mul3A_538 = arith.muli %add3A_174, %mul3A_537 : i32
        %add3A_539 = arith.addi %mul3A_32, %mul3A_538 : i32
        %add3A_540 = arith.constant 4 : i32
        %add3A_541 = arith.addi %add3A_539, %add3A_540 : i32
        %dma_wait3A_542 = arith.constant 0 : i32
        %dma_wait3A_543 = arith.constant 0 : i32
        %dma_wait3A_544 = arith.constant 0 : i32
        %dma_wait3A_545 = tpu.memref_slice %arg9[%rem3A_316, %dma_wait3A_542, %dma_wait3A_543, %dma_wait3A_544] : memref<2x4x12x320xf32, #tpu.memory_space<vmem>> -> memref<1x4x12x320xf32, #tpu.memory_space<vmem>>
        %dma_wait3A_546 = tpu.memref_squeeze %dma_wait3A_545 : memref<1x4x12x320xf32, #tpu.memory_space<vmem>> -> memref<4x12x320xf32, #tpu.memory_space<vmem>>
        %dma_wait3A_547 = arith.constant 0 : i32
        %dma_wait3A_548 = arith.constant 0 : i32
        %dma_wait3A_549 = tpu.memref_slice %arg5[%select_n3A, %add3A_541, %dma_wait3A_547, %dma_wait3A_548] : memref<4x2048x12x320xf32, #tpu.memory_space<hbm>> -> memref<1x4x12x320xf32, #tpu.memory_space<hbm>>
        %dma_wait3A_550 = tpu.memref_squeeze %dma_wait3A_549 : memref<1x4x12x320xf32, #tpu.memory_space<hbm>> -> memref<4x12x320xf32, #tpu.memory_space<hbm>>
        %dma_wait3A_551 = arith.constant 0 : i32
        %dma_wait3A_552 = arith.constant 0 : i32
        %dma_wait3A_553 = tpu.memref_slice %arg5[%select_n3A, %add3A_541, %dma_wait3A_551, %dma_wait3A_552] : memref<4x2048x12x320xf32, #tpu.memory_space<hbm>> -> memref<1x4x12x320xf32, #tpu.memory_space<hbm>>
        %dma_wait3A_554 = tpu.memref_squeeze %dma_wait3A_553 : memref<1x4x12x320xf32, #tpu.memory_space<hbm>> -> memref<4x12x320xf32, #tpu.memory_space<hbm>>
        %dma_wait3A_555 = arith.constant 0 : i32
        %dma_wait3A_556 = arith.constant 0 : i32
        %dma_wait3A_557 = arith.constant 0 : i32
        %dma_wait3A_558 = tpu.memref_slice %arg9[%rem3A_316, %dma_wait3A_555, %dma_wait3A_556, %dma_wait3A_557] : memref<2x4x12x320xf32, #tpu.memory_space<vmem>> -> memref<1x4x12x320xf32, #tpu.memory_space<vmem>>
        %dma_wait3A_559 = tpu.memref_squeeze %dma_wait3A_558 : memref<1x4x12x320xf32, #tpu.memory_space<vmem>> -> memref<4x12x320xf32, #tpu.memory_space<vmem>>
        tpu.wait_dma2 semaphore(%arg12 : memref<!tpu.dma_semaphore, #tpu.memory_space<semaphore_mem>>) src(%dma_wait3A_559 : memref<4x12x320xf32, #tpu.memory_space<vmem>>) dst(%dma_wait3A_554 : memref<4x12x320xf32, #tpu.memory_space<hbm>>)
      } else {
      }
      %scan3A_322 = arith.constant 0 : i32
      %scan3A_323 = arith.constant 0 : i32
      %scan3A_324 = arith.constant 4 : i32
      %scan3A_325 = arith.addi %scan3A_323, %scan3A_324 : i32
      %scan3A_326 = arith.constant 1 : i32
      %scan3A_327 = scf.for %scan3A_537 = %scan3A_323 to %scan3A_325 step %scan3A_326 iter_args(%scan3A_538 = %scan3A_322) -> (i32)  : i32 {
        %add3A_539 = arith.constant 4 : i32
        %add3A_540 = arith.addi %add3A_539, %scan3A_537 : i32
        %scan3A_541 = arith.constant 0 : i32
        %scan3A_542 = arith.constant 0 : i32
        %scan3A_543 = arith.constant 12 : i32
        %scan3A_544 = arith.addi %scan3A_542, %scan3A_543 : i32
        %scan3A_545 = arith.constant 1 : i32
        %scan3A_546 = scf.for %scan3A_548 = %scan3A_542 to %scan3A_544 step %scan3A_545 iter_args(%scan3A_549 = %scan3A_541) -> (i32)  : i32 {
          %mul3A_550 = arith.constant 64 : i32
          %mul3A_551 = arith.muli %scan3A_548, %mul3A_550 : i32
          %multiple_of3A = tpu.assume_multiple %mul3A_551, 16 : i32
          %add3A_552 = arith.constant 0 : i32
          %add3A_553 = arith.addi %multiple_of3A, %add3A_552 : i32
          %get3A = arith.constant 0 : i32
          %get3A_554 = arith.index_cast %get3A : i32 to index
          %get3A_555 = arith.index_cast %add3A_540 : i32 to index
          %get3A_556 = arith.index_cast %add3A_553 : i32 to index
          %get3A_557 = tpu.vector_load %arg7[%get3A_554, %get3A_555, %get3A_556] {strides = array<i32>} : memref<2x8x768xf32, #tpu.memory_space<vmem>>, vector<1x1x16xf32>,
          %get3A_558 = vector.shape_cast %get3A_557 : vector<1x1x16xf32> to vector<16xf32>
          %swap3A = arith.index_cast %rem3A_316 : i32 to index
          %swap3A_559 = arith.index_cast %scan3A_537 : i32 to index
          %swap3A_560 = arith.index_cast %scan3A_548 : i32 to index
          %swap3A_561 = arith.constant 0 : index
          %swap3A_562 = tpu.vector_load %arg9[%swap3A, %swap3A_559, %swap3A_560, %swap3A_561] {strides = array<i32>} : memref<2x4x12x320xf32, #tpu.memory_space<vmem>>, vector<1x1x1x16xf32>,
          %swap3A_563 = vector.shape_cast %swap3A_562 : vector<1x1x1x16xf32> to vector<16xf32>
          %swap3A_564 = vector.shape_cast %get3A_558 : vector<16xf32> to vector<1x1x1x16xf32>
          tpu.vector_store %arg9[%swap3A, %swap3A_559, %swap3A_560, %swap3A_561], %swap3A_564 {strides = array<i32>} : memref<2x4x12x320xf32, #tpu.memory_space<vmem>>, vector<1x1x1x16xf32>,
          %add3A_565 = arith.constant 16 : i32
          %add3A_566 = arith.addi %multiple_of3A, %add3A_565 : i32
          %get3A_567 = arith.constant 0 : i32
          %get3A_568 = arith.index_cast %get3A_567 : i32 to index
          %get3A_569 = arith.index_cast %add3A_540 : i32 to index
          %get3A_570 = arith.index_cast %add3A_566 : i32 to index
          %get3A_571 = tpu.vector_load %arg7[%get3A_568, %get3A_569, %get3A_570] {strides = array<i32>} : memref<2x8x768xf32, #tpu.memory_space<vmem>>, vector<1x1x16xf32>,
          %get3A_572 = vector.shape_cast %get3A_571 : vector<1x1x16xf32> to vector<16xf32>
          %swap3A_573 = arith.index_cast %rem3A_316 : i32 to index
          %swap3A_574 = arith.index_cast %scan3A_537 : i32 to index
          %swap3A_575 = arith.index_cast %scan3A_548 : i32 to index
          %swap3A_576 = arith.constant 16 : index
          %swap3A_577 = tpu.vector_load %arg9[%swap3A_573, %swap3A_574, %swap3A_575, %swap3A_576] {strides = array<i32>} : memref<2x4x12x320xf32, #tpu.memory_space<vmem>>, vector<1x1x1x16xf32>,
          %swap3A_578 = vector.shape_cast %swap3A_577 : vector<1x1x1x16xf32> to vector<16xf32>
          %swap3A_579 = vector.shape_cast %get3A_572 : vector<16xf32> to vector<1x1x1x16xf32>
          tpu.vector_store %arg9[%swap3A_573, %swap3A_574, %swap3A_575, %swap3A_576], %swap3A_579 {strides = array<i32>} : memref<2x4x12x320xf32, #tpu.memory_space<vmem>>, vector<1x1x1x16xf32>,
          %add3A_580 = arith.constant 32 : i32
          %add3A_581 = arith.addi %multiple_of3A, %add3A_580 : i32
          %get3A_582 = arith.constant 0 : i32
          %get3A_583 = arith.index_cast %get3A_582 : i32 to index
          %get3A_584 = arith.index_cast %add3A_540 : i32 to index
          %get3A_585 = arith.index_cast %add3A_581 : i32 to index
          %get3A_586 = tpu.vector_load %arg7[%get3A_583, %get3A_584, %get3A_585] {strides = array<i32>} : memref<2x8x768xf32, #tpu.memory_space<vmem>>, vector<1x1x16xf32>,
          %get3A_587 = vector.shape_cast %get3A_586 : vector<1x1x16xf32> to vector<16xf32>
          %swap3A_588 = arith.index_cast %rem3A_316 : i32 to index
          %swap3A_589 = arith.index_cast %scan3A_537 : i32 to index
          %swap3A_590 = arith.index_cast %scan3A_548 : i32 to index
          %swap3A_591 = arith.constant 32 : index
          %swap3A_592 = tpu.vector_load %arg9[%swap3A_588, %swap3A_589, %swap3A_590, %swap3A_591] {strides = array<i32>} : memref<2x4x12x320xf32, #tpu.memory_space<vmem>>, vector<1x1x1x16xf32>,
          %swap3A_593 = vector.shape_cast %swap3A_592 : vector<1x1x1x16xf32> to vector<16xf32>
          %swap3A_594 = vector.shape_cast %get3A_587 : vector<16xf32> to vector<1x1x1x16xf32>
          tpu.vector_store %arg9[%swap3A_588, %swap3A_589, %swap3A_590, %swap3A_591], %swap3A_594 {strides = array<i32>} : memref<2x4x12x320xf32, #tpu.memory_space<vmem>>, vector<1x1x1x16xf32>,
          %add3A_595 = arith.constant 48 : i32
          %add3A_596 = arith.addi %multiple_of3A, %add3A_595 : i32
          %get3A_597 = arith.constant 0 : i32
          %get3A_598 = arith.index_cast %get3A_597 : i32 to index
          %get3A_599 = arith.index_cast %add3A_540 : i32 to index
          %get3A_600 = arith.index_cast %add3A_596 : i32 to index
          %get3A_601 = tpu.vector_load %arg7[%get3A_598, %get3A_599, %get3A_600] {strides = array<i32>} : memref<2x8x768xf32, #tpu.memory_space<vmem>>, vector<1x1x16xf32>,
          %get3A_602 = vector.shape_cast %get3A_601 : vector<1x1x16xf32> to vector<16xf32>
          %swap3A_603 = arith.index_cast %rem3A_316 : i32 to index
          %swap3A_604 = arith.index_cast %scan3A_537 : i32 to index
          %swap3A_605 = arith.index_cast %scan3A_548 : i32 to index
          %swap3A_606 = arith.constant 48 : index
          %swap3A_607 = tpu.vector_load %arg9[%swap3A_603, %swap3A_604, %swap3A_605, %swap3A_606] {strides = array<i32>} : memref<2x4x12x320xf32, #tpu.memory_space<vmem>>, vector<1x1x1x16xf32>,
          %swap3A_608 = vector.shape_cast %swap3A_607 : vector<1x1x1x16xf32> to vector<16xf32>
          %swap3A_609 = vector.shape_cast %get3A_602 : vector<16xf32> to vector<1x1x1x16xf32>
          tpu.vector_store %arg9[%swap3A_603, %swap3A_604, %swap3A_605, %swap3A_606], %swap3A_609 {strides = array<i32>} : memref<2x4x12x320xf32, #tpu.memory_space<vmem>>, vector<1x1x1x16xf32>,
          %add3A_610 = arith.constant 0 : i32
          %add3A_611 = arith.addi %multiple_of3A, %add3A_610 : i32
          %get3A_612 = arith.constant 0 : i32
          %get3A_613 = arith.constant 0 : i32
          %get3A_614 = arith.index_cast %get3A_612 : i32 to index
          %get3A_615 = arith.index_cast %get3A_613 : i32 to index
          %get3A_616 = arith.index_cast %add3A_540 : i32 to index
          %get3A_617 = arith.index_cast %add3A_611 : i32 to index
          %get3A_618 = tpu.vector_load %arg8[%get3A_614, %get3A_615, %get3A_616, %get3A_617] {strides = array<i32>} : memref<2x4x8x768xf32, #tpu.memory_space<vmem>>, vector<1x1x1x16xf32>,
          %get3A_619 = vector.shape_cast %get3A_618 : vector<1x1x1x16xf32> to vector<16xf32>
          %swap3A_620 = arith.index_cast %rem3A_316 : i32 to index
          %swap3A_621 = arith.index_cast %scan3A_537 : i32 to index
          %swap3A_622 = arith.index_cast %scan3A_548 : i32 to index
          %swap3A_623 = arith.constant 64 : index
          %swap3A_624 = tpu.vector_load %arg9[%swap3A_620, %swap3A_621, %swap3A_622, %swap3A_623] {strides = array<i32>} : memref<2x4x12x320xf32, #tpu.memory_space<vmem>>, vector<1x1x1x16xf32>,
          %swap3A_625 = vector.shape_cast %swap3A_624 : vector<1x1x1x16xf32> to vector<16xf32>
          %swap3A_626 = vector.shape_cast %get3A_619 : vector<16xf32> to vector<1x1x1x16xf32>
          tpu.vector_store %arg9[%swap3A_620, %swap3A_621, %swap3A_622, %swap3A_623], %swap3A_626 {strides = array<i32>} : memref<2x4x12x320xf32, #tpu.memory_space<vmem>>, vector<1x1x1x16xf32>,
          %add3A_627 = arith.constant 16 : i32
          %add3A_628 = arith.addi %multiple_of3A, %add3A_627 : i32
          %get3A_629 = arith.constant 0 : i32
          %get3A_630 = arith.constant 0 : i32
          %get3A_631 = arith.index_cast %get3A_629 : i32 to index
          %get3A_632 = arith.index_cast %get3A_630 : i32 to index
          %get3A_633 = arith.index_cast %add3A_540 : i32 to index
          %get3A_634 = arith.index_cast %add3A_628 : i32 to index
          %get3A_635 = tpu.vector_load %arg8[%get3A_631, %get3A_632, %get3A_633, %get3A_634] {strides = array<i32>} : memref<2x4x8x768xf32, #tpu.memory_space<vmem>>, vector<1x1x1x16xf32>,
          %get3A_636 = vector.shape_cast %get3A_635 : vector<1x1x1x16xf32> to vector<16xf32>
          %swap3A_637 = arith.index_cast %rem3A_316 : i32 to index
          %swap3A_638 = arith.index_cast %scan3A_537 : i32 to index
          %swap3A_639 = arith.index_cast %scan3A_548 : i32 to index
          %swap3A_640 = arith.constant 80 : index
          %swap3A_641 = tpu.vector_load %arg9[%swap3A_637, %swap3A_638, %swap3A_639, %swap3A_640] {strides = array<i32>} : memref<2x4x12x320xf32, #tpu.memory_space<vmem>>, vector<1x1x1x16xf32>,
          %swap3A_642 = vector.shape_cast %swap3A_641 : vector<1x1x1x16xf32> to vector<16xf32>
          %swap3A_643 = vector.shape_cast %get3A_636 : vector<16xf32> to vector<1x1x1x16xf32>
          tpu.vector_store %arg9[%swap3A_637, %swap3A_638, %swap3A_639, %swap3A_640], %swap3A_643 {strides = array<i32>} : memref<2x4x12x320xf32, #tpu.memory_space<vmem>>, vector<1x1x1x16xf32>,
          %add3A_644 = arith.constant 32 : i32
          %add3A_645 = arith.addi %multiple_of3A, %add3A_644 : i32
          %get3A_646 = arith.constant 0 : i32
          %get3A_647 = arith.constant 0 : i32
          %get3A_648 = arith.index_cast %get3A_646 : i32 to index
          %get3A_649 = arith.index_cast %get3A_647 : i32 to index
          %get3A_650 = arith.index_cast %add3A_540 : i32 to index
          %get3A_651 = arith.index_cast %add3A_645 : i32 to index
          %get3A_652 = tpu.vector_load %arg8[%get3A_648, %get3A_649, %get3A_650, %get3A_651] {strides = array<i32>} : memref<2x4x8x768xf32, #tpu.memory_space<vmem>>, vector<1x1x1x16xf32>,
          %get3A_653 = vector.shape_cast %get3A_652 : vector<1x1x1x16xf32> to vector<16xf32>
          %swap3A_654 = arith.index_cast %rem3A_316 : i32 to index
          %swap3A_655 = arith.index_cast %scan3A_537 : i32 to index
          %swap3A_656 = arith.index_cast %scan3A_548 : i32 to index
          %swap3A_657 = arith.constant 96 : index
          %swap3A_658 = tpu.vector_load %arg9[%swap3A_654, %swap3A_655, %swap3A_656, %swap3A_657] {strides = array<i32>} : memref<2x4x12x320xf32, #tpu.memory_space<vmem>>, vector<1x1x1x16xf32>,
          %swap3A_659 = vector.shape_cast %swap3A_658 : vector<1x1x1x16xf32> to vector<16xf32>
          %swap3A_660 = vector.shape_cast %get3A_653 : vector<16xf32> to vector<1x1x1x16xf32>
          tpu.vector_store %arg9[%swap3A_654, %swap3A_655, %swap3A_656, %swap3A_657], %swap3A_660 {strides = array<i32>} : memref<2x4x12x320xf32, #tpu.memory_space<vmem>>, vector<1x1x1x16xf32>,
          %add3A_661 = arith.constant 48 : i32
          %add3A_662 = arith.addi %multiple_of3A, %add3A_661 : i32
          %get3A_663 = arith.constant 0 : i32
          %get3A_664 = arith.constant 0 : i32
          %get3A_665 = arith.index_cast %get3A_663 : i32 to index
          %get3A_666 = arith.index_cast %get3A_664 : i32 to index
          %get3A_667 = arith.index_cast %add3A_540 : i32 to index
          %get3A_668 = arith.index_cast %add3A_662 : i32 to index
          %get3A_669 = tpu.vector_load %arg8[%get3A_665, %get3A_666, %get3A_667, %get3A_668] {strides = array<i32>} : memref<2x4x8x768xf32, #tpu.memory_space<vmem>>, vector<1x1x1x16xf32>,
          %get3A_670 = vector.shape_cast %get3A_669 : vector<1x1x1x16xf32> to vector<16xf32>
          %swap3A_671 = arith.index_cast %rem3A_316 : i32 to index
          %swap3A_672 = arith.index_cast %scan3A_537 : i32 to index
          %swap3A_673 = arith.index_cast %scan3A_548 : i32 to index
          %swap3A_674 = arith.constant 112 : index
          %swap3A_675 = tpu.vector_load %arg9[%swap3A_671, %swap3A_672, %swap3A_673, %swap3A_674] {strides = array<i32>} : memref<2x4x12x320xf32, #tpu.memory_space<vmem>>, vector<1x1x1x16xf32>,
          %swap3A_676 = vector.shape_cast %swap3A_675 : vector<1x1x1x16xf32> to vector<16xf32>
          %swap3A_677 = vector.shape_cast %get3A_670 : vector<16xf32> to vector<1x1x1x16xf32>
          tpu.vector_store %arg9[%swap3A_671, %swap3A_672, %swap3A_673, %swap3A_674], %swap3A_677 {strides = array<i32>} : memref<2x4x12x320xf32, #tpu.memory_space<vmem>>, vector<1x1x1x16xf32>,
          %add3A_678 = arith.constant 0 : i32
          %add3A_679 = arith.addi %multiple_of3A, %add3A_678 : i32
          %get3A_680 = arith.constant 0 : i32
          %get3A_681 = arith.constant 1 : i32
          %get3A_682 = arith.index_cast %get3A_680 : i32 to index
          %get3A_683 = arith.index_cast %get3A_681 : i32 to index
          %get3A_684 = arith.index_cast %add3A_540 : i32 to index
          %get3A_685 = arith.index_cast %add3A_679 : i32 to index
          %get3A_686 = tpu.vector_load %arg8[%get3A_682, %get3A_683, %get3A_684, %get3A_685] {strides = array<i32>} : memref<2x4x8x768xf32, #tpu.memory_space<vmem>>, vector<1x1x1x16xf32>,
          %get3A_687 = vector.shape_cast %get3A_686 : vector<1x1x1x16xf32> to vector<16xf32>
          %swap3A_688 = arith.index_cast %rem3A_316 : i32 to index
          %swap3A_689 = arith.index_cast %scan3A_537 : i32 to index
          %swap3A_690 = arith.index_cast %scan3A_548 : i32 to index
          %swap3A_691 = arith.constant 128 : index
          %swap3A_692 = tpu.vector_load %arg9[%swap3A_688, %swap3A_689, %swap3A_690, %swap3A_691] {strides = array<i32>} : memref<2x4x12x320xf32, #tpu.memory_space<vmem>>, vector<1x1x1x16xf32>,
          %swap3A_693 = vector.shape_cast %swap3A_692 : vector<1x1x1x16xf32> to vector<16xf32>
          %swap3A_694 = vector.shape_cast %get3A_687 : vector<16xf32> to vector<1x1x1x16xf32>
          tpu.vector_store %arg9[%swap3A_688, %swap3A_689, %swap3A_690, %swap3A_691], %swap3A_694 {strides = array<i32>} : memref<2x4x12x320xf32, #tpu.memory_space<vmem>>, vector<1x1x1x16xf32>,
          %add3A_695 = arith.constant 16 : i32
          %add3A_696 = arith.addi %multiple_of3A, %add3A_695 : i32
          %get3A_697 = arith.constant 0 : i32
          %get3A_698 = arith.constant 1 : i32
          %get3A_699 = arith.index_cast %get3A_697 : i32 to index
          %get3A_700 = arith.index_cast %get3A_698 : i32 to index
          %get3A_701 = arith.index_cast %add3A_540 : i32 to index
          %get3A_702 = arith.index_cast %add3A_696 : i32 to index
          %get3A_703 = tpu.vector_load %arg8[%get3A_699, %get3A_700, %get3A_701, %get3A_702] {strides = array<i32>} : memref<2x4x8x768xf32, #tpu.memory_space<vmem>>, vector<1x1x1x16xf32>,
          %get3A_704 = vector.shape_cast %get3A_703 : vector<1x1x1x16xf32> to vector<16xf32>
          %swap3A_705 = arith.index_cast %rem3A_316 : i32 to index
          %swap3A_706 = arith.index_cast %scan3A_537 : i32 to index
          %swap3A_707 = arith.index_cast %scan3A_548 : i32 to index
          %swap3A_708 = arith.constant 144 : index
          %swap3A_709 = tpu.vector_load %arg9[%swap3A_705, %swap3A_706, %swap3A_707, %swap3A_708] {strides = array<i32>} : memref<2x4x12x320xf32, #tpu.memory_space<vmem>>, vector<1x1x1x16xf32>,
          %swap3A_710 = vector.shape_cast %swap3A_709 : vector<1x1x1x16xf32> to vector<16xf32>
          %swap3A_711 = vector.shape_cast %get3A_704 : vector<16xf32> to vector<1x1x1x16xf32>
          tpu.vector_store %arg9[%swap3A_705, %swap3A_706, %swap3A_707, %swap3A_708], %swap3A_711 {strides = array<i32>} : memref<2x4x12x320xf32, #tpu.memory_space<vmem>>, vector<1x1x1x16xf32>,
          %add3A_712 = arith.constant 32 : i32
          %add3A_713 = arith.addi %multiple_of3A, %add3A_712 : i32
          %get3A_714 = arith.constant 0 : i32
          %get3A_715 = arith.constant 1 : i32
          %get3A_716 = arith.index_cast %get3A_714 : i32 to index
          %get3A_717 = arith.index_cast %get3A_715 : i32 to index
          %get3A_718 = arith.index_cast %add3A_540 : i32 to index
          %get3A_719 = arith.index_cast %add3A_713 : i32 to index
          %get3A_720 = tpu.vector_load %arg8[%get3A_716, %get3A_717, %get3A_718, %get3A_719] {strides = array<i32>} : memref<2x4x8x768xf32, #tpu.memory_space<vmem>>, vector<1x1x1x16xf32>,
          %get3A_721 = vector.shape_cast %get3A_720 : vector<1x1x1x16xf32> to vector<16xf32>
          %swap3A_722 = arith.index_cast %rem3A_316 : i32 to index
          %swap3A_723 = arith.index_cast %scan3A_537 : i32 to index
          %swap3A_724 = arith.index_cast %scan3A_548 : i32 to index
          %swap3A_725 = arith.constant 160 : index
          %swap3A_726 = tpu.vector_load %arg9[%swap3A_722, %swap3A_723, %swap3A_724, %swap3A_725] {strides = array<i32>} : memref<2x4x12x320xf32, #tpu.memory_space<vmem>>, vector<1x1x1x16xf32>,
          %swap3A_727 = vector.shape_cast %swap3A_726 : vector<1x1x1x16xf32> to vector<16xf32>
          %swap3A_728 = vector.shape_cast %get3A_721 : vector<16xf32> to vector<1x1x1x16xf32>
          tpu.vector_store %arg9[%swap3A_722, %swap3A_723, %swap3A_724, %swap3A_725], %swap3A_728 {strides = array<i32>} : memref<2x4x12x320xf32, #tpu.memory_space<vmem>>, vector<1x1x1x16xf32>,
          %add3A_729 = arith.constant 48 : i32
          %add3A_730 = arith.addi %multiple_of3A, %add3A_729 : i32
          %get3A_731 = arith.constant 0 : i32
          %get3A_732 = arith.constant 1 : i32
          %get3A_733 = arith.index_cast %get3A_731 : i32 to index
          %get3A_734 = arith.index_cast %get3A_732 : i32 to index
          %get3A_735 = arith.index_cast %add3A_540 : i32 to index
          %get3A_736 = arith.index_cast %add3A_730 : i32 to index
          %get3A_737 = tpu.vector_load %arg8[%get3A_733, %get3A_734, %get3A_735, %get3A_736] {strides = array<i32>} : memref<2x4x8x768xf32, #tpu.memory_space<vmem>>, vector<1x1x1x16xf32>,
          %get3A_738 = vector.shape_cast %get3A_737 : vector<1x1x1x16xf32> to vector<16xf32>
          %swap3A_739 = arith.index_cast %rem3A_316 : i32 to index
          %swap3A_740 = arith.index_cast %scan3A_537 : i32 to index
          %swap3A_741 = arith.index_cast %scan3A_548 : i32 to index
          %swap3A_742 = arith.constant 176 : index
          %swap3A_743 = tpu.vector_load %arg9[%swap3A_739, %swap3A_740, %swap3A_741, %swap3A_742] {strides = array<i32>} : memref<2x4x12x320xf32, #tpu.memory_space<vmem>>, vector<1x1x1x16xf32>,
          %swap3A_744 = vector.shape_cast %swap3A_743 : vector<1x1x1x16xf32> to vector<16xf32>
          %swap3A_745 = vector.shape_cast %get3A_738 : vector<16xf32> to vector<1x1x1x16xf32>
          tpu.vector_store %arg9[%swap3A_739, %swap3A_740, %swap3A_741, %swap3A_742], %swap3A_745 {strides = array<i32>} : memref<2x4x12x320xf32, #tpu.memory_space<vmem>>, vector<1x1x1x16xf32>,
          %add3A_746 = arith.constant 0 : i32
          %add3A_747 = arith.addi %multiple_of3A, %add3A_746 : i32
          %get3A_748 = arith.constant 0 : i32
          %get3A_749 = arith.constant 2 : i32
          %get3A_750 = arith.index_cast %get3A_748 : i32 to index
          %get3A_751 = arith.index_cast %get3A_749 : i32 to index
          %get3A_752 = arith.index_cast %add3A_540 : i32 to index
          %get3A_753 = arith.index_cast %add3A_747 : i32 to index
          %get3A_754 = tpu.vector_load %arg8[%get3A_750, %get3A_751, %get3A_752, %get3A_753] {strides = array<i32>} : memref<2x4x8x768xf32, #tpu.memory_space<vmem>>, vector<1x1x1x16xf32>,
          %get3A_755 = vector.shape_cast %get3A_754 : vector<1x1x1x16xf32> to vector<16xf32>
          %swap3A_756 = arith.index_cast %rem3A_316 : i32 to index
          %swap3A_757 = arith.index_cast %scan3A_537 : i32 to index
          %swap3A_758 = arith.index_cast %scan3A_548 : i32 to index
          %swap3A_759 = arith.constant 192 : index
          %swap3A_760 = tpu.vector_load %arg9[%swap3A_756, %swap3A_757, %swap3A_758, %swap3A_759] {strides = array<i32>} : memref<2x4x12x320xf32, #tpu.memory_space<vmem>>, vector<1x1x1x16xf32>,
          %swap3A_761 = vector.shape_cast %swap3A_760 : vector<1x1x1x16xf32> to vector<16xf32>
          %swap3A_762 = vector.shape_cast %get3A_755 : vector<16xf32> to vector<1x1x1x16xf32>
          tpu.vector_store %arg9[%swap3A_756, %swap3A_757, %swap3A_758, %swap3A_759], %swap3A_762 {strides = array<i32>} : memref<2x4x12x320xf32, #tpu.memory_space<vmem>>, vector<1x1x1x16xf32>,
          %add3A_763 = arith.constant 16 : i32
          %add3A_764 = arith.addi %multiple_of3A, %add3A_763 : i32
          %get3A_765 = arith.constant 0 : i32
          %get3A_766 = arith.constant 2 : i32
          %get3A_767 = arith.index_cast %get3A_765 : i32 to index
          %get3A_768 = arith.index_cast %get3A_766 : i32 to index
          %get3A_769 = arith.index_cast %add3A_540 : i32 to index
          %get3A_770 = arith.index_cast %add3A_764 : i32 to index
          %get3A_771 = tpu.vector_load %arg8[%get3A_767, %get3A_768, %get3A_769, %get3A_770] {strides = array<i32>} : memref<2x4x8x768xf32, #tpu.memory_space<vmem>>, vector<1x1x1x16xf32>,
          %get3A_772 = vector.shape_cast %get3A_771 : vector<1x1x1x16xf32> to vector<16xf32>
          %swap3A_773 = arith.index_cast %rem3A_316 : i32 to index
          %swap3A_774 = arith.index_cast %scan3A_537 : i32 to index
          %swap3A_775 = arith.index_cast %scan3A_548 : i32 to index
          %swap3A_776 = arith.constant 208 : index
          %swap3A_777 = tpu.vector_load %arg9[%swap3A_773, %swap3A_774, %swap3A_775, %swap3A_776] {strides = array<i32>} : memref<2x4x12x320xf32, #tpu.memory_space<vmem>>, vector<1x1x1x16xf32>,
          %swap3A_778 = vector.shape_cast %swap3A_777 : vector<1x1x1x16xf32> to vector<16xf32>
          %swap3A_779 = vector.shape_cast %get3A_772 : vector<16xf32> to vector<1x1x1x16xf32>
          tpu.vector_store %arg9[%swap3A_773, %swap3A_774, %swap3A_775, %swap3A_776], %swap3A_779 {strides = array<i32>} : memref<2x4x12x320xf32, #tpu.memory_space<vmem>>, vector<1x1x1x16xf32>,
          %add3A_780 = arith.constant 32 : i32
          %add3A_781 = arith.addi %multiple_of3A, %add3A_780 : i32
          %get3A_782 = arith.constant 0 : i32
          %get3A_783 = arith.constant 2 : i32
          %get3A_784 = arith.index_cast %get3A_782 : i32 to index
          %get3A_785 = arith.index_cast %get3A_783 : i32 to index
          %get3A_786 = arith.index_cast %add3A_540 : i32 to index
          %get3A_787 = arith.index_cast %add3A_781 : i32 to index
          %get3A_788 = tpu.vector_load %arg8[%get3A_784, %get3A_785, %get3A_786, %get3A_787] {strides = array<i32>} : memref<2x4x8x768xf32, #tpu.memory_space<vmem>>, vector<1x1x1x16xf32>,
          %get3A_789 = vector.shape_cast %get3A_788 : vector<1x1x1x16xf32> to vector<16xf32>
          %swap3A_790 = arith.index_cast %rem3A_316 : i32 to index
          %swap3A_791 = arith.index_cast %scan3A_537 : i32 to index
          %swap3A_792 = arith.index_cast %scan3A_548 : i32 to index
          %swap3A_793 = arith.constant 224 : index
          %swap3A_794 = tpu.vector_load %arg9[%swap3A_790, %swap3A_791, %swap3A_792, %swap3A_793] {strides = array<i32>} : memref<2x4x12x320xf32, #tpu.memory_space<vmem>>, vector<1x1x1x16xf32>,
          %swap3A_795 = vector.shape_cast %swap3A_794 : vector<1x1x1x16xf32> to vector<16xf32>
          %swap3A_796 = vector.shape_cast %get3A_789 : vector<16xf32> to vector<1x1x1x16xf32>
          tpu.vector_store %arg9[%swap3A_790, %swap3A_791, %swap3A_792, %swap3A_793], %swap3A_796 {strides = array<i32>} : memref<2x4x12x320xf32, #tpu.memory_space<vmem>>, vector<1x1x1x16xf32>,
          %add3A_797 = arith.constant 48 : i32
          %add3A_798 = arith.addi %multiple_of3A, %add3A_797 : i32
          %get3A_799 = arith.constant 0 : i32
          %get3A_800 = arith.constant 2 : i32
          %get3A_801 = arith.index_cast %get3A_799 : i32 to index
          %get3A_802 = arith.index_cast %get3A_800 : i32 to index
          %get3A_803 = arith.index_cast %add3A_540 : i32 to index
          %get3A_804 = arith.index_cast %add3A_798 : i32 to index
          %get3A_805 = tpu.vector_load %arg8[%get3A_801, %get3A_802, %get3A_803, %get3A_804] {strides = array<i32>} : memref<2x4x8x768xf32, #tpu.memory_space<vmem>>, vector<1x1x1x16xf32>,
          %get3A_806 = vector.shape_cast %get3A_805 : vector<1x1x1x16xf32> to vector<16xf32>
          %swap3A_807 = arith.index_cast %rem3A_316 : i32 to index
          %swap3A_808 = arith.index_cast %scan3A_537 : i32 to index
          %swap3A_809 = arith.index_cast %scan3A_548 : i32 to index
          %swap3A_810 = arith.constant 240 : index
          %swap3A_811 = tpu.vector_load %arg9[%swap3A_807, %swap3A_808, %swap3A_809, %swap3A_810] {strides = array<i32>} : memref<2x4x12x320xf32, #tpu.memory_space<vmem>>, vector<1x1x1x16xf32>,
          %swap3A_812 = vector.shape_cast %swap3A_811 : vector<1x1x1x16xf32> to vector<16xf32>
          %swap3A_813 = vector.shape_cast %get3A_806 : vector<16xf32> to vector<1x1x1x16xf32>
          tpu.vector_store %arg9[%swap3A_807, %swap3A_808, %swap3A_809, %swap3A_810], %swap3A_813 {strides = array<i32>} : memref<2x4x12x320xf32, #tpu.memory_space<vmem>>, vector<1x1x1x16xf32>,
          %add3A_814 = arith.constant 0 : i32
          %add3A_815 = arith.addi %multiple_of3A, %add3A_814 : i32
          %get3A_816 = arith.constant 0 : i32
          %get3A_817 = arith.constant 3 : i32
          %get3A_818 = arith.index_cast %get3A_816 : i32 to index
          %get3A_819 = arith.index_cast %get3A_817 : i32 to index
          %get3A_820 = arith.index_cast %add3A_540 : i32 to index
          %get3A_821 = arith.index_cast %add3A_815 : i32 to index
          %get3A_822 = tpu.vector_load %arg8[%get3A_818, %get3A_819, %get3A_820, %get3A_821] {strides = array<i32>} : memref<2x4x8x768xf32, #tpu.memory_space<vmem>>, vector<1x1x1x16xf32>,
          %get3A_823 = vector.shape_cast %get3A_822 : vector<1x1x1x16xf32> to vector<16xf32>
          %swap3A_824 = arith.index_cast %rem3A_316 : i32 to index
          %swap3A_825 = arith.index_cast %scan3A_537 : i32 to index
          %swap3A_826 = arith.index_cast %scan3A_548 : i32 to index
          %swap3A_827 = arith.constant 256 : index
          %swap3A_828 = tpu.vector_load %arg9[%swap3A_824, %swap3A_825, %swap3A_826, %swap3A_827] {strides = array<i32>} : memref<2x4x12x320xf32, #tpu.memory_space<vmem>>, vector<1x1x1x16xf32>,
          %swap3A_829 = vector.shape_cast %swap3A_828 : vector<1x1x1x16xf32> to vector<16xf32>
          %swap3A_830 = vector.shape_cast %get3A_823 : vector<16xf32> to vector<1x1x1x16xf32>
          tpu.vector_store %arg9[%swap3A_824, %swap3A_825, %swap3A_826, %swap3A_827], %swap3A_830 {strides = array<i32>} : memref<2x4x12x320xf32, #tpu.memory_space<vmem>>, vector<1x1x1x16xf32>,
          %add3A_831 = arith.constant 16 : i32
          %add3A_832 = arith.addi %multiple_of3A, %add3A_831 : i32
          %get3A_833 = arith.constant 0 : i32
          %get3A_834 = arith.constant 3 : i32
          %get3A_835 = arith.index_cast %get3A_833 : i32 to index
          %get3A_836 = arith.index_cast %get3A_834 : i32 to index
          %get3A_837 = arith.index_cast %add3A_540 : i32 to index
          %get3A_838 = arith.index_cast %add3A_832 : i32 to index
          %get3A_839 = tpu.vector_load %arg8[%get3A_835, %get3A_836, %get3A_837, %get3A_838] {strides = array<i32>} : memref<2x4x8x768xf32, #tpu.memory_space<vmem>>, vector<1x1x1x16xf32>,
          %get3A_840 = vector.shape_cast %get3A_839 : vector<1x1x1x16xf32> to vector<16xf32>
          %swap3A_841 = arith.index_cast %rem3A_316 : i32 to index
          %swap3A_842 = arith.index_cast %scan3A_537 : i32 to index
          %swap3A_843 = arith.index_cast %scan3A_548 : i32 to index
          %swap3A_844 = arith.constant 272 : index
          %swap3A_845 = tpu.vector_load %arg9[%swap3A_841, %swap3A_842, %swap3A_843, %swap3A_844] {strides = array<i32>} : memref<2x4x12x320xf32, #tpu.memory_space<vmem>>, vector<1x1x1x16xf32>,
          %swap3A_846 = vector.shape_cast %swap3A_845 : vector<1x1x1x16xf32> to vector<16xf32>
          %swap3A_847 = vector.shape_cast %get3A_840 : vector<16xf32> to vector<1x1x1x16xf32>
          tpu.vector_store %arg9[%swap3A_841, %swap3A_842, %swap3A_843, %swap3A_844], %swap3A_847 {strides = array<i32>} : memref<2x4x12x320xf32, #tpu.memory_space<vmem>>, vector<1x1x1x16xf32>,
          %add3A_848 = arith.constant 32 : i32
          %add3A_849 = arith.addi %multiple_of3A, %add3A_848 : i32
          %get3A_850 = arith.constant 0 : i32
          %get3A_851 = arith.constant 3 : i32
          %get3A_852 = arith.index_cast %get3A_850 : i32 to index
          %get3A_853 = arith.index_cast %get3A_851 : i32 to index
          %get3A_854 = arith.index_cast %add3A_540 : i32 to index
          %get3A_855 = arith.index_cast %add3A_849 : i32 to index
          %get3A_856 = tpu.vector_load %arg8[%get3A_852, %get3A_853, %get3A_854, %get3A_855] {strides = array<i32>} : memref<2x4x8x768xf32, #tpu.memory_space<vmem>>, vector<1x1x1x16xf32>,
          %get3A_857 = vector.shape_cast %get3A_856 : vector<1x1x1x16xf32> to vector<16xf32>
          %swap3A_858 = arith.index_cast %rem3A_316 : i32 to index
          %swap3A_859 = arith.index_cast %scan3A_537 : i32 to index
          %swap3A_860 = arith.index_cast %scan3A_548 : i32 to index
          %swap3A_861 = arith.constant 288 : index
          %swap3A_862 = tpu.vector_load %arg9[%swap3A_858, %swap3A_859, %swap3A_860, %swap3A_861] {strides = array<i32>} : memref<2x4x12x320xf32, #tpu.memory_space<vmem>>, vector<1x1x1x16xf32>,
          %swap3A_863 = vector.shape_cast %swap3A_862 : vector<1x1x1x16xf32> to vector<16xf32>
          %swap3A_864 = vector.shape_cast %get3A_857 : vector<16xf32> to vector<1x1x1x16xf32>
          tpu.vector_store %arg9[%swap3A_858, %swap3A_859, %swap3A_860, %swap3A_861], %swap3A_864 {strides = array<i32>} : memref<2x4x12x320xf32, #tpu.memory_space<vmem>>, vector<1x1x1x16xf32>,
          %add3A_865 = arith.constant 48 : i32
          %add3A_866 = arith.addi %multiple_of3A, %add3A_865 : i32
          %get3A_867 = arith.constant 0 : i32
          %get3A_868 = arith.constant 3 : i32
          %get3A_869 = arith.index_cast %get3A_867 : i32 to index
          %get3A_870 = arith.index_cast %get3A_868 : i32 to index
          %get3A_871 = arith.index_cast %add3A_540 : i32 to index
          %get3A_872 = arith.index_cast %add3A_866 : i32 to index
          %get3A_873 = tpu.vector_load %arg8[%get3A_869, %get3A_870, %get3A_871, %get3A_872] {strides = array<i32>} : memref<2x4x8x768xf32, #tpu.memory_space<vmem>>, vector<1x1x1x16xf32>,
          %get3A_874 = vector.shape_cast %get3A_873 : vector<1x1x1x16xf32> to vector<16xf32>
          %swap3A_875 = arith.index_cast %rem3A_316 : i32 to index
          %swap3A_876 = arith.index_cast %scan3A_537 : i32 to index
          %swap3A_877 = arith.index_cast %scan3A_548 : i32 to index
          %swap3A_878 = arith.constant 304 : index
          %swap3A_879 = tpu.vector_load %arg9[%swap3A_875, %swap3A_876, %swap3A_877, %swap3A_878] {strides = array<i32>} : memref<2x4x12x320xf32, #tpu.memory_space<vmem>>, vector<1x1x1x16xf32>,
          %swap3A_880 = vector.shape_cast %swap3A_879 : vector<1x1x1x16xf32> to vector<16xf32>
          %swap3A_881 = vector.shape_cast %get3A_874 : vector<16xf32> to vector<1x1x1x16xf32>
          tpu.vector_store %arg9[%swap3A_875, %swap3A_876, %swap3A_877, %swap3A_878], %swap3A_881 {strides = array<i32>} : memref<2x4x12x320xf32, #tpu.memory_space<vmem>>, vector<1x1x1x16xf32>,
          %scan3A_882 = arith.constant 0 : i32
          scf.yield %scan3A_882 : i32
        }
        %scan3A_547 = arith.constant 12 : i32
        scf.yield %scan3A_546 : i32
      }
      %scan3A_328 = arith.constant 4 : i32
      %mul3A_329 = arith.constant 8 : i32
      %mul3A_330 = arith.muli %add3A_174, %mul3A_329 : i32
      %add3A_331 = arith.addi %mul3A_32, %mul3A_330 : i32
      %add3A_332 = arith.constant 4 : i32
      %add3A_333 = arith.addi %add3A_331, %add3A_332 : i32
      %dma_start3A_334 = arith.constant 0 : i32
      %dma_start3A_335 = arith.constant 0 : i32
      %dma_start3A_336 = arith.constant 0 : i32
      %dma_start3A_337 = tpu.memref_slice %arg9[%rem3A_316, %dma_start3A_334, %dma_start3A_335, %dma_start3A_336] : memref<2x4x12x320xf32, #tpu.memory_space<vmem>> -> memref<1x4x12x320xf32, #tpu.memory_space<vmem>>
      %dma_start3A_338 = tpu.memref_squeeze %dma_start3A_337 : memref<1x4x12x320xf32, #tpu.memory_space<vmem>> -> memref<4x12x320xf32, #tpu.memory_space<vmem>>
      %dma_start3A_339 = arith.constant 0 : i32
      %dma_start3A_340 = arith.constant 0 : i32
      %dma_start3A_341 = tpu.memref_slice %arg5[%select_n3A, %add3A_333, %dma_start3A_339, %dma_start3A_340] : memref<4x2048x12x320xf32, #tpu.memory_space<hbm>> -> memref<1x4x12x320xf32, #tpu.memory_space<hbm>>
      %dma_start3A_342 = tpu.memref_squeeze %dma_start3A_341 : memref<1x4x12x320xf32, #tpu.memory_space<hbm>> -> memref<4x12x320xf32, #tpu.memory_space<hbm>>
      %dma_start3A_343 = arith.constant 0 : i32
      %dma_start3A_344 = arith.constant 0 : i32
      %dma_start3A_345 = tpu.memref_slice %arg5[%select_n3A, %add3A_333, %dma_start3A_343, %dma_start3A_344] : memref<4x2048x12x320xf32, #tpu.memory_space<hbm>> -> memref<1x4x12x320xf32, #tpu.memory_space<hbm>>
      %dma_start3A_346 = tpu.memref_squeeze %dma_start3A_345 : memref<1x4x12x320xf32, #tpu.memory_space<hbm>> -> memref<4x12x320xf32, #tpu.memory_space<hbm>>
      %dma_start3A_347 = arith.constant 0 : i32
      %dma_start3A_348 = arith.constant 0 : i32
      %dma_start3A_349 = arith.constant 0 : i32
      %dma_start3A_350 = tpu.memref_slice %arg9[%rem3A_316, %dma_start3A_347, %dma_start3A_348, %dma_start3A_349] : memref<2x4x12x320xf32, #tpu.memory_space<vmem>> -> memref<1x4x12x320xf32, #tpu.memory_space<vmem>>
      %dma_start3A_351 = tpu.memref_squeeze %dma_start3A_350 : memref<1x4x12x320xf32, #tpu.memory_space<vmem>> -> memref<4x12x320xf32, #tpu.memory_space<vmem>>
      tpu.enqueue_dma source(%dma_start3A_351 : memref<4x12x320xf32, #tpu.memory_space<vmem>>) target(%dma_start3A_346 : memref<4x12x320xf32, #tpu.memory_space<hbm>>) target_semaphore(%arg12 : memref<!tpu.dma_semaphore, #tpu.memory_space<semaphore_mem>>)
      %mul3A_352 = arith.constant 2 : i32
      %mul3A_353 = arith.muli %mul3A_352, %scan3A_169 : i32
      %add3A_354 = arith.constant 1 : i32
      %add3A_355 = arith.addi %mul3A_353, %add3A_354 : i32
      %add3A_356 = arith.constant 1 : i32
      %add3A_357 = arith.addi %add3A_355, %add3A_356 : i32
      %lt3A_358 = arith.constant 32 : i32
      %lt3A_359 = arith.cmpi slt, %add3A_357, %lt3A_358 : i32
      %convert_element_type3A_360 = arith.extui %lt3A_359 : i1 to i32
      %cond3A_361 = arith.constant 0 : i32
      %cond3A_362 = arith.cmpi ne, %convert_element_type3A_360, %cond3A_361 : i32
      scf.if %cond3A_362 {
        %mul3A_537 = arith.constant 2048 : i32
        %mul3A_538 = arith.muli %select_n3A, %mul3A_537 : i32
        %add3A_539 = arith.addi %mul3A_538, %mul3A_32 : i32
        %mul3A_540 = arith.constant 8 : i32
        %mul3A_541 = arith.muli %add3A_357, %mul3A_540 : i32
        %add3A_542 = arith.addi %add3A_539, %mul3A_541 : i32
        %mul3A_543 = arith.constant 8 : i32
        %mul3A_544 = arith.muli %add3A_357, %mul3A_543 : i32
        %add3A_545 = arith.constant 0 : i32
        %add3A_546 = arith.addi %add3A_545, %mul3A_544 : i32
        %mul3A_547 = arith.constant 8 : i32
        %mul3A_548 = arith.muli %add3A_357, %mul3A_547 : i32
        %add3A_549 = arith.constant 256 : i32
        %add3A_550 = arith.addi %add3A_549, %mul3A_548 : i32
        %mul3A_551 = arith.constant 8 : i32
        %mul3A_552 = arith.muli %add3A_357, %mul3A_551 : i32
        %add3A_553 = arith.constant 512 : i32
        %add3A_554 = arith.addi %add3A_553, %mul3A_552 : i32
        %mul3A_555 = arith.constant 8 : i32
        %mul3A_556 = arith.muli %add3A_357, %mul3A_555 : i32
        %add3A_557 = arith.constant 768 : i32
        %add3A_558 = arith.addi %add3A_557, %mul3A_556 : i32
        %dma_start3A_559 = arith.constant 0 : i32
        %dma_start3A_560 = arith.constant 0 : i32
        %dma_start3A_561 = arith.constant 0 : i32
        %dma_start3A_562 = tpu.memref_slice %arg7[%dma_start3A_559, %dma_start3A_560, %dma_start3A_561] : memref<2x8x768xf32, #tpu.memory_space<vmem>> -> memref<1x8x768xf32, #tpu.memory_space<vmem>>
        %dma_start3A_563 = tpu.memref_squeeze %dma_start3A_562 : memref<1x8x768xf32, #tpu.memory_space<vmem>> -> memref<8x768xf32, #tpu.memory_space<vmem>>
        %dma_start3A_564 = arith.constant 0 : i32
        %dma_start3A_565 = tpu.memref_slice %arg2[%add3A_542, %dma_start3A_564] : memref<8192x768xf32, #tpu.memory_space<hbm>> -> memref<8x768xf32, #tpu.memory_space<hbm>>
        %dma_start3A_566 = arith.constant 0 : i32
        %dma_start3A_567 = arith.constant 0 : i32
        %dma_start3A_568 = tpu.memref_slice %arg7[%dma_start3A_559, %dma_start3A_566, %dma_start3A_567] : memref<2x8x768xf32, #tpu.memory_space<vmem>> -> memref<1x8x768xf32, #tpu.memory_space<vmem>>
        %dma_start3A_569 = tpu.memref_squeeze %dma_start3A_568 : memref<1x8x768xf32, #tpu.memory_space<vmem>> -> memref<8x768xf32, #tpu.memory_space<vmem>>
        %dma_start3A_570 = arith.constant 0 : i32
        %dma_start3A_571 = tpu.memref_slice %arg2[%add3A_542, %dma_start3A_570] : memref<8192x768xf32, #tpu.memory_space<hbm>> -> memref<8x768xf32, #tpu.memory_space<hbm>>
        tpu.enqueue_dma source(%dma_start3A_571 : memref<8x768xf32, #tpu.memory_space<hbm>>) target(%dma_start3A_569 : memref<8x768xf32, #tpu.memory_space<vmem>>) target_semaphore(%arg10 : memref<!tpu.dma_semaphore, #tpu.memory_space<semaphore_mem>>)
        %dma_start3A_572 = arith.constant 0 : i32
        %dma_start3A_573 = arith.constant 0 : i32
        %dma_start3A_574 = arith.constant 0 : i32
        %dma_start3A_575 = arith.constant 0 : i32
        %dma_start3A_576 = tpu.memref_slice %arg8[%dma_start3A_572, %dma_start3A_573, %dma_start3A_574, %dma_start3A_575] : memref<2x4x8x768xf32, #tpu.memory_space<vmem>> -> memref<1x1x8x768xf32, #tpu.memory_space<vmem>>
        %dma_start3A_577 = tpu.memref_squeeze %dma_start3A_576 : memref<1x1x8x768xf32, #tpu.memory_space<vmem>> -> memref<8x768xf32, #tpu.memory_space<vmem>>
        %dma_start3A_578 = tpu.memref_slice %arg6[%add3A_546] : memref<1024xi32, #tpu.memory_space<vmem>> -> memref<8xi32, #tpu.memory_space<vmem>>
        %dma_start3A_579 = arith.constant 0 : i32
        %dma_start3A_580 = arith.constant 0 : i32
        %dma_start3A_581 = tpu.memref_slice %arg3[%select_n3A, %dma_start3A_579, %dma_start3A_580] : memref<4x128x768xf32, #tpu.memory_space<hbm>> -> memref<1x128x768xf32, #tpu.memory_space<hbm>>
        %dma_start3A_582 = tpu.memref_squeeze %dma_start3A_581 : memref<1x128x768xf32, #tpu.memory_space<hbm>> -> memref<128x768xf32, #tpu.memory_space<hbm>>
        %dma_start3A_583 = arith.constant 0 : i32
        %dma_start3A_584 = arith.constant 0 : i32
        %dma_start3A_585 = tpu.memref_slice %dma_start3A_582[%dma_start3A_583, %dma_start3A_584] : memref<128x768xf32, #tpu.memory_space<hbm>> -> memref<128x768xf32, #tpu.memory_space<hbm>>
        tpu.enqueue_indirect_dma source(%dma_start3A_585 : memref<128x768xf32, #tpu.memory_space<hbm>>) target(%dma_start3A_577 : memref<8x768xf32, #tpu.memory_space<vmem>>) offsets(%dma_start3A_578 : memref<8xi32, #tpu.memory_space<vmem>>) semaphore(%arg10 : memref<!tpu.dma_semaphore, #tpu.memory_space<semaphore_mem>>)
        %dma_start3A_586 = arith.constant 0 : i32
        %dma_start3A_587 = arith.constant 1 : i32
        %dma_start3A_588 = arith.constant 0 : i32
        %dma_start3A_589 = arith.constant 0 : i32
        %dma_start3A_590 = tpu.memref_slice %arg8[%dma_start3A_586, %dma_start3A_587, %dma_start3A_588, %dma_start3A_589] : memref<2x4x8x768xf32, #tpu.memory_space<vmem>> -> memref<1x1x8x768xf32, #tpu.memory_space<vmem>>
        %dma_start3A_591 = tpu.memref_squeeze %dma_start3A_590 : memref<1x1x8x768xf32, #tpu.memory_space<vmem>> -> memref<8x768xf32, #tpu.memory_space<vmem>>
        %dma_start3A_592 = tpu.memref_slice %arg6[%add3A_550] : memref<1024xi32, #tpu.memory_space<vmem>> -> memref<8xi32, #tpu.memory_space<vmem>>
        %dma_start3A_593 = arith.constant 0 : i32
        %dma_start3A_594 = arith.constant 0 : i32
        %dma_start3A_595 = tpu.memref_slice %arg3[%select_n3A, %dma_start3A_593, %dma_start3A_594] : memref<4x128x768xf32, #tpu.memory_space<hbm>> -> memref<1x128x768xf32, #tpu.memory_space<hbm>>
        %dma_start3A_596 = tpu.memref_squeeze %dma_start3A_595 : memref<1x128x768xf32, #tpu.memory_space<hbm>> -> memref<128x768xf32, #tpu.memory_space<hbm>>
        %dma_start3A_597 = arith.constant 0 : i32
        %dma_start3A_598 = arith.constant 0 : i32
        %dma_start3A_599 = tpu.memref_slice %dma_start3A_596[%dma_start3A_597, %dma_start3A_598] : memref<128x768xf32, #tpu.memory_space<hbm>> -> memref<128x768xf32, #tpu.memory_space<hbm>>
        tpu.enqueue_indirect_dma source(%dma_start3A_599 : memref<128x768xf32, #tpu.memory_space<hbm>>) target(%dma_start3A_591 : memref<8x768xf32, #tpu.memory_space<vmem>>) offsets(%dma_start3A_592 : memref<8xi32, #tpu.memory_space<vmem>>) semaphore(%arg10 : memref<!tpu.dma_semaphore, #tpu.memory_space<semaphore_mem>>)
        %dma_start3A_600 = arith.constant 0 : i32
        %dma_start3A_601 = arith.constant 2 : i32
        %dma_start3A_602 = arith.constant 0 : i32
        %dma_start3A_603 = arith.constant 0 : i32
        %dma_start3A_604 = tpu.memref_slice %arg8[%dma_start3A_600, %dma_start3A_601, %dma_start3A_602, %dma_start3A_603] : memref<2x4x8x768xf32, #tpu.memory_space<vmem>> -> memref<1x1x8x768xf32, #tpu.memory_space<vmem>>
        %dma_start3A_605 = tpu.memref_squeeze %dma_start3A_604 : memref<1x1x8x768xf32, #tpu.memory_space<vmem>> -> memref<8x768xf32, #tpu.memory_space<vmem>>
        %dma_start3A_606 = tpu.memref_slice %arg6[%add3A_554] : memref<1024xi32, #tpu.memory_space<vmem>> -> memref<8xi32, #tpu.memory_space<vmem>>
        %dma_start3A_607 = arith.constant 0 : i32
        %dma_start3A_608 = arith.constant 0 : i32
        %dma_start3A_609 = tpu.memref_slice %arg3[%select_n3A, %dma_start3A_607, %dma_start3A_608] : memref<4x128x768xf32, #tpu.memory_space<hbm>> -> memref<1x128x768xf32, #tpu.memory_space<hbm>>
        %dma_start3A_610 = tpu.memref_squeeze %dma_start3A_609 : memref<1x128x768xf32, #tpu.memory_space<hbm>> -> memref<128x768xf32, #tpu.memory_space<hbm>>
        %dma_start3A_611 = arith.constant 0 : i32
        %dma_start3A_612 = arith.constant 0 : i32
        %dma_start3A_613 = tpu.memref_slice %dma_start3A_610[%dma_start3A_611, %dma_start3A_612] : memref<128x768xf32, #tpu.memory_space<hbm>> -> memref<128x768xf32, #tpu.memory_space<hbm>>
        tpu.enqueue_indirect_dma source(%dma_start3A_613 : memref<128x768xf32, #tpu.memory_space<hbm>>) target(%dma_start3A_605 : memref<8x768xf32, #tpu.memory_space<vmem>>) offsets(%dma_start3A_606 : memref<8xi32, #tpu.memory_space<vmem>>) semaphore(%arg10 : memref<!tpu.dma_semaphore, #tpu.memory_space<semaphore_mem>>)
        %dma_start3A_614 = arith.constant 0 : i32
        %dma_start3A_615 = arith.constant 3 : i32
        %dma_start3A_616 = arith.constant 0 : i32
        %dma_start3A_617 = arith.constant 0 : i32
        %dma_start3A_618 = tpu.memref_slice %arg8[%dma_start3A_614, %dma_start3A_615, %dma_start3A_616, %dma_start3A_617] : memref<2x4x8x768xf32, #tpu.memory_space<vmem>> -> memref<1x1x8x768xf32, #tpu.memory_space<vmem>>
        %dma_start3A_619 = tpu.memref_squeeze %dma_start3A_618 : memref<1x1x8x768xf32, #tpu.memory_space<vmem>> -> memref<8x768xf32, #tpu.memory_space<vmem>>
        %dma_start3A_620 = tpu.memref_slice %arg6[%add3A_558] : memref<1024xi32, #tpu.memory_space<vmem>> -> memref<8xi32, #tpu.memory_space<vmem>>
        %dma_start3A_621 = arith.constant 0 : i32
        %dma_start3A_622 = arith.constant 0 : i32
        %dma_start3A_623 = tpu.memref_slice %arg3[%select_n3A, %dma_start3A_621, %dma_start3A_622] : memref<4x128x768xf32, #tpu.memory_space<hbm>> -> memref<1x128x768xf32, #tpu.memory_space<hbm>>
        %dma_start3A_624 = tpu.memref_squeeze %dma_start3A_623 : memref<1x128x768xf32, #tpu.memory_space<hbm>> -> memref<128x768xf32, #tpu.memory_space<hbm>>
        %dma_start3A_625 = arith.constant 0 : i32
        %dma_start3A_626 = arith.constant 0 : i32
        %dma_start3A_627 = tpu.memref_slice %dma_start3A_624[%dma_start3A_625, %dma_start3A_626] : memref<128x768xf32, #tpu.memory_space<hbm>> -> memref<128x768xf32, #tpu.memory_space<hbm>>
        tpu.enqueue_indirect_dma source(%dma_start3A_627 : memref<128x768xf32, #tpu.memory_space<hbm>>) target(%dma_start3A_619 : memref<8x768xf32, #tpu.memory_space<vmem>>) offsets(%dma_start3A_620 : memref<8xi32, #tpu.memory_space<vmem>>) semaphore(%arg10 : memref<!tpu.dma_semaphore, #tpu.memory_space<semaphore_mem>>)
      } else {
      }
      %mul3A_363 = arith.constant 2048 : i32
      %mul3A_364 = arith.muli %select_n3A, %mul3A_363 : i32
      %add3A_365 = arith.addi %mul3A_364, %mul3A_32 : i32
      %mul3A_366 = arith.constant 8 : i32
      %mul3A_367 = arith.muli %add3A_355, %mul3A_366 : i32
      %add3A_368 = arith.addi %add3A_365, %mul3A_367 : i32
      %mul3A_369 = arith.constant 8 : i32
      %mul3A_370 = arith.muli %add3A_355, %mul3A_369 : i32
      %add3A_371 = arith.constant 0 : i32
      %add3A_372 = arith.addi %add3A_371, %mul3A_370 : i32
      %mul3A_373 = arith.constant 8 : i32
      %mul3A_374 = arith.muli %add3A_355, %mul3A_373 : i32
      %add3A_375 = arith.constant 256 : i32
      %add3A_376 = arith.addi %add3A_375, %mul3A_374 : i32
      %mul3A_377 = arith.constant 8 : i32
      %mul3A_378 = arith.muli %add3A_355, %mul3A_377 : i32
      %add3A_379 = arith.constant 512 : i32
      %add3A_380 = arith.addi %add3A_379, %mul3A_378 : i32
      %mul3A_381 = arith.constant 8 : i32
      %mul3A_382 = arith.muli %add3A_355, %mul3A_381 : i32
      %add3A_383 = arith.constant 768 : i32
      %add3A_384 = arith.addi %add3A_383, %mul3A_382 : i32
      %dma_wait3A_385 = arith.constant 1 : i32
      %dma_wait3A_386 = arith.constant 0 : i32
      %dma_wait3A_387 = arith.constant 0 : i32
      %dma_wait3A_388 = tpu.memref_slice %arg7[%dma_wait3A_385, %dma_wait3A_386, %dma_wait3A_387] : memref<2x8x768xf32, #tpu.memory_space<vmem>> -> memref<1x8x768xf32, #tpu.memory_space<vmem>>
      %dma_wait3A_389 = tpu.memref_squeeze %dma_wait3A_388 : memref<1x8x768xf32, #tpu.memory_space<vmem>> -> memref<8x768xf32, #tpu.memory_space<vmem>>
      %dma_wait3A_390 = arith.constant 0 : i32
      %dma_wait3A_391 = tpu.memref_slice %arg2[%add3A_368, %dma_wait3A_390] : memref<8192x768xf32, #tpu.memory_space<hbm>> -> memref<8x768xf32, #tpu.memory_space<hbm>>
      %dma_wait3A_392 = arith.constant 0 : i32
      %dma_wait3A_393 = arith.constant 0 : i32
      %dma_wait3A_394 = tpu.memref_slice %arg7[%dma_wait3A_385, %dma_wait3A_392, %dma_wait3A_393] : memref<2x8x768xf32, #tpu.memory_space<vmem>> -> memref<1x8x768xf32, #tpu.memory_space<vmem>>
      %dma_wait3A_395 = tpu.memref_squeeze %dma_wait3A_394 : memref<1x8x768xf32, #tpu.memory_space<vmem>> -> memref<8x768xf32, #tpu.memory_space<vmem>>
      %dma_wait3A_396 = arith.constant 0 : i32
      %dma_wait3A_397 = tpu.memref_slice %arg2[%add3A_368, %dma_wait3A_396] : memref<8192x768xf32, #tpu.memory_space<hbm>> -> memref<8x768xf32, #tpu.memory_space<hbm>>
      tpu.wait_dma2 semaphore(%arg11 : memref<!tpu.dma_semaphore, #tpu.memory_space<semaphore_mem>>) src(%dma_wait3A_397 : memref<8x768xf32, #tpu.memory_space<hbm>>) dst(%dma_wait3A_395 : memref<8x768xf32, #tpu.memory_space<vmem>>)
      %dma_wait3A_398 = arith.constant 1 : i32
      %dma_wait3A_399 = arith.constant 0 : i32
      %dma_wait3A_400 = arith.constant 0 : i32
      %dma_wait3A_401 = arith.constant 0 : i32
      %dma_wait3A_402 = tpu.memref_slice %arg8[%dma_wait3A_398, %dma_wait3A_399, %dma_wait3A_400, %dma_wait3A_401] : memref<2x4x8x768xf32, #tpu.memory_space<vmem>> -> memref<1x1x8x768xf32, #tpu.memory_space<vmem>>
      %dma_wait3A_403 = tpu.memref_squeeze %dma_wait3A_402 : memref<1x1x8x768xf32, #tpu.memory_space<vmem>> -> memref<8x768xf32, #tpu.memory_space<vmem>>
      %dma_wait3A_404 = tpu.memref_slice %arg6[%add3A_372] : memref<1024xi32, #tpu.memory_space<vmem>> -> memref<8xi32, #tpu.memory_space<vmem>>
      %dma_wait3A_405 = arith.constant 0 : i32
      %dma_wait3A_406 = arith.constant 0 : i32
      %dma_wait3A_407 = tpu.memref_slice %arg3[%select_n3A, %dma_wait3A_405, %dma_wait3A_406] : memref<4x128x768xf32, #tpu.memory_space<hbm>> -> memref<1x128x768xf32, #tpu.memory_space<hbm>>
      %dma_wait3A_408 = tpu.memref_squeeze %dma_wait3A_407 : memref<1x128x768xf32, #tpu.memory_space<hbm>> -> memref<128x768xf32, #tpu.memory_space<hbm>>
      %dma_wait3A_409 = arith.constant 0 : i32
      %dma_wait3A_410 = arith.constant 0 : i32
      %dma_wait3A_411 = tpu.memref_slice %dma_wait3A_408[%dma_wait3A_409, %dma_wait3A_410] : memref<128x768xf32, #tpu.memory_space<hbm>> -> memref<128x768xf32, #tpu.memory_space<hbm>>
      tpu.wait_indirect_dma semaphore(%arg11 : memref<!tpu.dma_semaphore, #tpu.memory_space<semaphore_mem>>) src(%dma_wait3A_411 : memref<128x768xf32, #tpu.memory_space<hbm>>) dst(%dma_wait3A_403 : memref<8x768xf32, #tpu.memory_space<vmem>>)
      %dma_wait3A_412 = arith.constant 1 : i32
      %dma_wait3A_413 = arith.constant 1 : i32
      %dma_wait3A_414 = arith.constant 0 : i32
      %dma_wait3A_415 = arith.constant 0 : i32
      %dma_wait3A_416 = tpu.memref_slice %arg8[%dma_wait3A_412, %dma_wait3A_413, %dma_wait3A_414, %dma_wait3A_415] : memref<2x4x8x768xf32, #tpu.memory_space<vmem>> -> memref<1x1x8x768xf32, #tpu.memory_space<vmem>>
      %dma_wait3A_417 = tpu.memref_squeeze %dma_wait3A_416 : memref<1x1x8x768xf32, #tpu.memory_space<vmem>> -> memref<8x768xf32, #tpu.memory_space<vmem>>
      %dma_wait3A_418 = tpu.memref_slice %arg6[%add3A_376] : memref<1024xi32, #tpu.memory_space<vmem>> -> memref<8xi32, #tpu.memory_space<vmem>>
      %dma_wait3A_419 = arith.constant 0 : i32
      %dma_wait3A_420 = arith.constant 0 : i32
      %dma_wait3A_421 = tpu.memref_slice %arg3[%select_n3A, %dma_wait3A_419, %dma_wait3A_420] : memref<4x128x768xf32, #tpu.memory_space<hbm>> -> memref<1x128x768xf32, #tpu.memory_space<hbm>>
      %dma_wait3A_422 = tpu.memref_squeeze %dma_wait3A_421 : memref<1x128x768xf32, #tpu.memory_space<hbm>> -> memref<128x768xf32, #tpu.memory_space<hbm>>
      %dma_wait3A_423 = arith.constant 0 : i32
      %dma_wait3A_424 = arith.constant 0 : i32
      %dma_wait3A_425 = tpu.memref_slice %dma_wait3A_422[%dma_wait3A_423, %dma_wait3A_424] : memref<128x768xf32, #tpu.memory_space<hbm>> -> memref<128x768xf32, #tpu.memory_space<hbm>>
      tpu.wait_indirect_dma semaphore(%arg11 : memref<!tpu.dma_semaphore, #tpu.memory_space<semaphore_mem>>) src(%dma_wait3A_425 : memref<128x768xf32, #tpu.memory_space<hbm>>) dst(%dma_wait3A_417 : memref<8x768xf32, #tpu.memory_space<vmem>>)
      %dma_wait3A_426 = arith.constant 1 : i32
      %dma_wait3A_427 = arith.constant 2 : i32
      %dma_wait3A_428 = arith.constant 0 : i32
      %dma_wait3A_429 = arith.constant 0 : i32
      %dma_wait3A_430 = tpu.memref_slice %arg8[%dma_wait3A_426, %dma_wait3A_427, %dma_wait3A_428, %dma_wait3A_429] : memref<2x4x8x768xf32, #tpu.memory_space<vmem>> -> memref<1x1x8x768xf32, #tpu.memory_space<vmem>>
      %dma_wait3A_431 = tpu.memref_squeeze %dma_wait3A_430 : memref<1x1x8x768xf32, #tpu.memory_space<vmem>> -> memref<8x768xf32, #tpu.memory_space<vmem>>
      %dma_wait3A_432 = tpu.memref_slice %arg6[%add3A_380] : memref<1024xi32, #tpu.memory_space<vmem>> -> memref<8xi32, #tpu.memory_space<vmem>>
      %dma_wait3A_433 = arith.constant 0 : i32
      %dma_wait3A_434 = arith.constant 0 : i32
      %dma_wait3A_435 = tpu.memref_slice %arg3[%select_n3A, %dma_wait3A_433, %dma_wait3A_434] : memref<4x128x768xf32, #tpu.memory_space<hbm>> -> memref<1x128x768xf32, #tpu.memory_space<hbm>>
      %dma_wait3A_436 = tpu.memref_squeeze %dma_wait3A_435 : memref<1x128x768xf32, #tpu.memory_space<hbm>> -> memref<128x768xf32, #tpu.memory_space<hbm>>
      %dma_wait3A_437 = arith.constant 0 : i32
      %dma_wait3A_438 = arith.constant 0 : i32
      %dma_wait3A_439 = tpu.memref_slice %dma_wait3A_436[%dma_wait3A_437, %dma_wait3A_438] : memref<128x768xf32, #tpu.memory_space<hbm>> -> memref<128x768xf32, #tpu.memory_space<hbm>>
      tpu.wait_indirect_dma semaphore(%arg11 : memref<!tpu.dma_semaphore, #tpu.memory_space<semaphore_mem>>) src(%dma_wait3A_439 : memref<128x768xf32, #tpu.memory_space<hbm>>) dst(%dma_wait3A_431 : memref<8x768xf32, #tpu.memory_space<vmem>>)
      %dma_wait3A_440 = arith.constant 1 : i32
      %dma_wait3A_441 = arith.constant 3 : i32
      %dma_wait3A_442 = arith.constant 0 : i32
      %dma_wait3A_443 = arith.constant 0 : i32
      %dma_wait3A_444 = tpu.memref_slice %arg8[%dma_wait3A_440, %dma_wait3A_441, %dma_wait3A_442, %dma_wait3A_443] : memref<2x4x8x768xf32, #tpu.memory_space<vmem>> -> memref<1x1x8x768xf32, #tpu.memory_space<vmem>>
      %dma_wait3A_445 = tpu.memref_squeeze %dma_wait3A_444 : memref<1x1x8x768xf32, #tpu.memory_space<vmem>> -> memref<8x768xf32, #tpu.memory_space<vmem>>
      %dma_wait3A_446 = tpu.memref_slice %arg6[%add3A_384] : memref<1024xi32, #tpu.memory_space<vmem>> -> memref<8xi32, #tpu.memory_space<vmem>>
      %dma_wait3A_447 = arith.constant 0 : i32
      %dma_wait3A_448 = arith.constant 0 : i32
      %dma_wait3A_449 = tpu.memref_slice %arg3[%select_n3A, %dma_wait3A_447, %dma_wait3A_448] : memref<4x128x768xf32, #tpu.memory_space<hbm>> -> memref<1x128x768xf32, #tpu.memory_space<hbm>>
      %dma_wait3A_450 = tpu.memref_squeeze %dma_wait3A_449 : memref<1x128x768xf32, #tpu.memory_space<hbm>> -> memref<128x768xf32, #tpu.memory_space<hbm>>
      %dma_wait3A_451 = arith.constant 0 : i32
      %dma_wait3A_452 = arith.constant 0 : i32
      %dma_wait3A_453 = tpu.memref_slice %dma_wait3A_450[%dma_wait3A_451, %dma_wait3A_452] : memref<128x768xf32, #tpu.memory_space<hbm>> -> memref<128x768xf32, #tpu.memory_space<hbm>>
      tpu.wait_indirect_dma semaphore(%arg11 : memref<!tpu.dma_semaphore, #tpu.memory_space<semaphore_mem>>) src(%dma_wait3A_453 : memref<128x768xf32, #tpu.memory_space<hbm>>) dst(%dma_wait3A_445 : memref<8x768xf32, #tpu.memory_space<vmem>>)
      %mul3A_454 = arith.constant 2 : i32
      %mul3A_455 = arith.muli %mul3A_454, %add3A_355 : i32
      %add3A_456 = arith.constant 0 : i32
      %add3A_457 = arith.addi %mul3A_455, %add3A_456 : i32
      %rem3A_458 = arith.constant 2 : i32
      %rem3A_459 = arith.remsi %add3A_457, %rem3A_458 : i32
      %ge3A_460 = arith.constant 2 : i32
      %ge3A_461 = arith.cmpi sge, %add3A_457, %ge3A_460 : i32
      %convert_element_type3A_462 = arith.extui %ge3A_461 : i1 to i32
      %cond3A_463 = arith.constant 0 : i32
      %cond3A_464 = arith.cmpi ne, %convert_element_type3A_462, %cond3A_463 : i32
      scf.if %cond3A_464 {
        %mul3A_537 = arith.constant 8 : i32
        %mul3A_538 = arith.muli %add3A_355, %mul3A_537 : i32
        %add3A_539 = arith.addi %mul3A_32, %mul3A_538 : i32
        %add3A_540 = arith.constant 0 : i32
        %add3A_541 = arith.addi %add3A_539, %add3A_540 : i32
        %dma_wait3A_542 = arith.constant 0 : i32
        %dma_wait3A_543 = arith.constant 0 : i32
        %dma_wait3A_544 = arith.constant 0 : i32
        %dma_wait3A_545 = tpu.memref_slice %arg9[%rem3A_459, %dma_wait3A_542, %dma_wait3A_543, %dma_wait3A_544] : memref<2x4x12x320xf32, #tpu.memory_space<vmem>> -> memref<1x4x12x320xf32, #tpu.memory_space<vmem>>
        %dma_wait3A_546 = tpu.memref_squeeze %dma_wait3A_545 : memref<1x4x12x320xf32, #tpu.memory_space<vmem>> -> memref<4x12x320xf32, #tpu.memory_space<vmem>>
        %dma_wait3A_547 = arith.constant 0 : i32
        %dma_wait3A_548 = arith.constant 0 : i32
        %dma_wait3A_549 = tpu.memref_slice %arg5[%select_n3A, %add3A_541, %dma_wait3A_547, %dma_wait3A_548] : memref<4x2048x12x320xf32, #tpu.memory_space<hbm>> -> memref<1x4x12x320xf32, #tpu.memory_space<hbm>>
        %dma_wait3A_550 = tpu.memref_squeeze %dma_wait3A_549 : memref<1x4x12x320xf32, #tpu.memory_space<hbm>> -> memref<4x12x320xf32, #tpu.memory_space<hbm>>
        %dma_wait3A_551 = arith.constant 0 : i32
        %dma_wait3A_552 = arith.constant 0 : i32
        %dma_wait3A_553 = tpu.memref_slice %arg5[%select_n3A, %add3A_541, %dma_wait3A_551, %dma_wait3A_552] : memref<4x2048x12x320xf32, #tpu.memory_space<hbm>> -> memref<1x4x12x320xf32, #tpu.memory_space<hbm>>
        %dma_wait3A_554 = tpu.memref_squeeze %dma_wait3A_553 : memref<1x4x12x320xf32, #tpu.memory_space<hbm>> -> memref<4x12x320xf32, #tpu.memory_space<hbm>>
        %dma_wait3A_555 = arith.constant 0 : i32
        %dma_wait3A_556 = arith.constant 0 : i32
        %dma_wait3A_557 = arith.constant 0 : i32
        %dma_wait3A_558 = tpu.memref_slice %arg9[%rem3A_459, %dma_wait3A_555, %dma_wait3A_556, %dma_wait3A_557] : memref<2x4x12x320xf32, #tpu.memory_space<vmem>> -> memref<1x4x12x320xf32, #tpu.memory_space<vmem>>
        %dma_wait3A_559 = tpu.memref_squeeze %dma_wait3A_558 : memref<1x4x12x320xf32, #tpu.memory_space<vmem>> -> memref<4x12x320xf32, #tpu.memory_space<vmem>>
        tpu.wait_dma2 semaphore(%arg12 : memref<!tpu.dma_semaphore, #tpu.memory_space<semaphore_mem>>) src(%dma_wait3A_559 : memref<4x12x320xf32, #tpu.memory_space<vmem>>) dst(%dma_wait3A_554 : memref<4x12x320xf32, #tpu.memory_space<hbm>>)
      } else {
      }
      %scan3A_465 = arith.constant 0 : i32
      %scan3A_466 = arith.constant 0 : i32
      %scan3A_467 = arith.constant 4 : i32
      %scan3A_468 = arith.addi %scan3A_466, %scan3A_467 : i32
      %scan3A_469 = arith.constant 1 : i32
      %scan3A_470 = scf.for %scan3A_537 = %scan3A_466 to %scan3A_468 step %scan3A_469 iter_args(%scan3A_538 = %scan3A_465) -> (i32)  : i32 {
        %add3A_539 = arith.constant 0 : i32
        %add3A_540 = arith.addi %add3A_539, %scan3A_537 : i32
        %scan3A_541 = arith.constant 0 : i32
        %scan3A_542 = arith.constant 0 : i32
        %scan3A_543 = arith.constant 12 : i32
        %scan3A_544 = arith.addi %scan3A_542, %scan3A_543 : i32
        %scan3A_545 = arith.constant 1 : i32
        %scan3A_546 = scf.for %scan3A_548 = %scan3A_542 to %scan3A_544 step %scan3A_545 iter_args(%scan3A_549 = %scan3A_541) -> (i32)  : i32 {
          %mul3A_550 = arith.constant 64 : i32
          %mul3A_551 = arith.muli %scan3A_548, %mul3A_550 : i32
          %multiple_of3A = tpu.assume_multiple %mul3A_551, 16 : i32
          %add3A_552 = arith.constant 0 : i32
          %add3A_553 = arith.addi %multiple_of3A, %add3A_552 : i32
          %get3A = arith.constant 1 : i32
          %get3A_554 = arith.index_cast %get3A : i32 to index
          %get3A_555 = arith.index_cast %add3A_540 : i32 to index
          %get3A_556 = arith.index_cast %add3A_553 : i32 to index
          %get3A_557 = tpu.vector_load %arg7[%get3A_554, %get3A_555, %get3A_556] {strides = array<i32>} : memref<2x8x768xf32, #tpu.memory_space<vmem>>, vector<1x1x16xf32>,
          %get3A_558 = vector.shape_cast %get3A_557 : vector<1x1x16xf32> to vector<16xf32>
          %swap3A = arith.index_cast %rem3A_459 : i32 to index
          %swap3A_559 = arith.index_cast %scan3A_537 : i32 to index
          %swap3A_560 = arith.index_cast %scan3A_548 : i32 to index
          %swap3A_561 = arith.constant 0 : index
          %swap3A_562 = tpu.vector_load %arg9[%swap3A, %swap3A_559, %swap3A_560, %swap3A_561] {strides = array<i32>} : memref<2x4x12x320xf32, #tpu.memory_space<vmem>>, vector<1x1x1x16xf32>,
          %swap3A_563 = vector.shape_cast %swap3A_562 : vector<1x1x1x16xf32> to vector<16xf32>
          %swap3A_564 = vector.shape_cast %get3A_558 : vector<16xf32> to vector<1x1x1x16xf32>
          tpu.vector_store %arg9[%swap3A, %swap3A_559, %swap3A_560, %swap3A_561], %swap3A_564 {strides = array<i32>} : memref<2x4x12x320xf32, #tpu.memory_space<vmem>>, vector<1x1x1x16xf32>,
          %add3A_565 = arith.constant 16 : i32
          %add3A_566 = arith.addi %multiple_of3A, %add3A_565 : i32
          %get3A_567 = arith.constant 1 : i32
          %get3A_568 = arith.index_cast %get3A_567 : i32 to index
          %get3A_569 = arith.index_cast %add3A_540 : i32 to index
          %get3A_570 = arith.index_cast %add3A_566 : i32 to index
          %get3A_571 = tpu.vector_load %arg7[%get3A_568, %get3A_569, %get3A_570] {strides = array<i32>} : memref<2x8x768xf32, #tpu.memory_space<vmem>>, vector<1x1x16xf32>,
          %get3A_572 = vector.shape_cast %get3A_571 : vector<1x1x16xf32> to vector<16xf32>
          %swap3A_573 = arith.index_cast %rem3A_459 : i32 to index
          %swap3A_574 = arith.index_cast %scan3A_537 : i32 to index
          %swap3A_575 = arith.index_cast %scan3A_548 : i32 to index
          %swap3A_576 = arith.constant 16 : index
          %swap3A_577 = tpu.vector_load %arg9[%swap3A_573, %swap3A_574, %swap3A_575, %swap3A_576] {strides = array<i32>} : memref<2x4x12x320xf32, #tpu.memory_space<vmem>>, vector<1x1x1x16xf32>,
          %swap3A_578 = vector.shape_cast %swap3A_577 : vector<1x1x1x16xf32> to vector<16xf32>
          %swap3A_579 = vector.shape_cast %get3A_572 : vector<16xf32> to vector<1x1x1x16xf32>
          tpu.vector_store %arg9[%swap3A_573, %swap3A_574, %swap3A_575, %swap3A_576], %swap3A_579 {strides = array<i32>} : memref<2x4x12x320xf32, #tpu.memory_space<vmem>>, vector<1x1x1x16xf32>,
          %add3A_580 = arith.constant 32 : i32
          %add3A_581 = arith.addi %multiple_of3A, %add3A_580 : i32
          %get3A_582 = arith.constant 1 : i32
          %get3A_583 = arith.index_cast %get3A_582 : i32 to index
          %get3A_584 = arith.index_cast %add3A_540 : i32 to index
          %get3A_585 = arith.index_cast %add3A_581 : i32 to index
          %get3A_586 = tpu.vector_load %arg7[%get3A_583, %get3A_584, %get3A_585] {strides = array<i32>} : memref<2x8x768xf32, #tpu.memory_space<vmem>>, vector<1x1x16xf32>,
          %get3A_587 = vector.shape_cast %get3A_586 : vector<1x1x16xf32> to vector<16xf32>
          %swap3A_588 = arith.index_cast %rem3A_459 : i32 to index
          %swap3A_589 = arith.index_cast %scan3A_537 : i32 to index
          %swap3A_590 = arith.index_cast %scan3A_548 : i32 to index
          %swap3A_591 = arith.constant 32 : index
          %swap3A_592 = tpu.vector_load %arg9[%swap3A_588, %swap3A_589, %swap3A_590, %swap3A_591] {strides = array<i32>} : memref<2x4x12x320xf32, #tpu.memory_space<vmem>>, vector<1x1x1x16xf32>,
          %swap3A_593 = vector.shape_cast %swap3A_592 : vector<1x1x1x16xf32> to vector<16xf32>
          %swap3A_594 = vector.shape_cast %get3A_587 : vector<16xf32> to vector<1x1x1x16xf32>
          tpu.vector_store %arg9[%swap3A_588, %swap3A_589, %swap3A_590, %swap3A_591], %swap3A_594 {strides = array<i32>} : memref<2x4x12x320xf32, #tpu.memory_space<vmem>>, vector<1x1x1x16xf32>,
          %add3A_595 = arith.constant 48 : i32
          %add3A_596 = arith.addi %multiple_of3A, %add3A_595 : i32
          %get3A_597 = arith.constant 1 : i32
          %get3A_598 = arith.index_cast %get3A_597 : i32 to index
          %get3A_599 = arith.index_cast %add3A_540 : i32 to index
          %get3A_600 = arith.index_cast %add3A_596 : i32 to index
          %get3A_601 = tpu.vector_load %arg7[%get3A_598, %get3A_599, %get3A_600] {strides = array<i32>} : memref<2x8x768xf32, #tpu.memory_space<vmem>>, vector<1x1x16xf32>,
          %get3A_602 = vector.shape_cast %get3A_601 : vector<1x1x16xf32> to vector<16xf32>
          %swap3A_603 = arith.index_cast %rem3A_459 : i32 to index
          %swap3A_604 = arith.index_cast %scan3A_537 : i32 to index
          %swap3A_605 = arith.index_cast %scan3A_548 : i32 to index
          %swap3A_606 = arith.constant 48 : index
          %swap3A_607 = tpu.vector_load %arg9[%swap3A_603, %swap3A_604, %swap3A_605, %swap3A_606] {strides = array<i32>} : memref<2x4x12x320xf32, #tpu.memory_space<vmem>>, vector<1x1x1x16xf32>,
          %swap3A_608 = vector.shape_cast %swap3A_607 : vector<1x1x1x16xf32> to vector<16xf32>
          %swap3A_609 = vector.shape_cast %get3A_602 : vector<16xf32> to vector<1x1x1x16xf32>
          tpu.vector_store %arg9[%swap3A_603, %swap3A_604, %swap3A_605, %swap3A_606], %swap3A_609 {strides = array<i32>} : memref<2x4x12x320xf32, #tpu.memory_space<vmem>>, vector<1x1x1x16xf32>,
          %add3A_610 = arith.constant 0 : i32
          %add3A_611 = arith.addi %multiple_of3A, %add3A_610 : i32
          %get3A_612 = arith.constant 1 : i32
          %get3A_613 = arith.constant 0 : i32
          %get3A_614 = arith.index_cast %get3A_612 : i32 to index
          %get3A_615 = arith.index_cast %get3A_613 : i32 to index
          %get3A_616 = arith.index_cast %add3A_540 : i32 to index
          %get3A_617 = arith.index_cast %add3A_611 : i32 to index
          %get3A_618 = tpu.vector_load %arg8[%get3A_614, %get3A_615, %get3A_616, %get3A_617] {strides = array<i32>} : memref<2x4x8x768xf32, #tpu.memory_space<vmem>>, vector<1x1x1x16xf32>,
          %get3A_619 = vector.shape_cast %get3A_618 : vector<1x1x1x16xf32> to vector<16xf32>
          %swap3A_620 = arith.index_cast %rem3A_459 : i32 to index
          %swap3A_621 = arith.index_cast %scan3A_537 : i32 to index
          %swap3A_622 = arith.index_cast %scan3A_548 : i32 to index
          %swap3A_623 = arith.constant 64 : index
          %swap3A_624 = tpu.vector_load %arg9[%swap3A_620, %swap3A_621, %swap3A_622, %swap3A_623] {strides = array<i32>} : memref<2x4x12x320xf32, #tpu.memory_space<vmem>>, vector<1x1x1x16xf32>,
          %swap3A_625 = vector.shape_cast %swap3A_624 : vector<1x1x1x16xf32> to vector<16xf32>
          %swap3A_626 = vector.shape_cast %get3A_619 : vector<16xf32> to vector<1x1x1x16xf32>
          tpu.vector_store %arg9[%swap3A_620, %swap3A_621, %swap3A_622, %swap3A_623], %swap3A_626 {strides = array<i32>} : memref<2x4x12x320xf32, #tpu.memory_space<vmem>>, vector<1x1x1x16xf32>,
          %add3A_627 = arith.constant 16 : i32
          %add3A_628 = arith.addi %multiple_of3A, %add3A_627 : i32
          %get3A_629 = arith.constant 1 : i32
          %get3A_630 = arith.constant 0 : i32
          %get3A_631 = arith.index_cast %get3A_629 : i32 to index
          %get3A_632 = arith.index_cast %get3A_630 : i32 to index
          %get3A_633 = arith.index_cast %add3A_540 : i32 to index
          %get3A_634 = arith.index_cast %add3A_628 : i32 to index
          %get3A_635 = tpu.vector_load %arg8[%get3A_631, %get3A_632, %get3A_633, %get3A_634] {strides = array<i32>} : memref<2x4x8x768xf32, #tpu.memory_space<vmem>>, vector<1x1x1x16xf32>,
          %get3A_636 = vector.shape_cast %get3A_635 : vector<1x1x1x16xf32> to vector<16xf32>
          %swap3A_637 = arith.index_cast %rem3A_459 : i32 to index
          %swap3A_638 = arith.index_cast %scan3A_537 : i32 to index
          %swap3A_639 = arith.index_cast %scan3A_548 : i32 to index
          %swap3A_640 = arith.constant 80 : index
          %swap3A_641 = tpu.vector_load %arg9[%swap3A_637, %swap3A_638, %swap3A_639, %swap3A_640] {strides = array<i32>} : memref<2x4x12x320xf32, #tpu.memory_space<vmem>>, vector<1x1x1x16xf32>,
          %swap3A_642 = vector.shape_cast %swap3A_641 : vector<1x1x1x16xf32> to vector<16xf32>
          %swap3A_643 = vector.shape_cast %get3A_636 : vector<16xf32> to vector<1x1x1x16xf32>
          tpu.vector_store %arg9[%swap3A_637, %swap3A_638, %swap3A_639, %swap3A_640], %swap3A_643 {strides = array<i32>} : memref<2x4x12x320xf32, #tpu.memory_space<vmem>>, vector<1x1x1x16xf32>,
          %add3A_644 = arith.constant 32 : i32
          %add3A_645 = arith.addi %multiple_of3A, %add3A_644 : i32
          %get3A_646 = arith.constant 1 : i32
          %get3A_647 = arith.constant 0 : i32
          %get3A_648 = arith.index_cast %get3A_646 : i32 to index
          %get3A_649 = arith.index_cast %get3A_647 : i32 to index
          %get3A_650 = arith.index_cast %add3A_540 : i32 to index
          %get3A_651 = arith.index_cast %add3A_645 : i32 to index
          %get3A_652 = tpu.vector_load %arg8[%get3A_648, %get3A_649, %get3A_650, %get3A_651] {strides = array<i32>} : memref<2x4x8x768xf32, #tpu.memory_space<vmem>>, vector<1x1x1x16xf32>,
          %get3A_653 = vector.shape_cast %get3A_652 : vector<1x1x1x16xf32> to vector<16xf32>
          %swap3A_654 = arith.index_cast %rem3A_459 : i32 to index
          %swap3A_655 = arith.index_cast %scan3A_537 : i32 to index
          %swap3A_656 = arith.index_cast %scan3A_548 : i32 to index
          %swap3A_657 = arith.constant 96 : index
          %swap3A_658 = tpu.vector_load %arg9[%swap3A_654, %swap3A_655, %swap3A_656, %swap3A_657] {strides = array<i32>} : memref<2x4x12x320xf32, #tpu.memory_space<vmem>>, vector<1x1x1x16xf32>,
          %swap3A_659 = vector.shape_cast %swap3A_658 : vector<1x1x1x16xf32> to vector<16xf32>
          %swap3A_660 = vector.shape_cast %get3A_653 : vector<16xf32> to vector<1x1x1x16xf32>
          tpu.vector_store %arg9[%swap3A_654, %swap3A_655, %swap3A_656, %swap3A_657], %swap3A_660 {strides = array<i32>} : memref<2x4x12x320xf32, #tpu.memory_space<vmem>>, vector<1x1x1x16xf32>,
          %add3A_661 = arith.constant 48 : i32
          %add3A_662 = arith.addi %multiple_of3A, %add3A_661 : i32
          %get3A_663 = arith.constant 1 : i32
          %get3A_664 = arith.constant 0 : i32
          %get3A_665 = arith.index_cast %get3A_663 : i32 to index
          %get3A_666 = arith.index_cast %get3A_664 : i32 to index
          %get3A_667 = arith.index_cast %add3A_540 : i32 to index
          %get3A_668 = arith.index_cast %add3A_662 : i32 to index
          %get3A_669 = tpu.vector_load %arg8[%get3A_665, %get3A_666, %get3A_667, %get3A_668] {strides = array<i32>} : memref<2x4x8x768xf32, #tpu.memory_space<vmem>>, vector<1x1x1x16xf32>,
          %get3A_670 = vector.shape_cast %get3A_669 : vector<1x1x1x16xf32> to vector<16xf32>
          %swap3A_671 = arith.index_cast %rem3A_459 : i32 to index
          %swap3A_672 = arith.index_cast %scan3A_537 : i32 to index
          %swap3A_673 = arith.index_cast %scan3A_548 : i32 to index
          %swap3A_674 = arith.constant 112 : index
          %swap3A_675 = tpu.vector_load %arg9[%swap3A_671, %swap3A_672, %swap3A_673, %swap3A_674] {strides = array<i32>} : memref<2x4x12x320xf32, #tpu.memory_space<vmem>>, vector<1x1x1x16xf32>,
          %swap3A_676 = vector.shape_cast %swap3A_675 : vector<1x1x1x16xf32> to vector<16xf32>
          %swap3A_677 = vector.shape_cast %get3A_670 : vector<16xf32> to vector<1x1x1x16xf32>
          tpu.vector_store %arg9[%swap3A_671, %swap3A_672, %swap3A_673, %swap3A_674], %swap3A_677 {strides = array<i32>} : memref<2x4x12x320xf32, #tpu.memory_space<vmem>>, vector<1x1x1x16xf32>,
          %add3A_678 = arith.constant 0 : i32
          %add3A_679 = arith.addi %multiple_of3A, %add3A_678 : i32
          %get3A_680 = arith.constant 1 : i32
          %get3A_681 = arith.constant 1 : i32
          %get3A_682 = arith.index_cast %get3A_680 : i32 to index
          %get3A_683 = arith.index_cast %get3A_681 : i32 to index
          %get3A_684 = arith.index_cast %add3A_540 : i32 to index
          %get3A_685 = arith.index_cast %add3A_679 : i32 to index
          %get3A_686 = tpu.vector_load %arg8[%get3A_682, %get3A_683, %get3A_684, %get3A_685] {strides = array<i32>} : memref<2x4x8x768xf32, #tpu.memory_space<vmem>>, vector<1x1x1x16xf32>,
          %get3A_687 = vector.shape_cast %get3A_686 : vector<1x1x1x16xf32> to vector<16xf32>
          %swap3A_688 = arith.index_cast %rem3A_459 : i32 to index
          %swap3A_689 = arith.index_cast %scan3A_537 : i32 to index
          %swap3A_690 = arith.index_cast %scan3A_548 : i32 to index
          %swap3A_691 = arith.constant 128 : index
          %swap3A_692 = tpu.vector_load %arg9[%swap3A_688, %swap3A_689, %swap3A_690, %swap3A_691] {strides = array<i32>} : memref<2x4x12x320xf32, #tpu.memory_space<vmem>>, vector<1x1x1x16xf32>,
          %swap3A_693 = vector.shape_cast %swap3A_692 : vector<1x1x1x16xf32> to vector<16xf32>
          %swap3A_694 = vector.shape_cast %get3A_687 : vector<16xf32> to vector<1x1x1x16xf32>
          tpu.vector_store %arg9[%swap3A_688, %swap3A_689, %swap3A_690, %swap3A_691], %swap3A_694 {strides = array<i32>} : memref<2x4x12x320xf32, #tpu.memory_space<vmem>>, vector<1x1x1x16xf32>,
          %add3A_695 = arith.constant 16 : i32
          %add3A_696 = arith.addi %multiple_of3A, %add3A_695 : i32
          %get3A_697 = arith.constant 1 : i32
          %get3A_698 = arith.constant 1 : i32
          %get3A_699 = arith.index_cast %get3A_697 : i32 to index
          %get3A_700 = arith.index_cast %get3A_698 : i32 to index
          %get3A_701 = arith.index_cast %add3A_540 : i32 to index
          %get3A_702 = arith.index_cast %add3A_696 : i32 to index
          %get3A_703 = tpu.vector_load %arg8[%get3A_699, %get3A_700, %get3A_701, %get3A_702] {strides = array<i32>} : memref<2x4x8x768xf32, #tpu.memory_space<vmem>>, vector<1x1x1x16xf32>,
          %get3A_704 = vector.shape_cast %get3A_703 : vector<1x1x1x16xf32> to vector<16xf32>
          %swap3A_705 = arith.index_cast %rem3A_459 : i32 to index
          %swap3A_706 = arith.index_cast %scan3A_537 : i32 to index
          %swap3A_707 = arith.index_cast %scan3A_548 : i32 to index
          %swap3A_708 = arith.constant 144 : index
          %swap3A_709 = tpu.vector_load %arg9[%swap3A_705, %swap3A_706, %swap3A_707, %swap3A_708] {strides = array<i32>} : memref<2x4x12x320xf32, #tpu.memory_space<vmem>>, vector<1x1x1x16xf32>,
          %swap3A_710 = vector.shape_cast %swap3A_709 : vector<1x1x1x16xf32> to vector<16xf32>
          %swap3A_711 = vector.shape_cast %get3A_704 : vector<16xf32> to vector<1x1x1x16xf32>
          tpu.vector_store %arg9[%swap3A_705, %swap3A_706, %swap3A_707, %swap3A_708], %swap3A_711 {strides = array<i32>} : memref<2x4x12x320xf32, #tpu.memory_space<vmem>>, vector<1x1x1x16xf32>,
          %add3A_712 = arith.constant 32 : i32
          %add3A_713 = arith.addi %multiple_of3A, %add3A_712 : i32
          %get3A_714 = arith.constant 1 : i32
          %get3A_715 = arith.constant 1 : i32
          %get3A_716 = arith.index_cast %get3A_714 : i32 to index
          %get3A_717 = arith.index_cast %get3A_715 : i32 to index
          %get3A_718 = arith.index_cast %add3A_540 : i32 to index
          %get3A_719 = arith.index_cast %add3A_713 : i32 to index
          %get3A_720 = tpu.vector_load %arg8[%get3A_716, %get3A_717, %get3A_718, %get3A_719] {strides = array<i32>} : memref<2x4x8x768xf32, #tpu.memory_space<vmem>>, vector<1x1x1x16xf32>,
          %get3A_721 = vector.shape_cast %get3A_720 : vector<1x1x1x16xf32> to vector<16xf32>
          %swap3A_722 = arith.index_cast %rem3A_459 : i32 to index
          %swap3A_723 = arith.index_cast %scan3A_537 : i32 to index
          %swap3A_724 = arith.index_cast %scan3A_548 : i32 to index
          %swap3A_725 = arith.constant 160 : index
          %swap3A_726 = tpu.vector_load %arg9[%swap3A_722, %swap3A_723, %swap3A_724, %swap3A_725] {strides = array<i32>} : memref<2x4x12x320xf32, #tpu.memory_space<vmem>>, vector<1x1x1x16xf32>,
          %swap3A_727 = vector.shape_cast %swap3A_726 : vector<1x1x1x16xf32> to vector<16xf32>
          %swap3A_728 = vector.shape_cast %get3A_721 : vector<16xf32> to vector<1x1x1x16xf32>
          tpu.vector_store %arg9[%swap3A_722, %swap3A_723, %swap3A_724, %swap3A_725], %swap3A_728 {strides = array<i32>} : memref<2x4x12x320xf32, #tpu.memory_space<vmem>>, vector<1x1x1x16xf32>,
          %add3A_729 = arith.constant 48 : i32
          %add3A_730 = arith.addi %multiple_of3A, %add3A_729 : i32
          %get3A_731 = arith.constant 1 : i32
          %get3A_732 = arith.constant 1 : i32
          %get3A_733 = arith.index_cast %get3A_731 : i32 to index
          %get3A_734 = arith.index_cast %get3A_732 : i32 to index
          %get3A_735 = arith.index_cast %add3A_540 : i32 to index
          %get3A_736 = arith.index_cast %add3A_730 : i32 to index
          %get3A_737 = tpu.vector_load %arg8[%get3A_733, %get3A_734, %get3A_735, %get3A_736] {strides = array<i32>} : memref<2x4x8x768xf32, #tpu.memory_space<vmem>>, vector<1x1x1x16xf32>,
          %get3A_738 = vector.shape_cast %get3A_737 : vector<1x1x1x16xf32> to vector<16xf32>
          %swap3A_739 = arith.index_cast %rem3A_459 : i32 to index
          %swap3A_740 = arith.index_cast %scan3A_537 : i32 to index
          %swap3A_741 = arith.index_cast %scan3A_548 : i32 to index
          %swap3A_742 = arith.constant 176 : index
          %swap3A_743 = tpu.vector_load %arg9[%swap3A_739, %swap3A_740, %swap3A_741, %swap3A_742] {strides = array<i32>} : memref<2x4x12x320xf32, #tpu.memory_space<vmem>>, vector<1x1x1x16xf32>,
          %swap3A_744 = vector.shape_cast %swap3A_743 : vector<1x1x1x16xf32> to vector<16xf32>
          %swap3A_745 = vector.shape_cast %get3A_738 : vector<16xf32> to vector<1x1x1x16xf32>
          tpu.vector_store %arg9[%swap3A_739, %swap3A_740, %swap3A_741, %swap3A_742], %swap3A_745 {strides = array<i32>} : memref<2x4x12x320xf32, #tpu.memory_space<vmem>>, vector<1x1x1x16xf32>,
          %add3A_746 = arith.constant 0 : i32
          %add3A_747 = arith.addi %multiple_of3A, %add3A_746 : i32
          %get3A_748 = arith.constant 1 : i32
          %get3A_749 = arith.constant 2 : i32
          %get3A_750 = arith.index_cast %get3A_748 : i32 to index
          %get3A_751 = arith.index_cast %get3A_749 : i32 to index
          %get3A_752 = arith.index_cast %add3A_540 : i32 to index
          %get3A_753 = arith.index_cast %add3A_747 : i32 to index
          %get3A_754 = tpu.vector_load %arg8[%get3A_750, %get3A_751, %get3A_752, %get3A_753] {strides = array<i32>} : memref<2x4x8x768xf32, #tpu.memory_space<vmem>>, vector<1x1x1x16xf32>,
          %get3A_755 = vector.shape_cast %get3A_754 : vector<1x1x1x16xf32> to vector<16xf32>
          %swap3A_756 = arith.index_cast %rem3A_459 : i32 to index
          %swap3A_757 = arith.index_cast %scan3A_537 : i32 to index
          %swap3A_758 = arith.index_cast %scan3A_548 : i32 to index
          %swap3A_759 = arith.constant 192 : index
          %swap3A_760 = tpu.vector_load %arg9[%swap3A_756, %swap3A_757, %swap3A_758, %swap3A_759] {strides = array<i32>} : memref<2x4x12x320xf32, #tpu.memory_space<vmem>>, vector<1x1x1x16xf32>,
          %swap3A_761 = vector.shape_cast %swap3A_760 : vector<1x1x1x16xf32> to vector<16xf32>
          %swap3A_762 = vector.shape_cast %get3A_755 : vector<16xf32> to vector<1x1x1x16xf32>
          tpu.vector_store %arg9[%swap3A_756, %swap3A_757, %swap3A_758, %swap3A_759], %swap3A_762 {strides = array<i32>} : memref<2x4x12x320xf32, #tpu.memory_space<vmem>>, vector<1x1x1x16xf32>,
          %add3A_763 = arith.constant 16 : i32
          %add3A_764 = arith.addi %multiple_of3A, %add3A_763 : i32
          %get3A_765 = arith.constant 1 : i32
          %get3A_766 = arith.constant 2 : i32
          %get3A_767 = arith.index_cast %get3A_765 : i32 to index
          %get3A_768 = arith.index_cast %get3A_766 : i32 to index
          %get3A_769 = arith.index_cast %add3A_540 : i32 to index
          %get3A_770 = arith.index_cast %add3A_764 : i32 to index
          %get3A_771 = tpu.vector_load %arg8[%get3A_767, %get3A_768, %get3A_769, %get3A_770] {strides = array<i32>} : memref<2x4x8x768xf32, #tpu.memory_space<vmem>>, vector<1x1x1x16xf32>,
          %get3A_772 = vector.shape_cast %get3A_771 : vector<1x1x1x16xf32> to vector<16xf32>
          %swap3A_773 = arith.index_cast %rem3A_459 : i32 to index
          %swap3A_774 = arith.index_cast %scan3A_537 : i32 to index
          %swap3A_775 = arith.index_cast %scan3A_548 : i32 to index
          %swap3A_776 = arith.constant 208 : index
          %swap3A_777 = tpu.vector_load %arg9[%swap3A_773, %swap3A_774, %swap3A_775, %swap3A_776] {strides = array<i32>} : memref<2x4x12x320xf32, #tpu.memory_space<vmem>>, vector<1x1x1x16xf32>,
          %swap3A_778 = vector.shape_cast %swap3A_777 : vector<1x1x1x16xf32> to vector<16xf32>
          %swap3A_779 = vector.shape_cast %get3A_772 : vector<16xf32> to vector<1x1x1x16xf32>
          tpu.vector_store %arg9[%swap3A_773, %swap3A_774, %swap3A_775, %swap3A_776], %swap3A_779 {strides = array<i32>} : memref<2x4x12x320xf32, #tpu.memory_space<vmem>>, vector<1x1x1x16xf32>,
          %add3A_780 = arith.constant 32 : i32
          %add3A_781 = arith.addi %multiple_of3A, %add3A_780 : i32
          %get3A_782 = arith.constant 1 : i32
          %get3A_783 = arith.constant 2 : i32
          %get3A_784 = arith.index_cast %get3A_782 : i32 to index
          %get3A_785 = arith.index_cast %get3A_783 : i32 to index
          %get3A_786 = arith.index_cast %add3A_540 : i32 to index
          %get3A_787 = arith.index_cast %add3A_781 : i32 to index
          %get3A_788 = tpu.vector_load %arg8[%get3A_784, %get3A_785, %get3A_786, %get3A_787] {strides = array<i32>} : memref<2x4x8x768xf32, #tpu.memory_space<vmem>>, vector<1x1x1x16xf32>,
          %get3A_789 = vector.shape_cast %get3A_788 : vector<1x1x1x16xf32> to vector<16xf32>
          %swap3A_790 = arith.index_cast %rem3A_459 : i32 to index
          %swap3A_791 = arith.index_cast %scan3A_537 : i32 to index
          %swap3A_792 = arith.index_cast %scan3A_548 : i32 to index
          %swap3A_793 = arith.constant 224 : index
          %swap3A_794 = tpu.vector_load %arg9[%swap3A_790, %swap3A_791, %swap3A_792, %swap3A_793] {strides = array<i32>} : memref<2x4x12x320xf32, #tpu.memory_space<vmem>>, vector<1x1x1x16xf32>,
          %swap3A_795 = vector.shape_cast %swap3A_794 : vector<1x1x1x16xf32> to vector<16xf32>
          %swap3A_796 = vector.shape_cast %get3A_789 : vector<16xf32> to vector<1x1x1x16xf32>
          tpu.vector_store %arg9[%swap3A_790, %swap3A_791, %swap3A_792, %swap3A_793], %swap3A_796 {strides = array<i32>} : memref<2x4x12x320xf32, #tpu.memory_space<vmem>>, vector<1x1x1x16xf32>,
          %add3A_797 = arith.constant 48 : i32
          %add3A_798 = arith.addi %multiple_of3A, %add3A_797 : i32
          %get3A_799 = arith.constant 1 : i32
          %get3A_800 = arith.constant 2 : i32
          %get3A_801 = arith.index_cast %get3A_799 : i32 to index
          %get3A_802 = arith.index_cast %get3A_800 : i32 to index
          %get3A_803 = arith.index_cast %add3A_540 : i32 to index
          %get3A_804 = arith.index_cast %add3A_798 : i32 to index
          %get3A_805 = tpu.vector_load %arg8[%get3A_801, %get3A_802, %get3A_803, %get3A_804] {strides = array<i32>} : memref<2x4x8x768xf32, #tpu.memory_space<vmem>>, vector<1x1x1x16xf32>,
          %get3A_806 = vector.shape_cast %get3A_805 : vector<1x1x1x16xf32> to vector<16xf32>
          %swap3A_807 = arith.index_cast %rem3A_459 : i32 to index
          %swap3A_808 = arith.index_cast %scan3A_537 : i32 to index
          %swap3A_809 = arith.index_cast %scan3A_548 : i32 to index
          %swap3A_810 = arith.constant 240 : index
          %swap3A_811 = tpu.vector_load %arg9[%swap3A_807, %swap3A_808, %swap3A_809, %swap3A_810] {strides = array<i32>} : memref<2x4x12x320xf32, #tpu.memory_space<vmem>>, vector<1x1x1x16xf32>,
          %swap3A_812 = vector.shape_cast %swap3A_811 : vector<1x1x1x16xf32> to vector<16xf32>
          %swap3A_813 = vector.shape_cast %get3A_806 : vector<16xf32> to vector<1x1x1x16xf32>
          tpu.vector_store %arg9[%swap3A_807, %swap3A_808, %swap3A_809, %swap3A_810], %swap3A_813 {strides = array<i32>} : memref<2x4x12x320xf32, #tpu.memory_space<vmem>>, vector<1x1x1x16xf32>,
          %add3A_814 = arith.constant 0 : i32
          %add3A_815 = arith.addi %multiple_of3A, %add3A_814 : i32
          %get3A_816 = arith.constant 1 : i32
          %get3A_817 = arith.constant 3 : i32
          %get3A_818 = arith.index_cast %get3A_816 : i32 to index
          %get3A_819 = arith.index_cast %get3A_817 : i32 to index
          %get3A_820 = arith.index_cast %add3A_540 : i32 to index
          %get3A_821 = arith.index_cast %add3A_815 : i32 to index
          %get3A_822 = tpu.vector_load %arg8[%get3A_818, %get3A_819, %get3A_820, %get3A_821] {strides = array<i32>} : memref<2x4x8x768xf32, #tpu.memory_space<vmem>>, vector<1x1x1x16xf32>,
          %get3A_823 = vector.shape_cast %get3A_822 : vector<1x1x1x16xf32> to vector<16xf32>
          %swap3A_824 = arith.index_cast %rem3A_459 : i32 to index
          %swap3A_825 = arith.index_cast %scan3A_537 : i32 to index
          %swap3A_826 = arith.index_cast %scan3A_548 : i32 to index
          %swap3A_827 = arith.constant 256 : index
          %swap3A_828 = tpu.vector_load %arg9[%swap3A_824, %swap3A_825, %swap3A_826, %swap3A_827] {strides = array<i32>} : memref<2x4x12x320xf32, #tpu.memory_space<vmem>>, vector<1x1x1x16xf32>,
          %swap3A_829 = vector.shape_cast %swap3A_828 : vector<1x1x1x16xf32> to vector<16xf32>
          %swap3A_830 = vector.shape_cast %get3A_823 : vector<16xf32> to vector<1x1x1x16xf32>
          tpu.vector_store %arg9[%swap3A_824, %swap3A_825, %swap3A_826, %swap3A_827], %swap3A_830 {strides = array<i32>} : memref<2x4x12x320xf32, #tpu.memory_space<vmem>>, vector<1x1x1x16xf32>,
          %add3A_831 = arith.constant 16 : i32
          %add3A_832 = arith.addi %multiple_of3A, %add3A_831 : i32
          %get3A_833 = arith.constant 1 : i32
          %get3A_834 = arith.constant 3 : i32
          %get3A_835 = arith.index_cast %get3A_833 : i32 to index
          %get3A_836 = arith.index_cast %get3A_834 : i32 to index
          %get3A_837 = arith.index_cast %add3A_540 : i32 to index
          %get3A_838 = arith.index_cast %add3A_832 : i32 to index
          %get3A_839 = tpu.vector_load %arg8[%get3A_835, %get3A_836, %get3A_837, %get3A_838] {strides = array<i32>} : memref<2x4x8x768xf32, #tpu.memory_space<vmem>>, vector<1x1x1x16xf32>,
          %get3A_840 = vector.shape_cast %get3A_839 : vector<1x1x1x16xf32> to vector<16xf32>
          %swap3A_841 = arith.index_cast %rem3A_459 : i32 to index
          %swap3A_842 = arith.index_cast %scan3A_537 : i32 to index
          %swap3A_843 = arith.index_cast %scan3A_548 : i32 to index
          %swap3A_844 = arith.constant 272 : index
          %swap3A_845 = tpu.vector_load %arg9[%swap3A_841, %swap3A_842, %swap3A_843, %swap3A_844] {strides = array<i32>} : memref<2x4x12x320xf32, #tpu.memory_space<vmem>>, vector<1x1x1x16xf32>,
          %swap3A_846 = vector.shape_cast %swap3A_845 : vector<1x1x1x16xf32> to vector<16xf32>
          %swap3A_847 = vector.shape_cast %get3A_840 : vector<16xf32> to vector<1x1x1x16xf32>
          tpu.vector_store %arg9[%swap3A_841, %swap3A_842, %swap3A_843, %swap3A_844], %swap3A_847 {strides = array<i32>} : memref<2x4x12x320xf32, #tpu.memory_space<vmem>>, vector<1x1x1x16xf32>,
          %add3A_848 = arith.constant 32 : i32
          %add3A_849 = arith.addi %multiple_of3A, %add3A_848 : i32
          %get3A_850 = arith.constant 1 : i32
          %get3A_851 = arith.constant 3 : i32
          %get3A_852 = arith.index_cast %get3A_850 : i32 to index
          %get3A_853 = arith.index_cast %get3A_851 : i32 to index
          %get3A_854 = arith.index_cast %add3A_540 : i32 to index
          %get3A_855 = arith.index_cast %add3A_849 : i32 to index
          %get3A_856 = tpu.vector_load %arg8[%get3A_852, %get3A_853, %get3A_854, %get3A_855] {strides = array<i32>} : memref<2x4x8x768xf32, #tpu.memory_space<vmem>>, vector<1x1x1x16xf32>,
          %get3A_857 = vector.shape_cast %get3A_856 : vector<1x1x1x16xf32> to vector<16xf32>
          %swap3A_858 = arith.index_cast %rem3A_459 : i32 to index
          %swap3A_859 = arith.index_cast %scan3A_537 : i32 to index
          %swap3A_860 = arith.index_cast %scan3A_548 : i32 to index
          %swap3A_861 = arith.constant 288 : index
          %swap3A_862 = tpu.vector_load %arg9[%swap3A_858, %swap3A_859, %swap3A_860, %swap3A_861] {strides = array<i32>} : memref<2x4x12x320xf32, #tpu.memory_space<vmem>>, vector<1x1x1x16xf32>,
          %swap3A_863 = vector.shape_cast %swap3A_862 : vector<1x1x1x16xf32> to vector<16xf32>
          %swap3A_864 = vector.shape_cast %get3A_857 : vector<16xf32> to vector<1x1x1x16xf32>
          tpu.vector_store %arg9[%swap3A_858, %swap3A_859, %swap3A_860, %swap3A_861], %swap3A_864 {strides = array<i32>} : memref<2x4x12x320xf32, #tpu.memory_space<vmem>>, vector<1x1x1x16xf32>,
          %add3A_865 = arith.constant 48 : i32
          %add3A_866 = arith.addi %multiple_of3A, %add3A_865 : i32
          %get3A_867 = arith.constant 1 : i32
          %get3A_868 = arith.constant 3 : i32
          %get3A_869 = arith.index_cast %get3A_867 : i32 to index
          %get3A_870 = arith.index_cast %get3A_868 : i32 to index
          %get3A_871 = arith.index_cast %add3A_540 : i32 to index
          %get3A_872 = arith.index_cast %add3A_866 : i32 to index
          %get3A_873 = tpu.vector_load %arg8[%get3A_869, %get3A_870, %get3A_871, %get3A_872] {strides = array<i32>} : memref<2x4x8x768xf32, #tpu.memory_space<vmem>>, vector<1x1x1x16xf32>,
          %get3A_874 = vector.shape_cast %get3A_873 : vector<1x1x1x16xf32> to vector<16xf32>
          %swap3A_875 = arith.index_cast %rem3A_459 : i32 to index
          %swap3A_876 = arith.index_cast %scan3A_537 : i32 to index
          %swap3A_877 = arith.index_cast %scan3A_548 : i32 to index
          %swap3A_878 = arith.constant 304 : index
          %swap3A_879 = tpu.vector_load %arg9[%swap3A_875, %swap3A_876, %swap3A_877, %swap3A_878] {strides = array<i32>} : memref<2x4x12x320xf32, #tpu.memory_space<vmem>>, vector<1x1x1x16xf32>,
          %swap3A_880 = vector.shape_cast %swap3A_879 : vector<1x1x1x16xf32> to vector<16xf32>
          %swap3A_881 = vector.shape_cast %get3A_874 : vector<16xf32> to vector<1x1x1x16xf32>
          tpu.vector_store %arg9[%swap3A_875, %swap3A_876, %swap3A_877, %swap3A_878], %swap3A_881 {strides = array<i32>} : memref<2x4x12x320xf32, #tpu.memory_space<vmem>>, vector<1x1x1x16xf32>,
          %scan3A_882 = arith.constant 0 : i32
          scf.yield %scan3A_882 : i32
        }
        %scan3A_547 = arith.constant 12 : i32
        scf.yield %scan3A_546 : i32
      }
      %scan3A_471 = arith.constant 4 : i32
      %mul3A_472 = arith.constant 8 : i32
      %mul3A_473 = arith.muli %add3A_355, %mul3A_472 : i32
      %add3A_474 = arith.addi %mul3A_32, %mul3A_473 : i32
      %add3A_475 = arith.constant 0 : i32
      %add3A_476 = arith.addi %add3A_474, %add3A_475 : i32
      %dma_start3A_477 = arith.constant 0 : i32
      %dma_start3A_478 = arith.constant 0 : i32
      %dma_start3A_479 = arith.constant 0 : i32
      %dma_start3A_480 = tpu.memref_slice %arg9[%rem3A_459, %dma_start3A_477, %dma_start3A_478, %dma_start3A_479] : memref<2x4x12x320xf32, #tpu.memory_space<vmem>> -> memref<1x4x12x320xf32, #tpu.memory_space<vmem>>
      %dma_start3A_481 = tpu.memref_squeeze %dma_start3A_480 : memref<1x4x12x320xf32, #tpu.memory_space<vmem>> -> memref<4x12x320xf32, #tpu.memory_space<vmem>>
      %dma_start3A_482 = arith.constant 0 : i32
      %dma_start3A_483 = arith.constant 0 : i32
      %dma_start3A_484 = tpu.memref_slice %arg5[%select_n3A, %add3A_476, %dma_start3A_482, %dma_start3A_483] : memref<4x2048x12x320xf32, #tpu.memory_space<hbm>> -> memref<1x4x12x320xf32, #tpu.memory_space<hbm>>
      %dma_start3A_485 = tpu.memref_squeeze %dma_start3A_484 : memref<1x4x12x320xf32, #tpu.memory_space<hbm>> -> memref<4x12x320xf32, #tpu.memory_space<hbm>>
      %dma_start3A_486 = arith.constant 0 : i32
      %dma_start3A_487 = arith.constant 0 : i32
      %dma_start3A_488 = tpu.memref_slice %arg5[%select_n3A, %add3A_476, %dma_start3A_486, %dma_start3A_487] : memref<4x2048x12x320xf32, #tpu.memory_space<hbm>> -> memref<1x4x12x320xf32, #tpu.memory_space<hbm>>
      %dma_start3A_489 = tpu.memref_squeeze %dma_start3A_488 : memref<1x4x12x320xf32, #tpu.memory_space<hbm>> -> memref<4x12x320xf32, #tpu.memory_space<hbm>>
      %dma_start3A_490 = arith.constant 0 : i32
      %dma_start3A_491 = arith.constant 0 : i32
      %dma_start3A_492 = arith.constant 0 : i32
      %dma_start3A_493 = tpu.memref_slice %arg9[%rem3A_459, %dma_start3A_490, %dma_start3A_491, %dma_start3A_492] : memref<2x4x12x320xf32, #tpu.memory_space<vmem>> -> memref<1x4x12x320xf32, #tpu.memory_space<vmem>>
      %dma_start3A_494 = tpu.memref_squeeze %dma_start3A_493 : memref<1x4x12x320xf32, #tpu.memory_space<vmem>> -> memref<4x12x320xf32, #tpu.memory_space<vmem>>
      tpu.enqueue_dma source(%dma_start3A_494 : memref<4x12x320xf32, #tpu.memory_space<vmem>>) target(%dma_start3A_489 : memref<4x12x320xf32, #tpu.memory_space<hbm>>) target_semaphore(%arg12 : memref<!tpu.dma_semaphore, #tpu.memory_space<semaphore_mem>>)
      %mul3A_495 = arith.constant 2 : i32
      %mul3A_496 = arith.muli %mul3A_495, %add3A_355 : i32
      %add3A_497 = arith.constant 1 : i32
      %add3A_498 = arith.addi %mul3A_496, %add3A_497 : i32
      %rem3A_499 = arith.constant 2 : i32
      %rem3A_500 = arith.remsi %add3A_498, %rem3A_499 : i32
      %ge3A_501 = arith.constant 2 : i32
      %ge3A_502 = arith.cmpi sge, %add3A_498, %ge3A_501 : i32
      %convert_element_type3A_503 = arith.extui %ge3A_502 : i1 to i32
      %cond3A_504 = arith.constant 0 : i32
      %cond3A_505 = arith.cmpi ne, %convert_element_type3A_503, %cond3A_504 : i32
      scf.if %cond3A_505 {
        %mul3A_537 = arith.constant 8 : i32
        %mul3A_538 = arith.muli %add3A_355, %mul3A_537 : i32
        %add3A_539 = arith.addi %mul3A_32, %mul3A_538 : i32
        %add3A_540 = arith.constant 4 : i32
        %add3A_541 = arith.addi %add3A_539, %add3A_540 : i32
        %dma_wait3A_542 = arith.constant 0 : i32
        %dma_wait3A_543 = arith.constant 0 : i32
        %dma_wait3A_544 = arith.constant 0 : i32
        %dma_wait3A_545 = tpu.memref_slice %arg9[%rem3A_500, %dma_wait3A_542, %dma_wait3A_543, %dma_wait3A_544] : memref<2x4x12x320xf32, #tpu.memory_space<vmem>> -> memref<1x4x12x320xf32, #tpu.memory_space<vmem>>
        %dma_wait3A_546 = tpu.memref_squeeze %dma_wait3A_545 : memref<1x4x12x320xf32, #tpu.memory_space<vmem>> -> memref<4x12x320xf32, #tpu.memory_space<vmem>>
        %dma_wait3A_547 = arith.constant 0 : i32
        %dma_wait3A_548 = arith.constant 0 : i32
        %dma_wait3A_549 = tpu.memref_slice %arg5[%select_n3A, %add3A_541, %dma_wait3A_547, %dma_wait3A_548] : memref<4x2048x12x320xf32, #tpu.memory_space<hbm>> -> memref<1x4x12x320xf32, #tpu.memory_space<hbm>>
        %dma_wait3A_550 = tpu.memref_squeeze %dma_wait3A_549 : memref<1x4x12x320xf32, #tpu.memory_space<hbm>> -> memref<4x12x320xf32, #tpu.memory_space<hbm>>
        %dma_wait3A_551 = arith.constant 0 : i32
        %dma_wait3A_552 = arith.constant 0 : i32
        %dma_wait3A_553 = tpu.memref_slice %arg5[%select_n3A, %add3A_541, %dma_wait3A_551, %dma_wait3A_552] : memref<4x2048x12x320xf32, #tpu.memory_space<hbm>> -> memref<1x4x12x320xf32, #tpu.memory_space<hbm>>
        %dma_wait3A_554 = tpu.memref_squeeze %dma_wait3A_553 : memref<1x4x12x320xf32, #tpu.memory_space<hbm>> -> memref<4x12x320xf32, #tpu.memory_space<hbm>>
        %dma_wait3A_555 = arith.constant 0 : i32
        %dma_wait3A_556 = arith.constant 0 : i32
        %dma_wait3A_557 = arith.constant 0 : i32
        %dma_wait3A_558 = tpu.memref_slice %arg9[%rem3A_500, %dma_wait3A_555, %dma_wait3A_556, %dma_wait3A_557] : memref<2x4x12x320xf32, #tpu.memory_space<vmem>> -> memref<1x4x12x320xf32, #tpu.memory_space<vmem>>
        %dma_wait3A_559 = tpu.memref_squeeze %dma_wait3A_558 : memref<1x4x12x320xf32, #tpu.memory_space<vmem>> -> memref<4x12x320xf32, #tpu.memory_space<vmem>>
        tpu.wait_dma2 semaphore(%arg12 : memref<!tpu.dma_semaphore, #tpu.memory_space<semaphore_mem>>) src(%dma_wait3A_559 : memref<4x12x320xf32, #tpu.memory_space<vmem>>) dst(%dma_wait3A_554 : memref<4x12x320xf32, #tpu.memory_space<hbm>>)
      } else {
      }
      %scan3A_506 = arith.constant 0 : i32
      %scan3A_507 = arith.constant 0 : i32
      %scan3A_508 = arith.constant 4 : i32
      %scan3A_509 = arith.addi %scan3A_507, %scan3A_508 : i32
      %scan3A_510 = arith.constant 1 : i32
      %scan3A_511 = scf.for %scan3A_537 = %scan3A_507 to %scan3A_509 step %scan3A_510 iter_args(%scan3A_538 = %scan3A_506) -> (i32)  : i32 {
        %add3A_539 = arith.constant 4 : i32
        %add3A_540 = arith.addi %add3A_539, %scan3A_537 : i32
        %scan3A_541 = arith.constant 0 : i32
        %scan3A_542 = arith.constant 0 : i32
        %scan3A_543 = arith.constant 12 : i32
        %scan3A_544 = arith.addi %scan3A_542, %scan3A_543 : i32
        %scan3A_545 = arith.constant 1 : i32
        %scan3A_546 = scf.for %scan3A_548 = %scan3A_542 to %scan3A_544 step %scan3A_545 iter_args(%scan3A_549 = %scan3A_541) -> (i32)  : i32 {
          %mul3A_550 = arith.constant 64 : i32
          %mul3A_551 = arith.muli %scan3A_548, %mul3A_550 : i32
          %multiple_of3A = tpu.assume_multiple %mul3A_551, 16 : i32
          %add3A_552 = arith.constant 0 : i32
          %add3A_553 = arith.addi %multiple_of3A, %add3A_552 : i32
          %get3A = arith.constant 1 : i32
          %get3A_554 = arith.index_cast %get3A : i32 to index
          %get3A_555 = arith.index_cast %add3A_540 : i32 to index
          %get3A_556 = arith.index_cast %add3A_553 : i32 to index
          %get3A_557 = tpu.vector_load %arg7[%get3A_554, %get3A_555, %get3A_556] {strides = array<i32>} : memref<2x8x768xf32, #tpu.memory_space<vmem>>, vector<1x1x16xf32>,
          %get3A_558 = vector.shape_cast %get3A_557 : vector<1x1x16xf32> to vector<16xf32>
          %swap3A = arith.index_cast %rem3A_500 : i32 to index
          %swap3A_559 = arith.index_cast %scan3A_537 : i32 to index
          %swap3A_560 = arith.index_cast %scan3A_548 : i32 to index
          %swap3A_561 = arith.constant 0 : index
          %swap3A_562 = tpu.vector_load %arg9[%swap3A, %swap3A_559, %swap3A_560, %swap3A_561] {strides = array<i32>} : memref<2x4x12x320xf32, #tpu.memory_space<vmem>>, vector<1x1x1x16xf32>,
          %swap3A_563 = vector.shape_cast %swap3A_562 : vector<1x1x1x16xf32> to vector<16xf32>
          %swap3A_564 = vector.shape_cast %get3A_558 : vector<16xf32> to vector<1x1x1x16xf32>
          tpu.vector_store %arg9[%swap3A, %swap3A_559, %swap3A_560, %swap3A_561], %swap3A_564 {strides = array<i32>} : memref<2x4x12x320xf32, #tpu.memory_space<vmem>>, vector<1x1x1x16xf32>,
          %add3A_565 = arith.constant 16 : i32
          %add3A_566 = arith.addi %multiple_of3A, %add3A_565 : i32
          %get3A_567 = arith.constant 1 : i32
          %get3A_568 = arith.index_cast %get3A_567 : i32 to index
          %get3A_569 = arith.index_cast %add3A_540 : i32 to index
          %get3A_570 = arith.index_cast %add3A_566 : i32 to index
          %get3A_571 = tpu.vector_load %arg7[%get3A_568, %get3A_569, %get3A_570] {strides = array<i32>} : memref<2x8x768xf32, #tpu.memory_space<vmem>>, vector<1x1x16xf32>,
          %get3A_572 = vector.shape_cast %get3A_571 : vector<1x1x16xf32> to vector<16xf32>
          %swap3A_573 = arith.index_cast %rem3A_500 : i32 to index
          %swap3A_574 = arith.index_cast %scan3A_537 : i32 to index
          %swap3A_575 = arith.index_cast %scan3A_548 : i32 to index
          %swap3A_576 = arith.constant 16 : index
          %swap3A_577 = tpu.vector_load %arg9[%swap3A_573, %swap3A_574, %swap3A_575, %swap3A_576] {strides = array<i32>} : memref<2x4x12x320xf32, #tpu.memory_space<vmem>>, vector<1x1x1x16xf32>,
          %swap3A_578 = vector.shape_cast %swap3A_577 : vector<1x1x1x16xf32> to vector<16xf32>
          %swap3A_579 = vector.shape_cast %get3A_572 : vector<16xf32> to vector<1x1x1x16xf32>
          tpu.vector_store %arg9[%swap3A_573, %swap3A_574, %swap3A_575, %swap3A_576], %swap3A_579 {strides = array<i32>} : memref<2x4x12x320xf32, #tpu.memory_space<vmem>>, vector<1x1x1x16xf32>,
          %add3A_580 = arith.constant 32 : i32
          %add3A_581 = arith.addi %multiple_of3A, %add3A_580 : i32
          %get3A_582 = arith.constant 1 : i32
          %get3A_583 = arith.index_cast %get3A_582 : i32 to index
          %get3A_584 = arith.index_cast %add3A_540 : i32 to index
          %get3A_585 = arith.index_cast %add3A_581 : i32 to index
          %get3A_586 = tpu.vector_load %arg7[%get3A_583, %get3A_584, %get3A_585] {strides = array<i32>} : memref<2x8x768xf32, #tpu.memory_space<vmem>>, vector<1x1x16xf32>,
          %get3A_587 = vector.shape_cast %get3A_586 : vector<1x1x16xf32> to vector<16xf32>
          %swap3A_588 = arith.index_cast %rem3A_500 : i32 to index
          %swap3A_589 = arith.index_cast %scan3A_537 : i32 to index
          %swap3A_590 = arith.index_cast %scan3A_548 : i32 to index
          %swap3A_591 = arith.constant 32 : index
          %swap3A_592 = tpu.vector_load %arg9[%swap3A_588, %swap3A_589, %swap3A_590, %swap3A_591] {strides = array<i32>} : memref<2x4x12x320xf32, #tpu.memory_space<vmem>>, vector<1x1x1x16xf32>,
          %swap3A_593 = vector.shape_cast %swap3A_592 : vector<1x1x1x16xf32> to vector<16xf32>
          %swap3A_594 = vector.shape_cast %get3A_587 : vector<16xf32> to vector<1x1x1x16xf32>
          tpu.vector_store %arg9[%swap3A_588, %swap3A_589, %swap3A_590, %swap3A_591], %swap3A_594 {strides = array<i32>} : memref<2x4x12x320xf32, #tpu.memory_space<vmem>>, vector<1x1x1x16xf32>,
          %add3A_595 = arith.constant 48 : i32
          %add3A_596 = arith.addi %multiple_of3A, %add3A_595 : i32
          %get3A_597 = arith.constant 1 : i32
          %get3A_598 = arith.index_cast %get3A_597 : i32 to index
          %get3A_599 = arith.index_cast %add3A_540 : i32 to index
          %get3A_600 = arith.index_cast %add3A_596 : i32 to index
          %get3A_601 = tpu.vector_load %arg7[%get3A_598, %get3A_599, %get3A_600] {strides = array<i32>} : memref<2x8x768xf32, #tpu.memory_space<vmem>>, vector<1x1x16xf32>,
          %get3A_602 = vector.shape_cast %get3A_601 : vector<1x1x16xf32> to vector<16xf32>
          %swap3A_603 = arith.index_cast %rem3A_500 : i32 to index
          %swap3A_604 = arith.index_cast %scan3A_537 : i32 to index
          %swap3A_605 = arith.index_cast %scan3A_548 : i32 to index
          %swap3A_606 = arith.constant 48 : index
          %swap3A_607 = tpu.vector_load %arg9[%swap3A_603, %swap3A_604, %swap3A_605, %swap3A_606] {strides = array<i32>} : memref<2x4x12x320xf32, #tpu.memory_space<vmem>>, vector<1x1x1x16xf32>,
          %swap3A_608 = vector.shape_cast %swap3A_607 : vector<1x1x1x16xf32> to vector<16xf32>
          %swap3A_609 = vector.shape_cast %get3A_602 : vector<16xf32> to vector<1x1x1x16xf32>
          tpu.vector_store %arg9[%swap3A_603, %swap3A_604, %swap3A_605, %swap3A_606], %swap3A_609 {strides = array<i32>} : memref<2x4x12x320xf32, #tpu.memory_space<vmem>>, vector<1x1x1x16xf32>,
          %add3A_610 = arith.constant 0 : i32
          %add3A_611 = arith.addi %multiple_of3A, %add3A_610 : i32
          %get3A_612 = arith.constant 1 : i32
          %get3A_613 = arith.constant 0 : i32
          %get3A_614 = arith.index_cast %get3A_612 : i32 to index
          %get3A_615 = arith.index_cast %get3A_613 : i32 to index
          %get3A_616 = arith.index_cast %add3A_540 : i32 to index
          %get3A_617 = arith.index_cast %add3A_611 : i32 to index
          %get3A_618 = tpu.vector_load %arg8[%get3A_614, %get3A_615, %get3A_616, %get3A_617] {strides = array<i32>} : memref<2x4x8x768xf32, #tpu.memory_space<vmem>>, vector<1x1x1x16xf32>,
          %get3A_619 = vector.shape_cast %get3A_618 : vector<1x1x1x16xf32> to vector<16xf32>
          %swap3A_620 = arith.index_cast %rem3A_500 : i32 to index
          %swap3A_621 = arith.index_cast %scan3A_537 : i32 to index
          %swap3A_622 = arith.index_cast %scan3A_548 : i32 to index
          %swap3A_623 = arith.constant 64 : index
          %swap3A_624 = tpu.vector_load %arg9[%swap3A_620, %swap3A_621, %swap3A_622, %swap3A_623] {strides = array<i32>} : memref<2x4x12x320xf32, #tpu.memory_space<vmem>>, vector<1x1x1x16xf32>,
          %swap3A_625 = vector.shape_cast %swap3A_624 : vector<1x1x1x16xf32> to vector<16xf32>
          %swap3A_626 = vector.shape_cast %get3A_619 : vector<16xf32> to vector<1x1x1x16xf32>
          tpu.vector_store %arg9[%swap3A_620, %swap3A_621, %swap3A_622, %swap3A_623], %swap3A_626 {strides = array<i32>} : memref<2x4x12x320xf32, #tpu.memory_space<vmem>>, vector<1x1x1x16xf32>,
          %add3A_627 = arith.constant 16 : i32
          %add3A_628 = arith.addi %multiple_of3A, %add3A_627 : i32
          %get3A_629 = arith.constant 1 : i32
          %get3A_630 = arith.constant 0 : i32
          %get3A_631 = arith.index_cast %get3A_629 : i32 to index
          %get3A_632 = arith.index_cast %get3A_630 : i32 to index
          %get3A_633 = arith.index_cast %add3A_540 : i32 to index
          %get3A_634 = arith.index_cast %add3A_628 : i32 to index
          %get3A_635 = tpu.vector_load %arg8[%get3A_631, %get3A_632, %get3A_633, %get3A_634] {strides = array<i32>} : memref<2x4x8x768xf32, #tpu.memory_space<vmem>>, vector<1x1x1x16xf32>,
          %get3A_636 = vector.shape_cast %get3A_635 : vector<1x1x1x16xf32> to vector<16xf32>
          %swap3A_637 = arith.index_cast %rem3A_500 : i32 to index
          %swap3A_638 = arith.index_cast %scan3A_537 : i32 to index
          %swap3A_639 = arith.index_cast %scan3A_548 : i32 to index
          %swap3A_640 = arith.constant 80 : index
          %swap3A_641 = tpu.vector_load %arg9[%swap3A_637, %swap3A_638, %swap3A_639, %swap3A_640] {strides = array<i32>} : memref<2x4x12x320xf32, #tpu.memory_space<vmem>>, vector<1x1x1x16xf32>,
          %swap3A_642 = vector.shape_cast %swap3A_641 : vector<1x1x1x16xf32> to vector<16xf32>
          %swap3A_643 = vector.shape_cast %get3A_636 : vector<16xf32> to vector<1x1x1x16xf32>
          tpu.vector_store %arg9[%swap3A_637, %swap3A_638, %swap3A_639, %swap3A_640], %swap3A_643 {strides = array<i32>} : memref<2x4x12x320xf32, #tpu.memory_space<vmem>>, vector<1x1x1x16xf32>,
          %add3A_644 = arith.constant 32 : i32
          %add3A_645 = arith.addi %multiple_of3A, %add3A_644 : i32
          %get3A_646 = arith.constant 1 : i32
          %get3A_647 = arith.constant 0 : i32
          %get3A_648 = arith.index_cast %get3A_646 : i32 to index
          %get3A_649 = arith.index_cast %get3A_647 : i32 to index
          %get3A_650 = arith.index_cast %add3A_540 : i32 to index
          %get3A_651 = arith.index_cast %add3A_645 : i32 to index
          %get3A_652 = tpu.vector_load %arg8[%get3A_648, %get3A_649, %get3A_650, %get3A_651] {strides = array<i32>} : memref<2x4x8x768xf32, #tpu.memory_space<vmem>>, vector<1x1x1x16xf32>,
          %get3A_653 = vector.shape_cast %get3A_652 : vector<1x1x1x16xf32> to vector<16xf32>
          %swap3A_654 = arith.index_cast %rem3A_500 : i32 to index
          %swap3A_655 = arith.index_cast %scan3A_537 : i32 to index
          %swap3A_656 = arith.index_cast %scan3A_548 : i32 to index
          %swap3A_657 = arith.constant 96 : index
          %swap3A_658 = tpu.vector_load %arg9[%swap3A_654, %swap3A_655, %swap3A_656, %swap3A_657] {strides = array<i32>} : memref<2x4x12x320xf32, #tpu.memory_space<vmem>>, vector<1x1x1x16xf32>,
          %swap3A_659 = vector.shape_cast %swap3A_658 : vector<1x1x1x16xf32> to vector<16xf32>
          %swap3A_660 = vector.shape_cast %get3A_653 : vector<16xf32> to vector<1x1x1x16xf32>
          tpu.vector_store %arg9[%swap3A_654, %swap3A_655, %swap3A_656, %swap3A_657], %swap3A_660 {strides = array<i32>} : memref<2x4x12x320xf32, #tpu.memory_space<vmem>>, vector<1x1x1x16xf32>,
          %add3A_661 = arith.constant 48 : i32
          %add3A_662 = arith.addi %multiple_of3A, %add3A_661 : i32
          %get3A_663 = arith.constant 1 : i32
          %get3A_664 = arith.constant 0 : i32
          %get3A_665 = arith.index_cast %get3A_663 : i32 to index
          %get3A_666 = arith.index_cast %get3A_664 : i32 to index
          %get3A_667 = arith.index_cast %add3A_540 : i32 to index
          %get3A_668 = arith.index_cast %add3A_662 : i32 to index
          %get3A_669 = tpu.vector_load %arg8[%get3A_665, %get3A_666, %get3A_667, %get3A_668] {strides = array<i32>} : memref<2x4x8x768xf32, #tpu.memory_space<vmem>>, vector<1x1x1x16xf32>,
          %get3A_670 = vector.shape_cast %get3A_669 : vector<1x1x1x16xf32> to vector<16xf32>
          %swap3A_671 = arith.index_cast %rem3A_500 : i32 to index
          %swap3A_672 = arith.index_cast %scan3A_537 : i32 to index
          %swap3A_673 = arith.index_cast %scan3A_548 : i32 to index
          %swap3A_674 = arith.constant 112 : index
          %swap3A_675 = tpu.vector_load %arg9[%swap3A_671, %swap3A_672, %swap3A_673, %swap3A_674] {strides = array<i32>} : memref<2x4x12x320xf32, #tpu.memory_space<vmem>>, vector<1x1x1x16xf32>,
          %swap3A_676 = vector.shape_cast %swap3A_675 : vector<1x1x1x16xf32> to vector<16xf32>
          %swap3A_677 = vector.shape_cast %get3A_670 : vector<16xf32> to vector<1x1x1x16xf32>
          tpu.vector_store %arg9[%swap3A_671, %swap3A_672, %swap3A_673, %swap3A_674], %swap3A_677 {strides = array<i32>} : memref<2x4x12x320xf32, #tpu.memory_space<vmem>>, vector<1x1x1x16xf32>,
          %add3A_678 = arith.constant 0 : i32
          %add3A_679 = arith.addi %multiple_of3A, %add3A_678 : i32
          %get3A_680 = arith.constant 1 : i32
          %get3A_681 = arith.constant 1 : i32
          %get3A_682 = arith.index_cast %get3A_680 : i32 to index
          %get3A_683 = arith.index_cast %get3A_681 : i32 to index
          %get3A_684 = arith.index_cast %add3A_540 : i32 to index
          %get3A_685 = arith.index_cast %add3A_679 : i32 to index
          %get3A_686 = tpu.vector_load %arg8[%get3A_682, %get3A_683, %get3A_684, %get3A_685] {strides = array<i32>} : memref<2x4x8x768xf32, #tpu.memory_space<vmem>>, vector<1x1x1x16xf32>,
          %get3A_687 = vector.shape_cast %get3A_686 : vector<1x1x1x16xf32> to vector<16xf32>
          %swap3A_688 = arith.index_cast %rem3A_500 : i32 to index
          %swap3A_689 = arith.index_cast %scan3A_537 : i32 to index
          %swap3A_690 = arith.index_cast %scan3A_548 : i32 to index
          %swap3A_691 = arith.constant 128 : index
          %swap3A_692 = tpu.vector_load %arg9[%swap3A_688, %swap3A_689, %swap3A_690, %swap3A_691] {strides = array<i32>} : memref<2x4x12x320xf32, #tpu.memory_space<vmem>>, vector<1x1x1x16xf32>,
          %swap3A_693 = vector.shape_cast %swap3A_692 : vector<1x1x1x16xf32> to vector<16xf32>
          %swap3A_694 = vector.shape_cast %get3A_687 : vector<16xf32> to vector<1x1x1x16xf32>
          tpu.vector_store %arg9[%swap3A_688, %swap3A_689, %swap3A_690, %swap3A_691], %swap3A_694 {strides = array<i32>} : memref<2x4x12x320xf32, #tpu.memory_space<vmem>>, vector<1x1x1x16xf32>,
          %add3A_695 = arith.constant 16 : i32
          %add3A_696 = arith.addi %multiple_of3A, %add3A_695 : i32
          %get3A_697 = arith.constant 1 : i32
          %get3A_698 = arith.constant 1 : i32
          %get3A_699 = arith.index_cast %get3A_697 : i32 to index
          %get3A_700 = arith.index_cast %get3A_698 : i32 to index
          %get3A_701 = arith.index_cast %add3A_540 : i32 to index
          %get3A_702 = arith.index_cast %add3A_696 : i32 to index
          %get3A_703 = tpu.vector_load %arg8[%get3A_699, %get3A_700, %get3A_701, %get3A_702] {strides = array<i32>} : memref<2x4x8x768xf32, #tpu.memory_space<vmem>>, vector<1x1x1x16xf32>,
          %get3A_704 = vector.shape_cast %get3A_703 : vector<1x1x1x16xf32> to vector<16xf32>
          %swap3A_705 = arith.index_cast %rem3A_500 : i32 to index
          %swap3A_706 = arith.index_cast %scan3A_537 : i32 to index
          %swap3A_707 = arith.index_cast %scan3A_548 : i32 to index
          %swap3A_708 = arith.constant 144 : index
          %swap3A_709 = tpu.vector_load %arg9[%swap3A_705, %swap3A_706, %swap3A_707, %swap3A_708] {strides = array<i32>} : memref<2x4x12x320xf32, #tpu.memory_space<vmem>>, vector<1x1x1x16xf32>,
          %swap3A_710 = vector.shape_cast %swap3A_709 : vector<1x1x1x16xf32> to vector<16xf32>
          %swap3A_711 = vector.shape_cast %get3A_704 : vector<16xf32> to vector<1x1x1x16xf32>
          tpu.vector_store %arg9[%swap3A_705, %swap3A_706, %swap3A_707, %swap3A_708], %swap3A_711 {strides = array<i32>} : memref<2x4x12x320xf32, #tpu.memory_space<vmem>>, vector<1x1x1x16xf32>,
          %add3A_712 = arith.constant 32 : i32
          %add3A_713 = arith.addi %multiple_of3A, %add3A_712 : i32
          %get3A_714 = arith.constant 1 : i32
          %get3A_715 = arith.constant 1 : i32
          %get3A_716 = arith.index_cast %get3A_714 : i32 to index
          %get3A_717 = arith.index_cast %get3A_715 : i32 to index
          %get3A_718 = arith.index_cast %add3A_540 : i32 to index
          %get3A_719 = arith.index_cast %add3A_713 : i32 to index
          %get3A_720 = tpu.vector_load %arg8[%get3A_716, %get3A_717, %get3A_718, %get3A_719] {strides = array<i32>} : memref<2x4x8x768xf32, #tpu.memory_space<vmem>>, vector<1x1x1x16xf32>,
          %get3A_721 = vector.shape_cast %get3A_720 : vector<1x1x1x16xf32> to vector<16xf32>
          %swap3A_722 = arith.index_cast %rem3A_500 : i32 to index
          %swap3A_723 = arith.index_cast %scan3A_537 : i32 to index
          %swap3A_724 = arith.index_cast %scan3A_548 : i32 to index
          %swap3A_725 = arith.constant 160 : index
          %swap3A_726 = tpu.vector_load %arg9[%swap3A_722, %swap3A_723, %swap3A_724, %swap3A_725] {strides = array<i32>} : memref<2x4x12x320xf32, #tpu.memory_space<vmem>>, vector<1x1x1x16xf32>,
          %swap3A_727 = vector.shape_cast %swap3A_726 : vector<1x1x1x16xf32> to vector<16xf32>
          %swap3A_728 = vector.shape_cast %get3A_721 : vector<16xf32> to vector<1x1x1x16xf32>
          tpu.vector_store %arg9[%swap3A_722, %swap3A_723, %swap3A_724, %swap3A_725], %swap3A_728 {strides = array<i32>} : memref<2x4x12x320xf32, #tpu.memory_space<vmem>>, vector<1x1x1x16xf32>,
          %add3A_729 = arith.constant 48 : i32
          %add3A_730 = arith.addi %multiple_of3A, %add3A_729 : i32
          %get3A_731 = arith.constant 1 : i32
          %get3A_732 = arith.constant 1 : i32
          %get3A_733 = arith.index_cast %get3A_731 : i32 to index
          %get3A_734 = arith.index_cast %get3A_732 : i32 to index
          %get3A_735 = arith.index_cast %add3A_540 : i32 to index
          %get3A_736 = arith.index_cast %add3A_730 : i32 to index
          %get3A_737 = tpu.vector_load %arg8[%get3A_733, %get3A_734, %get3A_735, %get3A_736] {strides = array<i32>} : memref<2x4x8x768xf32, #tpu.memory_space<vmem>>, vector<1x1x1x16xf32>,
          %get3A_738 = vector.shape_cast %get3A_737 : vector<1x1x1x16xf32> to vector<16xf32>
          %swap3A_739 = arith.index_cast %rem3A_500 : i32 to index
          %swap3A_740 = arith.index_cast %scan3A_537 : i32 to index
          %swap3A_741 = arith.index_cast %scan3A_548 : i32 to index
          %swap3A_742 = arith.constant 176 : index
          %swap3A_743 = tpu.vector_load %arg9[%swap3A_739, %swap3A_740, %swap3A_741, %swap3A_742] {strides = array<i32>} : memref<2x4x12x320xf32, #tpu.memory_space<vmem>>, vector<1x1x1x16xf32>,
          %swap3A_744 = vector.shape_cast %swap3A_743 : vector<1x1x1x16xf32> to vector<16xf32>
          %swap3A_745 = vector.shape_cast %get3A_738 : vector<16xf32> to vector<1x1x1x16xf32>
          tpu.vector_store %arg9[%swap3A_739, %swap3A_740, %swap3A_741, %swap3A_742], %swap3A_745 {strides = array<i32>} : memref<2x4x12x320xf32, #tpu.memory_space<vmem>>, vector<1x1x1x16xf32>,
          %add3A_746 = arith.constant 0 : i32
          %add3A_747 = arith.addi %multiple_of3A, %add3A_746 : i32
          %get3A_748 = arith.constant 1 : i32
          %get3A_749 = arith.constant 2 : i32
          %get3A_750 = arith.index_cast %get3A_748 : i32 to index
          %get3A_751 = arith.index_cast %get3A_749 : i32 to index
          %get3A_752 = arith.index_cast %add3A_540 : i32 to index
          %get3A_753 = arith.index_cast %add3A_747 : i32 to index
          %get3A_754 = tpu.vector_load %arg8[%get3A_750, %get3A_751, %get3A_752, %get3A_753] {strides = array<i32>} : memref<2x4x8x768xf32, #tpu.memory_space<vmem>>, vector<1x1x1x16xf32>,
          %get3A_755 = vector.shape_cast %get3A_754 : vector<1x1x1x16xf32> to vector<16xf32>
          %swap3A_756 = arith.index_cast %rem3A_500 : i32 to index
          %swap3A_757 = arith.index_cast %scan3A_537 : i32 to index
          %swap3A_758 = arith.index_cast %scan3A_548 : i32 to index
          %swap3A_759 = arith.constant 192 : index
          %swap3A_760 = tpu.vector_load %arg9[%swap3A_756, %swap3A_757, %swap3A_758, %swap3A_759] {strides = array<i32>} : memref<2x4x12x320xf32, #tpu.memory_space<vmem>>, vector<1x1x1x16xf32>,
          %swap3A_761 = vector.shape_cast %swap3A_760 : vector<1x1x1x16xf32> to vector<16xf32>
          %swap3A_762 = vector.shape_cast %get3A_755 : vector<16xf32> to vector<1x1x1x16xf32>
          tpu.vector_store %arg9[%swap3A_756, %swap3A_757, %swap3A_758, %swap3A_759], %swap3A_762 {strides = array<i32>} : memref<2x4x12x320xf32, #tpu.memory_space<vmem>>, vector<1x1x1x16xf32>,
          %add3A_763 = arith.constant 16 : i32
          %add3A_764 = arith.addi %multiple_of3A, %add3A_763 : i32
          %get3A_765 = arith.constant 1 : i32
          %get3A_766 = arith.constant 2 : i32
          %get3A_767 = arith.index_cast %get3A_765 : i32 to index
          %get3A_768 = arith.index_cast %get3A_766 : i32 to index
          %get3A_769 = arith.index_cast %add3A_540 : i32 to index
          %get3A_770 = arith.index_cast %add3A_764 : i32 to index
          %get3A_771 = tpu.vector_load %arg8[%get3A_767, %get3A_768, %get3A_769, %get3A_770] {strides = array<i32>} : memref<2x4x8x768xf32, #tpu.memory_space<vmem>>, vector<1x1x1x16xf32>,
          %get3A_772 = vector.shape_cast %get3A_771 : vector<1x1x1x16xf32> to vector<16xf32>
          %swap3A_773 = arith.index_cast %rem3A_500 : i32 to index
          %swap3A_774 = arith.index_cast %scan3A_537 : i32 to index
          %swap3A_775 = arith.index_cast %scan3A_548 : i32 to index
          %swap3A_776 = arith.constant 208 : index
          %swap3A_777 = tpu.vector_load %arg9[%swap3A_773, %swap3A_774, %swap3A_775, %swap3A_776] {strides = array<i32>} : memref<2x4x12x320xf32, #tpu.memory_space<vmem>>, vector<1x1x1x16xf32>,
          %swap3A_778 = vector.shape_cast %swap3A_777 : vector<1x1x1x16xf32> to vector<16xf32>
          %swap3A_779 = vector.shape_cast %get3A_772 : vector<16xf32> to vector<1x1x1x16xf32>
          tpu.vector_store %arg9[%swap3A_773, %swap3A_774, %swap3A_775, %swap3A_776], %swap3A_779 {strides = array<i32>} : memref<2x4x12x320xf32, #tpu.memory_space<vmem>>, vector<1x1x1x16xf32>,
          %add3A_780 = arith.constant 32 : i32
          %add3A_781 = arith.addi %multiple_of3A, %add3A_780 : i32
          %get3A_782 = arith.constant 1 : i32
          %get3A_783 = arith.constant 2 : i32
          %get3A_784 = arith.index_cast %get3A_782 : i32 to index
          %get3A_785 = arith.index_cast %get3A_783 : i32 to index
          %get3A_786 = arith.index_cast %add3A_540 : i32 to index
          %get3A_787 = arith.index_cast %add3A_781 : i32 to index
          %get3A_788 = tpu.vector_load %arg8[%get3A_784, %get3A_785, %get3A_786, %get3A_787] {strides = array<i32>} : memref<2x4x8x768xf32, #tpu.memory_space<vmem>>, vector<1x1x1x16xf32>,
          %get3A_789 = vector.shape_cast %get3A_788 : vector<1x1x1x16xf32> to vector<16xf32>
          %swap3A_790 = arith.index_cast %rem3A_500 : i32 to index
          %swap3A_791 = arith.index_cast %scan3A_537 : i32 to index
          %swap3A_792 = arith.index_cast %scan3A_548 : i32 to index
          %swap3A_793 = arith.constant 224 : index
          %swap3A_794 = tpu.vector_load %arg9[%swap3A_790, %swap3A_791, %swap3A_792, %swap3A_793] {strides = array<i32>} : memref<2x4x12x320xf32, #tpu.memory_space<vmem>>, vector<1x1x1x16xf32>,
          %swap3A_795 = vector.shape_cast %swap3A_794 : vector<1x1x1x16xf32> to vector<16xf32>
          %swap3A_796 = vector.shape_cast %get3A_789 : vector<16xf32> to vector<1x1x1x16xf32>
          tpu.vector_store %arg9[%swap3A_790, %swap3A_791, %swap3A_792, %swap3A_793], %swap3A_796 {strides = array<i32>} : memref<2x4x12x320xf32, #tpu.memory_space<vmem>>, vector<1x1x1x16xf32>,
          %add3A_797 = arith.constant 48 : i32
          %add3A_798 = arith.addi %multiple_of3A, %add3A_797 : i32
          %get3A_799 = arith.constant 1 : i32
          %get3A_800 = arith.constant 2 : i32
          %get3A_801 = arith.index_cast %get3A_799 : i32 to index
          %get3A_802 = arith.index_cast %get3A_800 : i32 to index
          %get3A_803 = arith.index_cast %add3A_540 : i32 to index
          %get3A_804 = arith.index_cast %add3A_798 : i32 to index
          %get3A_805 = tpu.vector_load %arg8[%get3A_801, %get3A_802, %get3A_803, %get3A_804] {strides = array<i32>} : memref<2x4x8x768xf32, #tpu.memory_space<vmem>>, vector<1x1x1x16xf32>,
          %get3A_806 = vector.shape_cast %get3A_805 : vector<1x1x1x16xf32> to vector<16xf32>
          %swap3A_807 = arith.index_cast %rem3A_500 : i32 to index
          %swap3A_808 = arith.index_cast %scan3A_537 : i32 to index
          %swap3A_809 = arith.index_cast %scan3A_548 : i32 to index
          %swap3A_810 = arith.constant 240 : index
          %swap3A_811 = tpu.vector_load %arg9[%swap3A_807, %swap3A_808, %swap3A_809, %swap3A_810] {strides = array<i32>} : memref<2x4x12x320xf32, #tpu.memory_space<vmem>>, vector<1x1x1x16xf32>,
          %swap3A_812 = vector.shape_cast %swap3A_811 : vector<1x1x1x16xf32> to vector<16xf32>
          %swap3A_813 = vector.shape_cast %get3A_806 : vector<16xf32> to vector<1x1x1x16xf32>
          tpu.vector_store %arg9[%swap3A_807, %swap3A_808, %swap3A_809, %swap3A_810], %swap3A_813 {strides = array<i32>} : memref<2x4x12x320xf32, #tpu.memory_space<vmem>>, vector<1x1x1x16xf32>,
          %add3A_814 = arith.constant 0 : i32
          %add3A_815 = arith.addi %multiple_of3A, %add3A_814 : i32
          %get3A_816 = arith.constant 1 : i32
          %get3A_817 = arith.constant 3 : i32
          %get3A_818 = arith.index_cast %get3A_816 : i32 to index
          %get3A_819 = arith.index_cast %get3A_817 : i32 to index
          %get3A_820 = arith.index_cast %add3A_540 : i32 to index
          %get3A_821 = arith.index_cast %add3A_815 : i32 to index
          %get3A_822 = tpu.vector_load %arg8[%get3A_818, %get3A_819, %get3A_820, %get3A_821] {strides = array<i32>} : memref<2x4x8x768xf32, #tpu.memory_space<vmem>>, vector<1x1x1x16xf32>,
          %get3A_823 = vector.shape_cast %get3A_822 : vector<1x1x1x16xf32> to vector<16xf32>
          %swap3A_824 = arith.index_cast %rem3A_500 : i32 to index
          %swap3A_825 = arith.index_cast %scan3A_537 : i32 to index
          %swap3A_826 = arith.index_cast %scan3A_548 : i32 to index
          %swap3A_827 = arith.constant 256 : index
          %swap3A_828 = tpu.vector_load %arg9[%swap3A_824, %swap3A_825, %swap3A_826, %swap3A_827] {strides = array<i32>} : memref<2x4x12x320xf32, #tpu.memory_space<vmem>>, vector<1x1x1x16xf32>,
          %swap3A_829 = vector.shape_cast %swap3A_828 : vector<1x1x1x16xf32> to vector<16xf32>
          %swap3A_830 = vector.shape_cast %get3A_823 : vector<16xf32> to vector<1x1x1x16xf32>
          tpu.vector_store %arg9[%swap3A_824, %swap3A_825, %swap3A_826, %swap3A_827], %swap3A_830 {strides = array<i32>} : memref<2x4x12x320xf32, #tpu.memory_space<vmem>>, vector<1x1x1x16xf32>,
          %add3A_831 = arith.constant 16 : i32
          %add3A_832 = arith.addi %multiple_of3A, %add3A_831 : i32
          %get3A_833 = arith.constant 1 : i32
          %get3A_834 = arith.constant 3 : i32
          %get3A_835 = arith.index_cast %get3A_833 : i32 to index
          %get3A_836 = arith.index_cast %get3A_834 : i32 to index
          %get3A_837 = arith.index_cast %add3A_540 : i32 to index
          %get3A_838 = arith.index_cast %add3A_832 : i32 to index
          %get3A_839 = tpu.vector_load %arg8[%get3A_835, %get3A_836, %get3A_837, %get3A_838] {strides = array<i32>} : memref<2x4x8x768xf32, #tpu.memory_space<vmem>>, vector<1x1x1x16xf32>,
          %get3A_840 = vector.shape_cast %get3A_839 : vector<1x1x1x16xf32> to vector<16xf32>
          %swap3A_841 = arith.index_cast %rem3A_500 : i32 to index
          %swap3A_842 = arith.index_cast %scan3A_537 : i32 to index
          %swap3A_843 = arith.index_cast %scan3A_548 : i32 to index
          %swap3A_844 = arith.constant 272 : index
          %swap3A_845 = tpu.vector_load %arg9[%swap3A_841, %swap3A_842, %swap3A_843, %swap3A_844] {strides = array<i32>} : memref<2x4x12x320xf32, #tpu.memory_space<vmem>>, vector<1x1x1x16xf32>,
          %swap3A_846 = vector.shape_cast %swap3A_845 : vector<1x1x1x16xf32> to vector<16xf32>
          %swap3A_847 = vector.shape_cast %get3A_840 : vector<16xf32> to vector<1x1x1x16xf32>
          tpu.vector_store %arg9[%swap3A_841, %swap3A_842, %swap3A_843, %swap3A_844], %swap3A_847 {strides = array<i32>} : memref<2x4x12x320xf32, #tpu.memory_space<vmem>>, vector<1x1x1x16xf32>,
          %add3A_848 = arith.constant 32 : i32
          %add3A_849 = arith.addi %multiple_of3A, %add3A_848 : i32
          %get3A_850 = arith.constant 1 : i32
          %get3A_851 = arith.constant 3 : i32
          %get3A_852 = arith.index_cast %get3A_850 : i32 to index
          %get3A_853 = arith.index_cast %get3A_851 : i32 to index
          %get3A_854 = arith.index_cast %add3A_540 : i32 to index
          %get3A_855 = arith.index_cast %add3A_849 : i32 to index
          %get3A_856 = tpu.vector_load %arg8[%get3A_852, %get3A_853, %get3A_854, %get3A_855] {strides = array<i32>} : memref<2x4x8x768xf32, #tpu.memory_space<vmem>>, vector<1x1x1x16xf32>,
          %get3A_857 = vector.shape_cast %get3A_856 : vector<1x1x1x16xf32> to vector<16xf32>
          %swap3A_858 = arith.index_cast %rem3A_500 : i32 to index
          %swap3A_859 = arith.index_cast %scan3A_537 : i32 to index
          %swap3A_860 = arith.index_cast %scan3A_548 : i32 to index
          %swap3A_861 = arith.constant 288 : index
          %swap3A_862 = tpu.vector_load %arg9[%swap3A_858, %swap3A_859, %swap3A_860, %swap3A_861] {strides = array<i32>} : memref<2x4x12x320xf32, #tpu.memory_space<vmem>>, vector<1x1x1x16xf32>,
          %swap3A_863 = vector.shape_cast %swap3A_862 : vector<1x1x1x16xf32> to vector<16xf32>
          %swap3A_864 = vector.shape_cast %get3A_857 : vector<16xf32> to vector<1x1x1x16xf32>
          tpu.vector_store %arg9[%swap3A_858, %swap3A_859, %swap3A_860, %swap3A_861], %swap3A_864 {strides = array<i32>} : memref<2x4x12x320xf32, #tpu.memory_space<vmem>>, vector<1x1x1x16xf32>,
          %add3A_865 = arith.constant 48 : i32
          %add3A_866 = arith.addi %multiple_of3A, %add3A_865 : i32
          %get3A_867 = arith.constant 1 : i32
          %get3A_868 = arith.constant 3 : i32
          %get3A_869 = arith.index_cast %get3A_867 : i32 to index
          %get3A_870 = arith.index_cast %get3A_868 : i32 to index
          %get3A_871 = arith.index_cast %add3A_540 : i32 to index
          %get3A_872 = arith.index_cast %add3A_866 : i32 to index
          %get3A_873 = tpu.vector_load %arg8[%get3A_869, %get3A_870, %get3A_871, %get3A_872] {strides = array<i32>} : memref<2x4x8x768xf32, #tpu.memory_space<vmem>>, vector<1x1x1x16xf32>,
          %get3A_874 = vector.shape_cast %get3A_873 : vector<1x1x1x16xf32> to vector<16xf32>
          %swap3A_875 = arith.index_cast %rem3A_500 : i32 to index
          %swap3A_876 = arith.index_cast %scan3A_537 : i32 to index
          %swap3A_877 = arith.index_cast %scan3A_548 : i32 to index
          %swap3A_878 = arith.constant 304 : index
          %swap3A_879 = tpu.vector_load %arg9[%swap3A_875, %swap3A_876, %swap3A_877, %swap3A_878] {strides = array<i32>} : memref<2x4x12x320xf32, #tpu.memory_space<vmem>>, vector<1x1x1x16xf32>,
          %swap3A_880 = vector.shape_cast %swap3A_879 : vector<1x1x1x16xf32> to vector<16xf32>
          %swap3A_881 = vector.shape_cast %get3A_874 : vector<16xf32> to vector<1x1x1x16xf32>
          tpu.vector_store %arg9[%swap3A_875, %swap3A_876, %swap3A_877, %swap3A_878], %swap3A_881 {strides = array<i32>} : memref<2x4x12x320xf32, #tpu.memory_space<vmem>>, vector<1x1x1x16xf32>,
          %scan3A_882 = arith.constant 0 : i32
          scf.yield %scan3A_882 : i32
        }
        %scan3A_547 = arith.constant 12 : i32
        scf.yield %scan3A_546 : i32
      }
      %scan3A_512 = arith.constant 4 : i32
      %mul3A_513 = arith.constant 8 : i32
      %mul3A_514 = arith.muli %add3A_355, %mul3A_513 : i32
      %add3A_515 = arith.addi %mul3A_32, %mul3A_514 : i32
      %add3A_516 = arith.constant 4 : i32
      %add3A_517 = arith.addi %add3A_515, %add3A_516 : i32
      %dma_start3A_518 = arith.constant 0 : i32
      %dma_start3A_519 = arith.constant 0 : i32
      %dma_start3A_520 = arith.constant 0 : i32
      %dma_start3A_521 = tpu.memref_slice %arg9[%rem3A_500, %dma_start3A_518, %dma_start3A_519, %dma_start3A_520] : memref<2x4x12x320xf32, #tpu.memory_space<vmem>> -> memref<1x4x12x320xf32, #tpu.memory_space<vmem>>
      %dma_start3A_522 = tpu.memref_squeeze %dma_start3A_521 : memref<1x4x12x320xf32, #tpu.memory_space<vmem>> -> memref<4x12x320xf32, #tpu.memory_space<vmem>>
      %dma_start3A_523 = arith.constant 0 : i32
      %dma_start3A_524 = arith.constant 0 : i32
      %dma_start3A_525 = tpu.memref_slice %arg5[%select_n3A, %add3A_517, %dma_start3A_523, %dma_start3A_524] : memref<4x2048x12x320xf32, #tpu.memory_space<hbm>> -> memref<1x4x12x320xf32, #tpu.memory_space<hbm>>
      %dma_start3A_526 = tpu.memref_squeeze %dma_start3A_525 : memref<1x4x12x320xf32, #tpu.memory_space<hbm>> -> memref<4x12x320xf32, #tpu.memory_space<hbm>>
      %dma_start3A_527 = arith.constant 0 : i32
      %dma_start3A_528 = arith.constant 0 : i32
      %dma_start3A_529 = tpu.memref_slice %arg5[%select_n3A, %add3A_517, %dma_start3A_527, %dma_start3A_528] : memref<4x2048x12x320xf32, #tpu.memory_space<hbm>> -> memref<1x4x12x320xf32, #tpu.memory_space<hbm>>
      %dma_start3A_530 = tpu.memref_squeeze %dma_start3A_529 : memref<1x4x12x320xf32, #tpu.memory_space<hbm>> -> memref<4x12x320xf32, #tpu.memory_space<hbm>>
      %dma_start3A_531 = arith.constant 0 : i32
      %dma_start3A_532 = arith.constant 0 : i32
      %dma_start3A_533 = arith.constant 0 : i32
      %dma_start3A_534 = tpu.memref_slice %arg9[%rem3A_500, %dma_start3A_531, %dma_start3A_532, %dma_start3A_533] : memref<2x4x12x320xf32, #tpu.memory_space<vmem>> -> memref<1x4x12x320xf32, #tpu.memory_space<vmem>>
      %dma_start3A_535 = tpu.memref_squeeze %dma_start3A_534 : memref<1x4x12x320xf32, #tpu.memory_space<vmem>> -> memref<4x12x320xf32, #tpu.memory_space<vmem>>
      tpu.enqueue_dma source(%dma_start3A_535 : memref<4x12x320xf32, #tpu.memory_space<vmem>>) target(%dma_start3A_530 : memref<4x12x320xf32, #tpu.memory_space<hbm>>) target_semaphore(%arg12 : memref<!tpu.dma_semaphore, #tpu.memory_space<semaphore_mem>>)
      %scan3A_536 = arith.constant 0 : i32
      scf.yield %scan3A_536 : i32
    }
    %scan3A_123 = arith.constant 16 : i32
    %add3A_124 = arith.constant 248 : i32
    %add3A_125 = arith.addi %mul3A_32, %add3A_124 : i32
    %add3A_126 = arith.constant 4 : i32
    %add3A_127 = arith.addi %add3A_125, %add3A_126 : i32
    %dma_wait3A = arith.constant 0 : i32
    %dma_wait3A_128 = arith.constant 0 : i32
    %dma_wait3A_129 = arith.constant 0 : i32
    %dma_wait3A_130 = arith.constant 0 : i32
    %dma_wait3A_131 = tpu.memref_slice %arg9[%dma_wait3A, %dma_wait3A_128, %dma_wait3A_129, %dma_wait3A_130] : memref<2x4x12x320xf32, #tpu.memory_space<vmem>> -> memref<1x4x12x320xf32, #tpu.memory_space<vmem>>
    %dma_wait3A_132 = tpu.memref_squeeze %dma_wait3A_131 : memref<1x4x12x320xf32, #tpu.memory_space<vmem>> -> memref<4x12x320xf32, #tpu.memory_space<vmem>>
    %dma_wait3A_133 = arith.constant 0 : i32
    %dma_wait3A_134 = arith.constant 0 : i32
    %dma_wait3A_135 = tpu.memref_slice %arg5[%select_n3A, %add3A_127, %dma_wait3A_133, %dma_wait3A_134] : memref<4x2048x12x320xf32, #tpu.memory_space<hbm>> -> memref<1x4x12x320xf32, #tpu.memory_space<hbm>>
    %dma_wait3A_136 = tpu.memref_squeeze %dma_wait3A_135 : memref<1x4x12x320xf32, #tpu.memory_space<hbm>> -> memref<4x12x320xf32, #tpu.memory_space<hbm>>
    %dma_wait3A_137 = arith.constant 0 : i32
    %dma_wait3A_138 = arith.constant 0 : i32
    %dma_wait3A_139 = tpu.memref_slice %arg5[%select_n3A, %add3A_127, %dma_wait3A_137, %dma_wait3A_138] : memref<4x2048x12x320xf32, #tpu.memory_space<hbm>> -> memref<1x4x12x320xf32, #tpu.memory_space<hbm>>
    %dma_wait3A_140 = tpu.memref_squeeze %dma_wait3A_139 : memref<1x4x12x320xf32, #tpu.memory_space<hbm>> -> memref<4x12x320xf32, #tpu.memory_space<hbm>>
    %dma_wait3A_141 = arith.constant 0 : i32
    %dma_wait3A_142 = arith.constant 0 : i32
    %dma_wait3A_143 = arith.constant 0 : i32
    %dma_wait3A_144 = tpu.memref_slice %arg9[%dma_wait3A, %dma_wait3A_141, %dma_wait3A_142, %dma_wait3A_143] : memref<2x4x12x320xf32, #tpu.memory_space<vmem>> -> memref<1x4x12x320xf32, #tpu.memory_space<vmem>>
    %dma_wait3A_145 = tpu.memref_squeeze %dma_wait3A_144 : memref<1x4x12x320xf32, #tpu.memory_space<vmem>> -> memref<4x12x320xf32, #tpu.memory_space<vmem>>
    tpu.wait_dma2 semaphore(%arg12 : memref<!tpu.dma_semaphore, #tpu.memory_space<semaphore_mem>>) src(%dma_wait3A_145 : memref<4x12x320xf32, #tpu.memory_space<vmem>>) dst(%dma_wait3A_140 : memref<4x12x320xf32, #tpu.memory_space<hbm>>)
    %add3A_146 = arith.constant 248 : i32
    %add3A_147 = arith.addi %mul3A_32, %add3A_146 : i32
    %add3A_148 = arith.constant 4 : i32
    %add3A_149 = arith.addi %add3A_147, %add3A_148 : i32
    %dma_wait3A_150 = arith.constant 0 : i32
    %dma_wait3A_151 = arith.constant 0 : i32
    %dma_wait3A_152 = arith.constant 0 : i32
    %dma_wait3A_153 = arith.constant 0 : i32
    %dma_wait3A_154 = tpu.memref_slice %arg9[%dma_wait3A_150, %dma_wait3A_151, %dma_wait3A_152, %dma_wait3A_153] : memref<2x4x12x320xf32, #tpu.memory_space<vmem>> -> memref<1x4x12x320xf32, #tpu.memory_space<vmem>>
    %dma_wait3A_155 = tpu.memref_squeeze %dma_wait3A_154 : memref<1x4x12x320xf32, #tpu.memory_space<vmem>> -> memref<4x12x320xf32, #tpu.memory_space<vmem>>
    %dma_wait3A_156 = arith.constant 0 : i32
    %dma_wait3A_157 = arith.constant 0 : i32
    %dma_wait3A_158 = tpu.memref_slice %arg5[%select_n3A, %add3A_149, %dma_wait3A_156, %dma_wait3A_157] : memref<4x2048x12x320xf32, #tpu.memory_space<hbm>> -> memref<1x4x12x320xf32, #tpu.memory_space<hbm>>
    %dma_wait3A_159 = tpu.memref_squeeze %dma_wait3A_158 : memref<1x4x12x320xf32, #tpu.memory_space<hbm>> -> memref<4x12x320xf32, #tpu.memory_space<hbm>>
    %dma_wait3A_160 = arith.constant 0 : i32
    %dma_wait3A_161 = arith.constant 0 : i32
    %dma_wait3A_162 = tpu.memref_slice %arg5[%select_n3A, %add3A_149, %dma_wait3A_160, %dma_wait3A_161] : memref<4x2048x12x320xf32, #tpu.memory_space<hbm>> -> memref<1x4x12x320xf32, #tpu.memory_space<hbm>>
    %dma_wait3A_163 = tpu.memref_squeeze %dma_wait3A_162 : memref<1x4x12x320xf32, #tpu.memory_space<hbm>> -> memref<4x12x320xf32, #tpu.memory_space<hbm>>
    %dma_wait3A_164 = arith.constant 0 : i32
    %dma_wait3A_165 = arith.constant 0 : i32
    %dma_wait3A_166 = arith.constant 0 : i32
    %dma_wait3A_167 = tpu.memref_slice %arg9[%dma_wait3A_150, %dma_wait3A_164, %dma_wait3A_165, %dma_wait3A_166] : memref<2x4x12x320xf32, #tpu.memory_space<vmem>> -> memref<1x4x12x320xf32, #tpu.memory_space<vmem>>
    %dma_wait3A_168 = tpu.memref_squeeze %dma_wait3A_167 : memref<1x4x12x320xf32, #tpu.memory_space<vmem>> -> memref<4x12x320xf32, #tpu.memory_space<vmem>>
    tpu.wait_dma2 semaphore(%arg12 : memref<!tpu.dma_semaphore, #tpu.memory_space<semaphore_mem>>) src(%dma_wait3A_168 : memref<4x12x320xf32, #tpu.memory_space<vmem>>) dst(%dma_wait3A_163 : memref<4x12x320xf32, #tpu.memory_space<hbm>>)
    return
  }
}

</mosaic_0001>

<sc_bundles>
// kernel: kernel.3.cloned.1.call-start
scs
__scs_entry_jumppad:
0x0: {  	(pc) =	sbr.rel $0x88, $3  }
0x1: {  	(tag) =	ssettag $0x0;
	lr =	simm.s32 $0x1  }
0x2: {  	[smem:$0x3F9E] =	sst lr;
	_ =	strace $0xD0000000  }
0x3: {  	_ = 	snop  }
0x4: {  	_ = 	snop  }
0x5: {  	_ = 	snop  }
0x6: {  	_ = 	snop  }
0x7: {  	_ = 	snop  }
__scs_overlays_trampoline_lowered:
0x8: {  	[smem:$0x3FAD] =	sst s0  }
0x9: {  	[smem:$0x3FAE] =	sst s1  }
0xa: {  	[smem:$0x3FAF] =	sst s2  }
0xb: {  	[smem:$0x3FB0] =	sst s3  }
0xc: {  	[smem:$0x3FB1] =	sst s4  }
0xd: {  	[smem:$0x3FB2] =	sst s5  }
0xe: {  	[smem:$0x3FB3] =	sst s6  }
0xf: {  	[smem:$0x3FB4] =	sst s7  }
0x10: {  	[smem:$0x3FB5] =	sst s8  }
0x11: {  	[smem:$0x3FB6] =	sst s9;
	s0 =	simm.s32 @!p0 $0x0  }
0x12: {  	s1 =	sld [smem:$0x3F9C];
	s0 =	simm.s32 @p0 $0x1  }
0x13: {  	[smem:$0x3FB7] =	sst s0;
	s0 =	simm.s32 @!p1 $0x0  }
0x14: {  	s2 =	sld [smem:$0x3F9B];
	s0 =	simm.s32 @p1 $0x1  }
0x15: {  	[smem:$0x3FB8] =	sst s0;
	s0 =	simm.s32 @!p2 $0x0  }
0x16: {  	s3 =	sld [smem:$0x3FDB];
	s0 =	simm.s32 @p2 $0x1  }
0x17: {  	s4 =	simm.s32 $0x1BF5;
	[smem:$0x3FBA] =	sst s0  }
0x18: {  	s0 =	sld [smem:$0x3F9D];
	_ =	swait.ge [sflag:s4], $0x0  }
0x19: {  	s7 =	sld [smem:$0x3F9E]  }
0x1a: {  	s8 =	sadd.s32 $0xFFFFE003, lr  }
0x1b: {  	s9 =	sadd.s32 $0xFFFFFEF7, lr;
	s5 =	simm.s32 $0xFFFFFFFF;
	p2 =	slt.u32 s8, $0xFFFFF086  }
0x1c: {  	p1 =	slt.u32 s9, $0xF7A;
	s5 =	simm.s32 @!p2 $0x0  }
0x1d: {  	s5 =	simm.s32 @p1 $0x1;
	p0 =	seq.s32 s7, s2  }
0x1e: {  	s7 =	smul.u32 @!p0 $0xF7A, s2;
	p2 =	seq.s32 @!p0 s5, $0x0  }
0x1f: {  	s9 =	smul.u32 $0xF7A, s1;
	s8 =	simm.s32 @!p0 $0x1BF5;
	p2 =	por !p2, p0  }
0x20: {  	[sflag:s8] =	ssyncset.s32 @!p0 $0xFFFFF086;
	s6 =	sadd.s32 @!p0 s3, s7;
	s7 =	simm.s32 @!p0 $0x108  }
0x21: {  	s3 =	sadd.s32 s3, s9;
	s6 =	sadd.s32 @!p0 $0x88, s6;
	s7 =	simm.s32 @p2 $0x1082  }
0x22: {  	[simem:s7], [sflag:s8] =	dma.local @!p0 [hbm:s6], $0xF7A  }
0x23: {  	s9 =	sor.u32 $0xD0000000, s2;
	s6 =	simm.s32 $0x108;
	_ =	swait.ge @!p0 [sflag:s8], $0x0  }
0x24: {  	s3 =	sadd.s32 $0x88, s3;
	s6 =	simm.s32 @!p1 $0x1082;
	[sflag:s4] =	ssyncset.s32 $0xFFFFF086  }
0x25: {  	[simem:s6], [sflag:s4] =	dma.local [hbm:s3], $0xF7A  }
0x26: {  	[smem:$0x3F9E] =	sst s1;
	(tag) =	ssettag s2;
	_ =	strace s9  }
0x27: {  	s1 =	sld [smem:$0x3FAE]  }
0x28: {  	s2 =	sld [smem:$0x3FAF]  }
0x29: {  	s4 =	sld [smem:$0x3FB1]  }
0x2a: {  	p0 =	seq.s32 s5, $0x0;
	s5 =	sld [smem:$0x3FB2]  }
0x2b: {  	s6 =	sld [smem:$0x3FB3]  }
0x2c: {  	s7 =	sld [smem:$0x3FB4]  }
0x2d: {  	s3 =	simm.s32 $0x108;
	s8 =	sld [smem:$0x3FB5]  }
0x2e: {  	s3 =	simm.s32 @!p0 $0x1082;
	s9 =	sld [smem:$0x3FB6]  }
0x2f: {  	lr =	sadd.s32 s0, s3;
	s0 =	sld [smem:$0x3FAD]  }
0x30: {  	s3 =	sld [smem:$0x3FB0]  }
0x31: {  	[smem:$0x3FB9] =	sst s10  }
0x32: {  	s10 =	sld [smem:$0x3FB7];
	_ =	sdelay $0x3  }
0x33: {  	p0 =	seq.s32 s10, $0x1;
	s10 =	sld [smem:$0x3FB9];
	_ =	sdelay $0x3  }
0x34: {  	[smem:$0x3FB9] =	sst s10  }
0x35: {  	s10 =	sld [smem:$0x3FB8];
	_ =	sdelay $0x3  }
0x36: {  	p1 =	seq.s32 s10, $0x1;
	s10 =	sld [smem:$0x3FB9];
	_ =	sdelay $0x3  }
0x37: {  	[smem:$0x3FB9] =	sst s10  }
0x38: {  	s10 =	sld [smem:$0x3FBA]  }
0x39: {  	_ = 	snop;
	(pc) =	sbr.ind lr, $3  }
0x3a: {  	_ = 	snop  }
0x3b: {  	_ = 	snop  }
0x3c: {  	p2 =	seq.s32 s10, $0x1;
	s10 =	sld [smem:$0x3FB9]  }
0x3d: {  	_ =	shalt  }
0x3e: {  	_ =	shalt  }
0x3f: {  	_ =	shalt  }
0x40: {  	_ =	shalt  }
0x41: {  	_ =	shalt  }
0x42: {  	_ =	shalt  }
0x43: {  	_ =	shalt  }
0x44: {  	_ =	shalt  }
0x45: {  	_ =	shalt  }
0x46: {  	_ =	shalt  }
0x47: {  	_ =	shalt  }
0x48: {  	_ =	shalt  }
0x49: {  	_ =	shalt  }
0x4a: {  	_ =	shalt  }
0x4b: {  	_ =	shalt  }
0x4c: {  	_ =	shalt  }
0x4d: {  	_ =	shalt  }
0x4e: {  	_ =	shalt  }
0x4f: {  	_ =	shalt  }
0x50: {  	_ =	shalt  }
0x51: {  	_ =	shalt  }
0x52: {  	_ =	shalt  }
0x53: {  	_ =	shalt  }
0x54: {  	_ =	shalt  }
0x55: {  	_ =	shalt  }
0x56: {  	_ =	shalt  }
0x57: {  	_ =	shalt  }
0x58: {  	_ =	shalt  }
0x59: {  	_ =	shalt  }
0x5a: {  	_ =	shalt  }
0x5b: {  	_ =	shalt  }
0x5c: {  	_ =	shalt  }
0x5d: {  	_ =	shalt  }
0x5e: {  	_ =	shalt  }
0x5f: {  	_ =	shalt  }
0x60: {  	_ =	shalt  }
0x61: {  	_ =	shalt  }
0x62: {  	_ =	shalt  }
0x63: {  	_ =	shalt  }
0x64: {  	_ =	shalt  }
0x65: {  	_ =	shalt  }
0x66: {  	_ =	shalt  }
0x67: {  	_ =	shalt  }
0x68: {  	_ =	shalt  }
0x69: {  	_ =	shalt  }
0x6a: {  	_ =	shalt  }
0x6b: {  	_ =	shalt  }
0x6c: {  	_ =	shalt  }
0x6d: {  	_ =	shalt  }
0x6e: {  	_ =	shalt  }
0x6f: {  	_ =	shalt  }
0x70: {  	_ =	shalt  }
0x71: {  	_ =	shalt  }
0x72: {  	_ =	shalt  }
0x73: {  	_ =	shalt  }
0x74: {  	_ =	shalt  }
0x75: {  	_ =	shalt  }
0x76: {  	_ =	shalt  }
0x77: {  	_ =	shalt  }
0x78: {  	_ =	shalt  }
0x79: {  	_ =	shalt  }
0x7a: {  	_ =	shalt  }
0x7b: {  	_ =	shalt  }
0x7c: {  	_ =	shalt  }
0x7d: {  	_ =	shalt  }
0x7e: {  	_ =	shalt  }
0x7f: {  	_ =	shalt  }
0x80: {  	_ =	shalt  }
0x81: {  	_ =	shalt  }
0x82: {  	_ =	shalt  }
0x83: {  	_ =	shalt  }
0x84: {  	_ =	shalt  }
0x85: {  	_ =	shalt  }
0x86: {  	_ =	shalt  }
0x87: {  	_ =	shalt  }
.Lfunc_end0:
.L_simem_size_0:
called_computation_lowered:
.L_overlay_start_0:
0x88: {  	s2 =	sld [smem:$0x3FD9]  }
0x89: {  	s3 =	sld [smem:$0x3FFE];
	_ =	sdelay $0x1  }
0x8a: {  	s1 =	srdreg.scid  }
0x8b: {  	s0 =	sand.u32 $0x1, s1  }
0x8c: {  	s17 =	sshll.u32 s0, $0xA;
	s2 =	sadd.s32 s3, s2  }
0x8d: {  	s2 =	sadd.s32 s2, s17  }
0x8e: {  	[smem:$0x3FC5] =	sst s2  }
0x8f: {  	_ = 	snop  }
0x90: {  	s2 =	sld [smem:$0x3FD0];
	(tm) =	ssettm $0x1  }
0x91: {  	s18 =	sld [smem:$0x3FFB];
	_ =	sdelay $0x3  }
0x92: {  	_ =	strace s18  }
0x93: {  	s3 =	sld [smem:$0x3FFC];
	_ =	sdelay $0x3  }
0x94: {  	_ =	strace s3  }
0x95: {  	s3 =	sld [smem:$0x3FFD];
	_ =	sdelay $0x3  }
0x96: {  	_ =	strace s3  }
0x97: {  	_ =	strace $0x8FFFFFFF  }
0x98: {  	s19 =	sld [smem:$0x3FDB];
	_ =	sdelay $0x1  }
0x99: {  	s4 =	simm.s32 $_scs_section_size  }
0x9a: {  	s5 =	simm.s32 $_size__tile_overlayer_lowered;
	s6 =	simm.s32 $_tile_overlayer_lowered  }
0x9b: {  	s22 =	simm.s32 $0x1BFF;
	s21 =	sshll.u32 s6, $0x1;
	s3 =	sadd.s32 s4, s19  }
0x9c: {  	s7 =	simm.s32 $0x0;
	s20 =	sshll.u32 s5, $0x1;
	s5 =	sadd.s32 s21, s3  }
0x9d: {  	[timem:s7], [sflag:s22] =	dma.local [hbm:s5], s20  }
0x9e: {  	_ =	swait.ge [sflag:s22], s20  }
0x9f: {  	s4 =	ssub.s32 $0x0, s20;
	[sflag:s22] =	ssyncset.done $0x0  }
0xa0: {  	[sflag:s22] =	ssyncadd.s32 s4;
	_ =	sdelay $0x1  }
0xa1: {  	s23 =	simm.s32 $0x1B8B  }
0xa2: {  	_ =	swait.ge [sflag:s23], $0x1  }
0xa3: {  	[sflag:s23] =	ssyncset.done $0x0  }
0xa4: {  	s25 =	simm.s32 $0x1B8E;
	s24 =	sld [smem:$0x3FFE];
	[sflag:s23] =	ssyncadd.s32 $0xFFFFFFFF  }
0xa5: {  	s26 =	simm.s32 $execute0_lowered;
	[smem:$0x3FD2] =	sst s25  }
0xa6: {  	s5 =	sshll.u32 s26, $0x1;
	_ =	strace $0x80000046;
	[dreg:$0x1] =	wrdreg $0xFFFFFFFF  }
0xa7: {  	s28 =	simm.s32 $_size_execute0_lowered;
	s3 =	sadd.s32 s3, s5;
	[dreg:$0x0] =	wrdreg $0x0  }
0xa8: {  	s5 =	sshll.u32 s28, $0x1;
	[dreg:$0x2] =	wrdreg s3  }
0xa9: {  	[dreg:$0x3] =	wrdreg s5  }
0xaa: {  	[dreg:$0x4] =	wrdreg $0xC0  }
0xab: {  	_ =	task [dreg:s7], $0x5FFFF  }
0xac: {  	[dreg:$0x1] =	wrdreg $0xFFFFFFFF  }
0xad: {  	[dreg:$0x0] =	wrdreg $0x60  }
0xae: {  	[dreg:$0x2] =	wrdreg s2  }
0xaf: {  	[dreg:$0x3] =	wrdreg s24  }
0xb0: {  	[dreg:$0x4] =	wrdreg $0x9  }
0xb1: {  	_ =	task.clear_ibuf [dreg:s7], $0x5FFFF;
	_ =	strace $0x90000046  }
0xb2: {  	s29 =	simm.s32 $0x9;
	_ =	strace $0x80000048  }
0xb3: {  	_ =	swait.ge [sflag:s29], $0x1  }
0xb4: {  	[sflag:s29] =	ssyncadd.s32 $0xFFFFFFFF  }
0xb5: {  	_ =	strace $0x90000048  }
0xb6: {  	_ =	sfence  }
0xb7: {  	s30 =	sld [smem:$0x0];
	_ =	sdelay $0x2  }
0xb8: {  	s31 =	sshll.u32 s1, $0xD;
	s1 =	sshrl.u32 s1, $0x2  }
0xb9: {  	s3 =	sand.u32 $0x4000, s31;
	s1 =	sadd.s32 s1, s30  }
0xba: {  	s0 =	sor.u32 s3, s0;
	s1 =	sshll.u32 s1, $0x11  }
0xbb: {  	s0 =	sor.u32 s1, s0  }
0xbc: {  	s0 =	sadd.s32 $0x8F2B, s0  }
0xbd: {  	[sflag:s0] =	ssyncadd.remote.s32 $0x1  }
0xbe: {  	_ =	sfence.sel $0xFFFF  }
0xbf: {  	[dreg:$0x0] =	wrdreg $0xFFFFFFFF;
	(pc) =	sbr.abs _section_cstart, $3  }
0xc0: {  	[dreg:$0x1] =	wrdreg $0xFFFFFFFF  }
0xc1: {  	_ =	task.clear_ibuf [dreg:s7], $0x2FFFF;
	_ =	strace $0x9FFFFFFF  }
0xc2: {  	(tm) =	ssettm $0x7FFFFFFF  }
0xc3: {  	_ =	shalt  }
tec
execute0_lowered:
.L_overlay_start_1:
0x0: {  	(tag) =	ssettag $0x1  }
0x1: {  	s9 =	rddreg [dreg:$0x0]  }
0x2: {  	s0 =	rddreg [dreg:$0x1];
	s5 =	stileid.u32;
	s3 =	simm.s32 $0x0  }
0x3: {  	s4 =	srdreg.scid;
	s28 =	simm.s32 $0x1;
	s31 =	simm.s32 $0x2  }
0x4: {  	s1 =	sshrl.u32 s5, $0x2;
	s5 =	sshll.u32 s5, $0x1;
	[smem:$0x7FF] =	sst s3  }
0x5: {  	s6 =	sand.u32 $0x1, s4;
	s2 =	smul.u32 $0x3000, s1;
	s19 =	sand.u32 $0x6, s5  }
0x6: {  	_ =	strace $0x80000047;
	s7 =	sshll.u32 s1, $0xB;
	s4 =	sor.u32 s6, s19  }
0x7: {  	s8 =	ssub.s32 $0x2, s6;
	s20 =	sshll.u32 s4, $0x5;
	s30 =	sshll.u32 s4, $0x8  }
0x8: {  	s11 =	smul.u32 $0xC00000, s1;
	s5 =	sadd.s32 s20, s0;
	s4 =	sor.u32 s7, s30  }
0x9: {  	s6 =	sadd.s32 $0xC800, s0;
	[dreg:$0x18] =	wrdreg s4;
	s22 =	sadd.s32 $0x400, s5  }
0xa: {  	s21 =	sshrl.u32 s8, $0x1;
	s4 =	sshrl.u32 s4, $0x3;
	[dreg:$0x1a] =	wrdreg s22  }
0xb: {  	s2 =	sadd.s32 s2, s0;
	s24 =	sadd.s32 $0x500, s5;
	[dreg:$0x19] =	wrdreg s4  }
0xc: {  	s0 =	ssub.s32 s8, s21;
	s25 =	sadd.s32 $0x600, s5;
	[dreg:$0x1b] =	wrdreg s24  }
0xd: {  	s26 =	sadd.s32 $0x700, s5;
	s23 =	smul.u32 $0x300, s4;
	[dreg:$0x1c] =	wrdreg s25  }
0xe: {  	v0 =	vlaneseq.u32;
	s1 =	simm.s32 $0x0;
	s0 =	smax.u32 s0, $0x1;
	[dreg:$0x1d] =	wrdreg s26  }
0xf: {  	v1 =	vshrl.u32 v0, $0x3;
	s14 =	sadd.s32 $0x800, s2;
	[dreg:$0x1f] =	wrdreg s0;
	s29 =	sadd.s32 s9, s23  }
0x10: {  	vm0 =	vmmov $0xffff;
	v0 =	vand.u32 $0x7, v0;
	v1 =	vmul.u32 $0x8, v1;
	s15 =	sor.u32 $0x6000, s11;
	s23 =	sadd.s32 $0x100, s14;
	[dreg:$0x1e] =	wrdreg s29  }
.LBB2_1:
0x11: {  	[smem:$0x7FD] =	sst s1  }
0x12: {  	s2 =	rddreg [dreg:$0x1a];
	s0 =	simm.s32 $0x4  }
0x13: {  	[tilespmem:s3], [sflag:$0x4] =	stream.linear.gather [hbm4b:s2+s3], $0x100, $0x38;
	[tilespmem:$0x1B400] =	vst v63  }
0x14: {  	_ =	swait.ge [sflag:s0], $0x100  }
0x15: {  	[sflag:s0] =	ssyncset.done $0x0  }
0x16: {  	s2 =	simm.s32 $0x100;
	s4 =	rddreg [dreg:$0x1b];
	[sflag:s0] =	ssyncadd.s32 $0xFFFFFF00  }
0x17: {  	[tilespmem:s2], [sflag:$0x4] =	stream.linear.gather [hbm4b:s4+s3], $0x100, $0x38;
	[tilespmem:$0x1B400] =	vst v63  }
0x18: {  	_ =	swait.ge [sflag:s0], $0x100  }
0x19: {  	[sflag:s0] =	ssyncset.done $0x0  }
0x1a: {  	s7 =	simm.s32 $0x200;
	s5 =	rddreg [dreg:$0x1c];
	[sflag:s0] =	ssyncadd.s32 $0xFFFFFF00  }
0x1b: {  	[tilespmem:s7], [sflag:$0x4] =	stream.linear.gather [hbm4b:s5+s3], $0x100, $0x38;
	[tilespmem:$0x1B400] =	vst v63  }
0x1c: {  	_ =	swait.ge [sflag:s0], $0x100  }
0x1d: {  	[sflag:s0] =	ssyncset.done $0x0  }
0x1e: {  	s9 =	simm.s32 $0x300;
	s8 =	rddreg [dreg:$0x1d];
	[sflag:s0] =	ssyncadd.s32 $0xFFFFFF00  }
0x1f: {  	[tilespmem:s9], [sflag:$0x4] =	stream.linear.gather [hbm4b:s8+s3], $0x100, $0x38;
	[tilespmem:$0x1B400] =	vst v63  }
0x20: {  	_ =	swait.ge [sflag:s0], $0x100  }
0x21: {  	[sflag:s0] =	ssyncset.done $0x0  }
0x22: {  	s12 =	simm.s32 $0x400;
	s10 =	rddreg [dreg:$0x1e];
	[sflag:s0] =	ssyncadd.s32 $0xFFFFFF00  }
0x23: {  	[tilespmem:s12], [sflag:$0x1] =	stream.linear.gather [hbm4b:s10+s3], $0x1800, $0x38;
	[tilespmem:$0x1B400] =	vst v63  }
0x24: {  	v2 =	vld.msk [tilespmem:$0x0], $0xff;
	_ =	sdelay $0x4  }
0x25: {  	v3 =	vshrl.u32 v2, $0x3  }
0x26: {  	v3 =	vmul.u32 $0x30, v3  }
0x27: {  	v2 =	vand.u32 $0x7, v2  }
0x28: {  	v2 =	vor.u32 v2, v3  }
0x29: {  	v2 =	vperm.xlane v2, v0;
	_ =	sdelay $0x1  }
0x2a: {  	v2 =	vadd.s32 v1, v2;
	_ =	sdelay $0x3  }
0x2b: {  	s13 =	simm.s32 $0x3400  }
0x2c: {  	[tilespmem:s13], [sflag:$0x1] =	stream.indirect_vreg.gather [hbm4b:s14+s3], $0x80, v2, vm0, $0xb8;
	[tilespmem:$0x1B400] =	vst v63  }
0x2d: {  	s16 =	simm.s32 $0x3C00  }
0x2e: {  	[tilespmem:s16], [sflag:$0x1] =	stream.indirect_vreg.gather [hbm4b:s23+s3], $0x80, v2, vm0, $0xb8;
	[tilespmem:$0x1B400] =	vst v63  }
0x2f: {  	s1 =	sadd.s32 $0x200, s14;
	s17 =	simm.s32 $0x4400  }
0x30: {  	[tilespmem:s17], [sflag:$0x1] =	stream.indirect_vreg.gather [hbm4b:s1+s3], $0x80, v2, vm0, $0xb8;
	[tilespmem:$0x1B400] =	vst v63  }
0x31: {  	v2 =	vld.msk [tilespmem:$0x100], $0xff;
	_ =	sdelay $0x4  }
0x32: {  	v3 =	vshrl.u32 v2, $0x3  }
0x33: {  	v3 =	vmul.u32 $0x30, v3  }
0x34: {  	v2 =	vand.u32 $0x7, v2  }
0x35: {  	v2 =	vor.u32 v2, v3  }
0x36: {  	v2 =	vperm.xlane v2, v0;
	_ =	sdelay $0x1  }
0x37: {  	v2 =	vadd.s32 v1, v2;
	_ =	sdelay $0x3  }
0x38: {  	s18 =	simm.s32 $0x4C00  }
0x39: {  	[tilespmem:s18], [sflag:$0x1] =	stream.indirect_vreg.gather [hbm4b:s14+s3], $0x80, v2, vm0, $0xb8;
	[tilespmem:$0x1B400] =	vst v63  }
0x3a: {  	s19 =	simm.s32 $0x5400  }
0x3b: {  	[tilespmem:s19], [sflag:$0x1] =	stream.indirect_vreg.gather [hbm4b:s23+s3], $0x80, v2, vm0, $0xb8;
	[tilespmem:$0x1B400] =	vst v63  }
0x3c: {  	s20 =	simm.s32 $0x5C00  }
0x3d: {  	[tilespmem:s20], [sflag:$0x1] =	stream.indirect_vreg.gather [hbm4b:s1+s3], $0x80, v2, vm0, $0xb8;
	[tilespmem:$0x1B400] =	vst v63  }
0x3e: {  	v2 =	vld.msk [tilespmem:$0x200], $0xff;
	_ =	sdelay $0x4  }
0x3f: {  	v3 =	vshrl.u32 v2, $0x3  }
0x40: {  	v3 =	vmul.u32 $0x30, v3  }
0x41: {  	v2 =	vand.u32 $0x7, v2  }
0x42: {  	v2 =	vor.u32 v2, v3  }
0x43: {  	v2 =	vperm.xlane v2, v0;
	_ =	sdelay $0x1  }
0x44: {  	v2 =	vadd.s32 v1, v2;
	_ =	sdelay $0x3  }
0x45: {  	s21 =	simm.s32 $0x6400  }
0x46: {  	[tilespmem:s21], [sflag:$0x1] =	stream.indirect_vreg.gather [hbm4b:s14+s3], $0x80, v2, vm0, $0xb8;
	[tilespmem:$0x1B400] =	vst v63  }
0x47: {  	s22 =	simm.s32 $0x6C00  }
0x48: {  	[tilespmem:s22], [sflag:$0x1] =	stream.indirect_vreg.gather [hbm4b:s23+s3], $0x80, v2, vm0, $0xb8;
	[tilespmem:$0x1B400] =	vst v63  }
0x49: {  	s24 =	simm.s32 $0x7400  }
0x4a: {  	[tilespmem:s24], [sflag:$0x1] =	stream.indirect_vreg.gather [hbm4b:s1+s3], $0x80, v2, vm0, $0xb8;
	[tilespmem:$0x1B400] =	vst v63  }
0x4b: {  	v2 =	vld.msk [tilespmem:$0x300], $0xff;
	_ =	sdelay $0x4  }
0x4c: {  	v3 =	vshrl.u32 v2, $0x3  }
0x4d: {  	v3 =	vmul.u32 $0x30, v3  }
0x4e: {  	v2 =	vand.u32 $0x7, v2  }
0x4f: {  	v2 =	vor.u32 v2, v3  }
0x50: {  	v2 =	vperm.xlane v2, v0;
	_ =	sdelay $0x1  }
0x51: {  	v2 =	vadd.s32 v1, v2;
	_ =	sdelay $0x3  }
0x52: {  	s25 =	simm.s32 $0x7C00  }
0x53: {  	[tilespmem:s25], [sflag:$0x1] =	stream.indirect_vreg.gather [hbm4b:s14+s3], $0x80, v2, vm0, $0xb8;
	[tilespmem:$0x1B400] =	vst v63  }
0x54: {  	s26 =	simm.s32 $0x8400  }
0x55: {  	[tilespmem:s26], [sflag:$0x1] =	stream.indirect_vreg.gather [hbm4b:s23+s3], $0x80, v2, vm0, $0xb8;
	[tilespmem:$0x1B400] =	vst v63  }
0x56: {  	s29 =	simm.s32 $0x8C00;
	s18 =	simm.s32 $0x0  }
0x57: {  	[tilespmem:s29], [sflag:$0x1] =	stream.indirect_vreg.gather [hbm4b:s1+s3], $0x80, v2, vm0, $0xb8;
	[tilespmem:$0x1B400] =	vst v63  }
.LBB2_2:
0x58: {  	s2 =	sshllo.u32 s18, $0x1;
	s4 =	rddreg [dreg:$0x19]  }
0x59: {  	s5 =	sadd.s32 s4, s2  }
0x5a: {  	s5 =	smul.u32 $0x300, s5  }
0x5b: {  	s9 =	rddreg [dreg:$0x0]  }
0x5c: {  	s10 =	simm.s32 $0x1C00;
	s19 =	sshll.u32 s2, $0x3;
	s2 =	sadd.s32 s9, s5  }
0x5d: {  	[tilespmem:s10], [sflag:$0x2] =	stream.linear.gather [hbm4b:s2+s3], $0x1800, $0x38;
	[tilespmem:$0x1B400] =	vst v63  }
0x5e: {  	v2 =	vld.msk [tilespmem:s19+$0x0], $0xff;
	_ =	sdelay $0x4  }
0x5f: {  	v3 =	vshrl.u32 v2, $0x3  }
0x60: {  	v3 =	vmul.u32 $0x30, v3  }
0x61: {  	v2 =	vand.u32 $0x7, v2  }
0x62: {  	v2 =	vor.u32 v2, v3  }
0x63: {  	v2 =	vperm.xlane v2, v0;
	_ =	sdelay $0x1  }
0x64: {  	v2 =	vadd.s32 v1, v2;
	_ =	sdelay $0x3  }
0x65: {  	s12 =	simm.s32 $0x9400  }
0x66: {  	[tilespmem:s12], [sflag:$0x2] =	stream.indirect_vreg.gather [hbm4b:s14+s3], $0x80, v2, vm0, $0xb8;
	[tilespmem:$0x1B400] =	vst v63  }
0x67: {  	s13 =	simm.s32 $0x9C00  }
0x68: {  	[tilespmem:s13], [sflag:$0x2] =	stream.indirect_vreg.gather [hbm4b:s23+s3], $0x80, v2, vm0, $0xb8;
	[tilespmem:$0x1B400] =	vst v63  }
0x69: {  	s16 =	simm.s32 $0xA400  }
0x6a: {  	[tilespmem:s16], [sflag:$0x2] =	stream.indirect_vreg.gather [hbm4b:s1+s3], $0x80, v2, vm0, $0xb8;
	[tilespmem:$0x1B400] =	vst v63  }
0x6b: {  	v2 =	vld.msk [tilespmem:s19+$0x100], $0xff;
	_ =	sdelay $0x4  }
0x6c: {  	v3 =	vshrl.u32 v2, $0x3  }
0x6d: {  	v3 =	vmul.u32 $0x30, v3  }
0x6e: {  	v2 =	vand.u32 $0x7, v2  }
0x6f: {  	v2 =	vor.u32 v2, v3  }
0x70: {  	v2 =	vperm.xlane v2, v0;
	_ =	sdelay $0x1  }
0x71: {  	v2 =	vadd.s32 v1, v2;
	_ =	sdelay $0x3  }
0x72: {  	s17 =	simm.s32 $0xAC00  }
0x73: {  	[tilespmem:s17], [sflag:$0x2] =	stream.indirect_vreg.gather [hbm4b:s14+s3], $0x80, v2, vm0, $0xb8;
	[tilespmem:$0x1B400] =	vst v63  }
0x74: {  	s20 =	simm.s32 $0xB400  }
0x75: {  	[tilespmem:s20], [sflag:$0x2] =	stream.indirect_vreg.gather [hbm4b:s23+s3], $0x80, v2, vm0, $0xb8;
	[tilespmem:$0x1B400] =	vst v63  }
0x76: {  	s21 =	simm.s32 $0xBC00  }
0x77: {  	[tilespmem:s21], [sflag:$0x2] =	stream.indirect_vreg.gather [hbm4b:s1+s3], $0x80, v2, vm0, $0xb8;
	[tilespmem:$0x1B400] =	vst v63  }
0x78: {  	v2 =	vld.msk [tilespmem:s19+$0x200], $0xff;
	_ =	sdelay $0x4  }
0x79: {  	v3 =	vshrl.u32 v2, $0x3  }
0x7a: {  	v3 =	vmul.u32 $0x30, v3  }
0x7b: {  	v2 =	vand.u32 $0x7, v2  }
0x7c: {  	v2 =	vor.u32 v2, v3  }
0x7d: {  	v2 =	vperm.xlane v2, v0;
	_ =	sdelay $0x1  }
0x7e: {  	v2 =	vadd.s32 v1, v2;
	_ =	sdelay $0x3  }
0x7f: {  	s22 =	simm.s32 $0xC400  }
0x80: {  	[tilespmem:s22], [sflag:$0x2] =	stream.indirect_vreg.gather [hbm4b:s14+s3], $0x80, v2, vm0, $0xb8;
	[tilespmem:$0x1B400] =	vst v63  }
0x81: {  	s24 =	simm.s32 $0xCC00  }
0x82: {  	[tilespmem:s24], [sflag:$0x2] =	stream.indirect_vreg.gather [hbm4b:s23+s3], $0x80, v2, vm0, $0xb8;
	[tilespmem:$0x1B400] =	vst v63  }
0x83: {  	s25 =	simm.s32 $0xD400  }
0x84: {  	[tilespmem:s25], [sflag:$0x2] =	stream.indirect_vreg.gather [hbm4b:s1+s3], $0x80, v2, vm0, $0xb8;
	[tilespmem:$0x1B400] =	vst v63  }
0x85: {  	v2 =	vld.msk [tilespmem:s19+$0x300], $0xff;
	_ =	sdelay $0x4  }
0x86: {  	v3 =	vshrl.u32 v2, $0x3  }
0x87: {  	v3 =	vmul.u32 $0x30, v3  }
0x88: {  	v2 =	vand.u32 $0x7, v2  }
0x89: {  	v2 =	vor.u32 v2, v3  }
0x8a: {  	v2 =	vperm.xlane v2, v0;
	_ =	sdelay $0x1  }
0x8b: {  	v2 =	vadd.s32 v1, v2;
	_ =	sdelay $0x3  }
0x8c: {  	s26 =	simm.s32 $0xDC00  }
0x8d: {  	[tilespmem:s26], [sflag:$0x2] =	stream.indirect_vreg.gather [hbm4b:s14+s3], $0x80, v2, vm0, $0xb8;
	[tilespmem:$0x1B400] =	vst v63  }
0x8e: {  	s0 =	smov.u32 s15;
	s29 =	simm.s32 $0xE400  }
0x8f: {  	[tilespmem:s29], [sflag:$0x2] =	stream.indirect_vreg.gather [hbm4b:s23+s3], $0x80, v2, vm0, $0xb8;
	[tilespmem:$0x1B400] =	vst v63  }
0x90: {  	s15 =	smov.u32 s11;
	s11 =	smov.u32 s30;
	s30 =	simm.s32 $0xEC00  }
0x91: {  	[tilespmem:s30], [sflag:$0x2] =	stream.indirect_vreg.gather [hbm4b:s1+s3], $0x80, v2, vm0, $0xb8;
	[tilespmem:$0x1B400] =	vst v63  }
0x92: {  	_ =	swait.ge [sflag:s28], $0x1800  }
0x93: {  	[sflag:s28] =	ssyncset.done $0x0  }
0x94: {  	[sflag:s28] =	ssyncadd.s32 $0xFFFFE800  }
0x95: {  	_ =	swait.ge [sflag:s28], $0x1800  }
0x96: {  	[sflag:s28] =	ssyncset.done $0x0  }
0x97: {  	[sflag:s28] =	ssyncadd.s32 $0xFFFFE800  }
0x98: {  	_ =	swait.ge [sflag:s28], $0x1800  }
0x99: {  	[sflag:s28] =	ssyncset.done $0x0  }
0x9a: {  	[sflag:s28] =	ssyncadd.s32 $0xFFFFE800  }
0x9b: {  	_ =	swait.ge [sflag:s28], $0x1800  }
0x9c: {  	[sflag:s28] =	ssyncset.done $0x0  }
0x9d: {  	[sflag:s28] =	ssyncadd.s32 $0xFFFFE800  }
0x9e: {  	_ =	swait.ge [sflag:s28], $0x1800  }
0x9f: {  	p0 =	seq.s32 s18, $0x0;
	[sflag:s28] =	ssyncset.done $0x0  }
0xa0: {  	s2 =	simm.s32 @!p0 $0x3;
	[sflag:s28] =	ssyncadd.s32 $0xFFFFE800  }
0xa1: {  	_ =	swait.ge @!p0 [sflag:s2], $0x6000  }
0xa2: {  	s8 =	simm.s32 $0x0;
	[sflag:s2] =	ssyncset.done @!p0 $0x0  }
0xa3: {  	s5 =	sshll.u32 s18, $0x4;
	s9 =	simm.s32 $0x0;
	[sflag:s2] =	ssyncadd.s32 @!p0 $0xFFFFA000  }
.LBB2_3:
0xa4: {  	s2 =	smul.u32 $0x6000, s9;
	_ =	sdelay $0x1  }
0xa5: {  	s20 =	sshll.u32 s9, $0x7;
	s10 =	sshra.s32 s2, $0x2;
	s2 =	sand.u32 $0x1C00, s8  }
0xa6: {  	s12 =	sand.u32 $0x40, s8;
	s13 =	sor.u32 s20, s2  }
0xa7: {  	s30 =	simm.s32 $0x0;
	s10 =	sadd.s32 $0xF400, s10;
	s16 =	sor.u32 s12, s13  }
0xa8: {  	[dreg:$0x3] =	wrdreg s10;
	s10 =	smul.u32 $0x3000, s30;
	v2 =	vld [tilespmem:s16+$0x400]  }
0xa9: {  	_ = 	snop  }
0xaa: {  	s17 =	rddreg [dreg:$0x3];
	s10 =	sshra.s32 s10, $0x2  }
0xab: {  	s21 =	sand.u32 $0x380, s8;
	s10 =	sadd.s32 s10, s17  }
0xac: {  	s17 =	sor.u32 $0x10, s12;
	s10 =	sadd.s32 s21, s10  }
0xad: {  	s4 =	sor.u32 s17, s13;
	[tilespmem:s10+$0x0] =	vst v2  }
0xae: {  	v2 =	vld [tilespmem:s4+$0x400];
	_ =	sdelay $0x3  }
0xaf: {  	s22 =	sor.u32 $0x20, s12  }
0xb0: {  	s24 =	sor.u32 s22, s13;
	[tilespmem:s10+$0x10] =	vst v2  }
0xb1: {  	v2 =	vld [tilespmem:s24+$0x400];
	_ =	sdelay $0x3  }
0xb2: {  	s25 =	sor.u32 $0x30, s12  }
0xb3: {  	s13 =	sor.u32 s25, s13;
	[tilespmem:s10+$0x20] =	vst v2  }
0xb4: {  	v2 =	vld [tilespmem:s13+$0x400];
	_ =	sdelay $0x4  }
0xb5: {  	[tilespmem:s10+$0x30] =	vst v2  }
0xb6: {  	v2 =	vld [tilespmem:s16+$0x3400];
	_ =	sdelay $0x4  }
0xb7: {  	[tilespmem:s10+$0x40] =	vst v2  }
0xb8: {  	v2 =	vld [tilespmem:s4+$0x3400];
	_ =	sdelay $0x4  }
0xb9: {  	[tilespmem:s10+$0x50] =	vst v2  }
0xba: {  	v2 =	vld [tilespmem:s24+$0x3400];
	_ =	sdelay $0x4  }
0xbb: {  	[tilespmem:s10+$0x60] =	vst v2  }
0xbc: {  	v2 =	vld [tilespmem:s13+$0x3400]  }
0xbd: {  	s7 =	sadd.s32 $0x4C00, s20  }
0xbe: {  	[dreg:$0x4] =	wrdreg s7  }
0xbf: {  	s16 =	rddreg [dreg:$0x4]  }
0xc0: {  	s13 =	sadd.s32 s2, s16  }
0xc1: {  	s21 =	sadd.s32 s12, s13;
	[tilespmem:s10+$0x70] =	vst v2  }
0xc2: {  	v2 =	vld [tilespmem:s21+$0x0];
	_ =	sdelay $0x4  }
0xc3: {  	s24 =	sadd.s32 s17, s13;
	[tilespmem:s10+$0x400] =	vst v2  }
0xc4: {  	v2 =	vld [tilespmem:s24+$0x0];
	_ =	sdelay $0x4  }
0xc5: {  	s26 =	sadd.s32 s22, s13;
	[tilespmem:s10+$0x410] =	vst v2  }
0xc6: {  	v2 =	vld [tilespmem:s26+$0x0];
	_ =	sdelay $0x4  }
0xc7: {  	s13 =	sadd.s32 s25, s13;
	[tilespmem:s10+$0x420] =	vst v2  }
0xc8: {  	v2 =	vld [tilespmem:s13+$0x0]  }
0xc9: {  	s29 =	sadd.s32 $0x6400, s20  }
0xca: {  	[dreg:$0x5] =	wrdreg s29  }
0xcb: {  	s30 =	rddreg [dreg:$0x5]  }
0xcc: {  	s13 =	sadd.s32 s2, s30  }
0xcd: {  	s4 =	sadd.s32 s12, s13;
	[tilespmem:s10+$0x430] =	vst v2  }
0xce: {  	v2 =	vld [tilespmem:s4+$0x0];
	_ =	sdelay $0x4  }
0xcf: {  	s7 =	sadd.s32 s17, s13;
	[tilespmem:s10+$0x440] =	vst v2  }
0xd0: {  	v2 =	vld [tilespmem:s7+$0x0];
	_ =	sdelay $0x4  }
0xd1: {  	s21 =	sadd.s32 s22, s13;
	[tilespmem:s10+$0x450] =	vst v2  }
0xd2: {  	v2 =	vld [tilespmem:s21+$0x0];
	_ =	sdelay $0x4  }
0xd3: {  	s13 =	sadd.s32 s25, s13;
	[tilespmem:s10+$0x460] =	vst v2  }
0xd4: {  	v2 =	vld [tilespmem:s13+$0x0]  }
0xd5: {  	s24 =	sadd.s32 $0x7C00, s20  }
0xd6: {  	[dreg:$0x6] =	wrdreg s24  }
0xd7: {  	s26 =	rddreg [dreg:$0x6]  }
0xd8: {  	s2 =	sadd.s32 s2, s26  }
0xd9: {  	s12 =	sadd.s32 s12, s2;
	[tilespmem:s10+$0x470] =	vst v2  }
0xda: {  	v2 =	vld [tilespmem:s12+$0x0];
	_ =	sdelay $0x4  }
0xdb: {  	s29 =	sadd.s32 s17, s2;
	[tilespmem:s10+$0x800] =	vst v2  }
0xdc: {  	v2 =	vld [tilespmem:s29+$0x0];
	_ =	sdelay $0x4  }
0xdd: {  	s30 =	sadd.s32 s22, s2;
	[tilespmem:s10+$0x810] =	vst v2  }
0xde: {  	v2 =	vld [tilespmem:s30+$0x0];
	_ =	sdelay $0x3  }
0xdf: {  	s16 =	simm.s32 $0x1  }
0xe0: {  	s17 =	simm.s32 $0x200;
	s2 =	sadd.s32 s25, s2;
	s22 =	simm.s32 $0x2;
	[tilespmem:s10+$0x820] =	vst v2  }
0xe1: {  	s21 =	simm.s32 $0x40;
	s13 =	simm.s32 $0x0;
	s12 =	sand.u32 $0x1C00, s17;
	v2 =	vld [tilespmem:s2+$0x0]  }
.LBB2_4:
0xe2: {  	_ =	sdelay $0x2  }
0xe3: {  	s24 =	sand.u32 $0x40, s21;
	s7 =	sor.u32 s20, s12  }
0xe4: {  	s2 =	sshrl.u32 s16, $0x3;
	s29 =	sor.u32 s24, s7;
	[tilespmem:s10+$0x830] =	vst v2  }
0xe5: {  	s2 =	smul.u32 $0x3000, s2;
	v2 =	vld [tilespmem:s29+$0x400];
	_ =	sdelay $0x1  }
0xe6: {  	s26 =	rddreg [dreg:$0x3];
	s13 =	sadd.s32 $0x80, s13;
	s2 =	sshra.s32 s2, $0x2  }
0xe7: {  	s25 =	sand.u32 $0x380, s13;
	s2 =	sadd.s32 s2, s26  }
0xe8: {  	s10 =	sadd.s32 s25, s2;
	s25 =	sor.u32 $0x10, s24  }
0xe9: {  	s30 =	sor.u32 s25, s7;
	[tilespmem:s10+$0x0] =	vst v2  }
0xea: {  	v2 =	vld [tilespmem:s30+$0x400];
	_ =	sdelay $0x3  }
0xeb: {  	s26 =	sor.u32 $0x20, s24  }
0xec: {  	s4 =	sor.u32 s26, s7;
	[tilespmem:s10+$0x10] =	vst v2  }
0xed: {  	v2 =	vld [tilespmem:s4+$0x400];
	_ =	sdelay $0x3  }
0xee: {  	s2 =	sor.u32 $0x30, s24  }
0xef: {  	s7 =	sor.u32 s2, s7;
	[tilespmem:s10+$0x20] =	vst v2  }
0xf0: {  	v2 =	vld [tilespmem:s7+$0x400];
	_ =	sdelay $0x4  }
0xf1: {  	[tilespmem:s10+$0x30] =	vst v2  }
0xf2: {  	v2 =	vld [tilespmem:s29+$0x3400];
	_ =	sdelay $0x4  }
0xf3: {  	[tilespmem:s10+$0x40] =	vst v2  }
0xf4: {  	v2 =	vld [tilespmem:s30+$0x3400];
	_ =	sdelay $0x4  }
0xf5: {  	[tilespmem:s10+$0x50] =	vst v2  }
0xf6: {  	v2 =	vld [tilespmem:s4+$0x3400];
	_ =	sdelay $0x4  }
0xf7: {  	[tilespmem:s10+$0x60] =	vst v2  }
0xf8: {  	v2 =	vld [tilespmem:s7+$0x3400];
	_ =	sdelay $0x2  }
0xf9: {  	s29 =	rddreg [dreg:$0x4]  }
0xfa: {  	s4 =	sadd.s32 s12, s29  }
0xfb: {  	s30 =	sadd.s32 s24, s4;
	[tilespmem:s10+$0x70] =	vst v2  }
0xfc: {  	v2 =	vld [tilespmem:s30+$0x0];
	_ =	sdelay $0x4  }
0xfd: {  	s29 =	sadd.s32 s25, s4;
	[tilespmem:s10+$0x400] =	vst v2  }
0xfe: {  	v2 =	vld [tilespmem:s29+$0x0];
	_ =	sdelay $0x4  }
0xff: {  	s30 =	sadd.s32 s26, s4;
	[tilespmem:s10+$0x410] =	vst v2  }
0x100: {  	v2 =	vld [tilespmem:s30+$0x0];
	_ =	sdelay $0x4  }
0x101: {  	s4 =	sadd.s32 s2, s4;
	[tilespmem:s10+$0x420] =	vst v2  }
0x102: {  	v2 =	vld [tilespmem:s4+$0x0];
	_ =	sdelay $0x2  }
0x103: {  	s29 =	rddreg [dreg:$0x5]  }
0x104: {  	s4 =	sadd.s32 s12, s29  }
0x105: {  	s30 =	sadd.s32 s24, s4;
	[tilespmem:s10+$0x430] =	vst v2  }
0x106: {  	v2 =	vld [tilespmem:s30+$0x0];
	_ =	sdelay $0x4  }
0x107: {  	s29 =	sadd.s32 s25, s4;
	[tilespmem:s10+$0x440] =	vst v2  }
0x108: {  	v2 =	vld [tilespmem:s29+$0x0];
	_ =	sdelay $0x4  }
0x109: {  	s30 =	sadd.s32 s26, s4;
	[tilespmem:s10+$0x450] =	vst v2  }
0x10a: {  	v2 =	vld [tilespmem:s30+$0x0];
	_ =	sdelay $0x4  }
0x10b: {  	s4 =	sadd.s32 s2, s4;
	[tilespmem:s10+$0x460] =	vst v2  }
0x10c: {  	v2 =	vld [tilespmem:s4+$0x0];
	_ =	sdelay $0x2  }
0x10d: {  	s7 =	rddreg [dreg:$0x6]  }
0x10e: {  	s4 =	sadd.s32 s12, s7  }
0x10f: {  	s24 =	sadd.s32 s24, s4;
	[tilespmem:s10+$0x470] =	vst v2  }
0x110: {  	v2 =	vld [tilespmem:s24+$0x0];
	_ =	sdelay $0x4  }
0x111: {  	s29 =	sadd.s32 s25, s4;
	[tilespmem:s10+$0x800] =	vst v2  }
0x112: {  	v2 =	vld [tilespmem:s29+$0x0];
	_ =	sdelay $0x4  }
0x113: {  	s30 =	sadd.s32 s26, s4;
	[tilespmem:s10+$0x810] =	vst v2  }
0x114: {  	v2 =	vld [tilespmem:s30+$0x0]  }
0x115: {  	p1 =	sne.s32 s22, $0xB  }
.Ltmp0:
0x116: {  	_ = 	snop;
	(pc) =	sbr.rel @p1 .LBB2_4-.Ltmp0, $3  }
0x117: {  	_ =	sdelay $0x1  }
0x118: {  	s16 =	smov.u32 s22;
	s17 =	sadd.s32 $0x200, s17;
	s2 =	sadd.s32 s2, s4;
	[tilespmem:s10+$0x820] =	vst v2  }
0x119: {  	s22 =	sadd.s32 $0x1, s22;
	s21 =	sadd.s32 $0x40, s21;
	s12 =	sand.u32 $0x1C00, s17;
	v2 =	vld [tilespmem:s2+$0x0]  }
0x11a: {  	_ =	sdelay $0x2  }
0x11b: {  	s17 =	sand.u32 $0x40, s21;
	s4 =	sor.u32 s20, s12  }
0x11c: {  	s2 =	sshrl.u32 s16, $0x3;
	s7 =	sor.u32 s17, s4;
	[tilespmem:s10+$0x830] =	vst v2  }
0x11d: {  	s2 =	smul.u32 $0x3000, s2;
	v2 =	vld [tilespmem:s7+$0x400];
	_ =	sdelay $0x1  }
0x11e: {  	s22 =	rddreg [dreg:$0x3];
	s13 =	sadd.s32 $0x80, s13;
	s2 =	sshra.s32 s2, $0x2  }
0x11f: {  	s13 =	sand.u32 $0x380, s13;
	s2 =	sadd.s32 s2, s22  }
0x120: {  	s10 =	sor.u32 $0x10, s17;
	s2 =	sadd.s32 s13, s2  }
0x121: {  	s24 =	sor.u32 s10, s4;
	[tilespmem:s2+$0x0] =	vst v2  }
0x122: {  	v2 =	vld [tilespmem:s24+$0x400];
	_ =	sdelay $0x3  }
0x123: {  	s16 =	sor.u32 $0x20, s17  }
0x124: {  	s20 =	sor.u32 s16, s4;
	[tilespmem:s2+$0x10] =	vst v2  }
0x125: {  	v2 =	vld [tilespmem:s20+$0x400];
	_ =	sdelay $0x3  }
0x126: {  	s21 =	sor.u32 $0x30, s17  }
0x127: {  	s4 =	sor.u32 s21, s4;
	[tilespmem:s2+$0x20] =	vst v2  }
0x128: {  	v2 =	vld [tilespmem:s4+$0x400];
	_ =	sdelay $0x4  }
0x129: {  	[tilespmem:s2+$0x30] =	vst v2  }
0x12a: {  	v2 =	vld [tilespmem:s7+$0x3400];
	_ =	sdelay $0x4  }
0x12b: {  	[tilespmem:s2+$0x40] =	vst v2  }
0x12c: {  	v2 =	vld [tilespmem:s24+$0x3400];
	_ =	sdelay $0x4  }
0x12d: {  	[tilespmem:s2+$0x50] =	vst v2  }
0x12e: {  	v2 =	vld [tilespmem:s20+$0x3400];
	_ =	sdelay $0x4  }
0x12f: {  	[tilespmem:s2+$0x60] =	vst v2  }
0x130: {  	v2 =	vld [tilespmem:s4+$0x3400];
	_ =	sdelay $0x2  }
0x131: {  	s25 =	rddreg [dreg:$0x4]  }
0x132: {  	s4 =	sadd.s32 s12, s25  }
0x133: {  	s26 =	sadd.s32 s17, s4;
	[tilespmem:s2+$0x70] =	vst v2  }
0x134: {  	v2 =	vld [tilespmem:s26+$0x0];
	_ =	sdelay $0x4  }
0x135: {  	s29 =	sadd.s32 s10, s4;
	[tilespmem:s2+$0x400] =	vst v2  }
0x136: {  	v2 =	vld [tilespmem:s29+$0x0];
	_ =	sdelay $0x4  }
0x137: {  	s30 =	sadd.s32 s16, s4;
	[tilespmem:s2+$0x410] =	vst v2  }
0x138: {  	v2 =	vld [tilespmem:s30+$0x0];
	_ =	sdelay $0x4  }
0x139: {  	s4 =	sadd.s32 s21, s4;
	[tilespmem:s2+$0x420] =	vst v2  }
0x13a: {  	v2 =	vld [tilespmem:s4+$0x0];
	_ =	sdelay $0x2  }
0x13b: {  	s13 =	rddreg [dreg:$0x5]  }
0x13c: {  	s4 =	sadd.s32 s12, s13  }
0x13d: {  	s20 =	sadd.s32 s17, s4;
	[tilespmem:s2+$0x430] =	vst v2  }
0x13e: {  	v2 =	vld [tilespmem:s20+$0x0];
	_ =	sdelay $0x4  }
0x13f: {  	s22 =	sadd.s32 s10, s4;
	[tilespmem:s2+$0x440] =	vst v2  }
0x140: {  	v2 =	vld [tilespmem:s22+$0x0];
	_ =	sdelay $0x4  }
0x141: {  	s24 =	sadd.s32 s16, s4;
	[tilespmem:s2+$0x450] =	vst v2  }
0x142: {  	v2 =	vld [tilespmem:s24+$0x0];
	_ =	sdelay $0x4  }
0x143: {  	s4 =	sadd.s32 s21, s4;
	[tilespmem:s2+$0x460] =	vst v2  }
0x144: {  	v2 =	vld [tilespmem:s4+$0x0];
	_ =	sdelay $0x2  }
0x145: {  	s25 =	rddreg [dreg:$0x6]  }
0x146: {  	s4 =	sadd.s32 s12, s25  }
0x147: {  	s26 =	sadd.s32 s17, s4;
	[tilespmem:s2+$0x470] =	vst v2  }
0x148: {  	v2 =	vld [tilespmem:s26+$0x0];
	_ =	sdelay $0x4  }
0x149: {  	s29 =	sadd.s32 s10, s4;
	[tilespmem:s2+$0x800] =	vst v2  }
0x14a: {  	v2 =	vld [tilespmem:s29+$0x0];
	_ =	sdelay $0x4  }
0x14b: {  	s30 =	sadd.s32 s16, s4;
	[tilespmem:s2+$0x810] =	vst v2  }
0x14c: {  	v2 =	vld [tilespmem:s30+$0x0];
	_ =	sdelay $0x4  }
0x14d: {  	s9 =	sadd.s32 $0x1, s9;
	s4 =	sadd.s32 s21, s4;
	[tilespmem:s2+$0x820] =	vst v2  }
0x14e: {  	p1 =	sne.s32 s9, $0x4;
	v2 =	vld [tilespmem:s4+$0x0]  }
.Ltmp1:
0x14f: {  	_ = 	snop;
	(pc) =	sbr.rel @p1 .LBB2_3-.Ltmp1, $2  }
0x150: {  	_ =	sdelay $0x2  }
0x151: {  	[tilespmem:s2+$0x830] =	vst v2  }
0x152: {  	s2 =	sor.u32 s11, s5  }
0x153: {  	s20 =	smul.u32 $0x1800, s2;
	_ =	sdelay $0x1  }
0x154: {  	s2 =	sadd.s32 s15, s20  }
0x155: {  	s2 =	sshrl.u32 s2, $0x3  }
0x156: {  	s4 =	simm.s32 $0xF400;
	s2 =	sadd.s32 s6, s2  }
0x157: {  	[hbm4b:s2+s3] =	stream.linear.scatter [tilespmem:s4], [sflag:$0x3], $0x6000, $0x38;
	[tilespmem:$0x1B400] =	vst v63  }
0x158: {  	s2 =	simm.s32 @!p0 $0x3  }
0x159: {  	s30 =	smov.u32 s11;
	_ =	swait.ge @!p0 [sflag:s2], $0x6000  }
0x15a: {  	s11 =	smov.u32 s15;
	s8 =	simm.s32 $0x0;
	[sflag:s2] =	ssyncset.done @!p0 $0x0  }
0x15b: {  	s9 =	simm.s32 $0x0;
	s15 =	smov.u32 s0;
	[sflag:s2] =	ssyncadd.s32 @!p0 $0xFFFFA000  }
.LBB2_7:
0x15c: {  	s12 =	sshll.u32 s9, $0x7  }
0x15d: {  	s25 =	smul.u32 $0x6000, s9;
	s2 =	sadd.s32 $0x200, s12  }
0x15e: {  	[dreg:$0x7] =	wrdreg s2  }
0x15f: {  	s2 =	sshra.s32 s25, $0x2;
	s4 =	rddreg [dreg:$0x7]  }
0x160: {  	s7 =	sadd.s32 $0x15400, s2;
	s2 =	sand.u32 $0x40, s8;
	s4 =	sor.u32 s4, s8  }
0x161: {  	s10 =	simm.s32 $0x0;
	s26 =	sor.u32 s2, s4  }
0x162: {  	s10 =	smul.u32 $0x3000, s10;
	v2 =	vld [tilespmem:s26+$0x400]  }
0x163: {  	[dreg:$0x8] =	wrdreg s7  }
0x164: {  	s10 =	sshra.s32 s10, $0x2;
	s13 =	rddreg [dreg:$0x8]  }
0x165: {  	s16 =	sand.u32 $0x380, s8;
	s10 =	sadd.s32 s10, s13  }
0x166: {  	s13 =	sor.u32 $0x10, s2;
	s10 =	sadd.s32 s16, s10  }
0x167: {  	s29 =	sor.u32 s4, s13;
	[tilespmem:s10+$0x0] =	vst v2  }
0x168: {  	v2 =	vld [tilespmem:s29+$0x400];
	_ =	sdelay $0x3  }
0x169: {  	s17 =	sor.u32 $0x20, s2  }
0x16a: {  	s21 =	sor.u32 s4, s17;
	[tilespmem:s10+$0x10] =	vst v2  }
0x16b: {  	v2 =	vld [tilespmem:s21+$0x400];
	_ =	sdelay $0x3  }
0x16c: {  	s22 =	sor.u32 $0x30, s2  }
0x16d: {  	s4 =	sor.u32 s4, s22;
	[tilespmem:s10+$0x20] =	vst v2  }
0x16e: {  	v2 =	vld [tilespmem:s4+$0x400];
	_ =	sdelay $0x4  }
0x16f: {  	[tilespmem:s10+$0x30] =	vst v2  }
0x170: {  	v2 =	vld [tilespmem:s26+$0x3400];
	_ =	sdelay $0x4  }
0x171: {  	[tilespmem:s10+$0x40] =	vst v2  }
0x172: {  	v2 =	vld [tilespmem:s29+$0x3400];
	_ =	sdelay $0x4  }
0x173: {  	[tilespmem:s10+$0x50] =	vst v2  }
0x174: {  	v2 =	vld [tilespmem:s21+$0x3400];
	_ =	sdelay $0x4  }
0x175: {  	[tilespmem:s10+$0x60] =	vst v2  }
0x176: {  	v2 =	vld [tilespmem:s4+$0x3400]  }
0x177: {  	s0 =	sadd.s32 $0x4E00, s12  }
0x178: {  	[dreg:$0x9] =	wrdreg s0  }
0x179: {  	s7 =	sand.u32 $0x1C00, s8;
	s16 =	rddreg [dreg:$0x9]  }
0x17a: {  	s4 =	sadd.s32 s7, s16  }
0x17b: {  	s21 =	sadd.s32 s2, s4;
	[tilespmem:s10+$0x70] =	vst v2  }
0x17c: {  	v2 =	vld [tilespmem:s21+$0x0];
	_ =	sdelay $0x4  }
0x17d: {  	s24 =	sadd.s32 s13, s4;
	[tilespmem:s10+$0x400] =	vst v2  }
0x17e: {  	v2 =	vld [tilespmem:s24+$0x0];
	_ =	sdelay $0x4  }
0x17f: {  	s25 =	sadd.s32 s17, s4;
	[tilespmem:s10+$0x410] =	vst v2  }
0x180: {  	v2 =	vld [tilespmem:s25+$0x0];
	_ =	sdelay $0x4  }
0x181: {  	s4 =	sadd.s32 s22, s4;
	[tilespmem:s10+$0x420] =	vst v2  }
0x182: {  	v2 =	vld [tilespmem:s4+$0x0]  }
0x183: {  	s26 =	sadd.s32 $0x6600, s12  }
0x184: {  	[dreg:$0xa] =	wrdreg s26  }
0x185: {  	s29 =	rddreg [dreg:$0xa]  }
0x186: {  	s4 =	sadd.s32 s7, s29  }
0x187: {  	s0 =	sadd.s32 s2, s4;
	[tilespmem:s10+$0x430] =	vst v2  }
0x188: {  	v2 =	vld [tilespmem:s0+$0x0];
	_ =	sdelay $0x4  }
0x189: {  	s21 =	sadd.s32 s13, s4;
	[tilespmem:s10+$0x440] =	vst v2  }
0x18a: {  	v2 =	vld [tilespmem:s21+$0x0];
	_ =	sdelay $0x4  }
0x18b: {  	s24 =	sadd.s32 s17, s4;
	[tilespmem:s10+$0x450] =	vst v2  }
0x18c: {  	v2 =	vld [tilespmem:s24+$0x0];
	_ =	sdelay $0x4  }
0x18d: {  	s4 =	sadd.s32 s22, s4;
	[tilespmem:s10+$0x460] =	vst v2  }
0x18e: {  	v2 =	vld [tilespmem:s4+$0x0]  }
0x18f: {  	s12 =	sadd.s32 $0x7E00, s12  }
0x190: {  	[dreg:$0xb] =	wrdreg s12  }
0x191: {  	s25 =	rddreg [dreg:$0xb]  }
0x192: {  	s4 =	sadd.s32 s7, s25  }
0x193: {  	s2 =	sadd.s32 s2, s4;
	[tilespmem:s10+$0x470] =	vst v2  }
0x194: {  	v2 =	vld [tilespmem:s2+$0x0];
	_ =	sdelay $0x4  }
0x195: {  	s26 =	sadd.s32 s13, s4;
	[tilespmem:s10+$0x800] =	vst v2  }
0x196: {  	v2 =	vld [tilespmem:s26+$0x0];
	_ =	sdelay $0x4  }
0x197: {  	s29 =	sadd.s32 s17, s4;
	[tilespmem:s10+$0x810] =	vst v2  }
0x198: {  	v2 =	vld [tilespmem:s29+$0x0];
	_ =	sdelay $0x3  }
0x199: {  	s12 =	simm.s32 $0x1  }
0x19a: {  	s16 =	simm.s32 $0x2;
	s21 =	simm.s32 $0x0;
	s4 =	sadd.s32 s22, s4;
	[tilespmem:s10+$0x820] =	vst v2  }
0x19b: {  	s17 =	simm.s32 $0x0;
	s13 =	simm.s32 $0x0;
	s2 =	rddreg [dreg:$0x7];
	v2 =	vld [tilespmem:s4+$0x0]  }
.LBB2_8:
0x19c: {  	_ =	sdelay $0x1  }
0x19d: {  	s17 =	sadd.s32 $0x200, s17;
	s21 =	sadd.s32 $0x40, s21  }
0x19e: {  	s22 =	sand.u32 $0x40, s21;
	s2 =	sor.u32 s2, s17  }
0x19f: {  	s7 =	sshrl.u32 s12, $0x3;
	s4 =	sor.u32 s22, s2;
	[tilespmem:s10+$0x830] =	vst v2  }
0x1a0: {  	s7 =	smul.u32 $0x3000, s7;
	v2 =	vld [tilespmem:s4+$0x400];
	_ =	sdelay $0x1  }
0x1a1: {  	s29 =	rddreg [dreg:$0x8];
	s13 =	sadd.s32 $0x80, s13;
	s7 =	sshra.s32 s7, $0x2  }
0x1a2: {  	s24 =	sand.u32 $0x380, s13;
	s7 =	sadd.s32 s7, s29  }
0x1a3: {  	s10 =	sadd.s32 s24, s7;
	s24 =	sor.u32 $0x10, s22  }
0x1a4: {  	s0 =	sor.u32 s2, s24;
	[tilespmem:s10+$0x0] =	vst v2  }
0x1a5: {  	v2 =	vld [tilespmem:s0+$0x400];
	_ =	sdelay $0x3  }
0x1a6: {  	s25 =	sor.u32 $0x20, s22  }
0x1a7: {  	s29 =	sor.u32 s2, s25;
	[tilespmem:s10+$0x10] =	vst v2  }
0x1a8: {  	v2 =	vld [tilespmem:s29+$0x400];
	_ =	sdelay $0x3  }
0x1a9: {  	s26 =	sor.u32 $0x30, s22  }
0x1aa: {  	s2 =	sor.u32 s2, s26;
	[tilespmem:s10+$0x20] =	vst v2  }
0x1ab: {  	v2 =	vld [tilespmem:s2+$0x400];
	_ =	sdelay $0x4  }
0x1ac: {  	[tilespmem:s10+$0x30] =	vst v2  }
0x1ad: {  	v2 =	vld [tilespmem:s4+$0x3400];
	_ =	sdelay $0x4  }
0x1ae: {  	[tilespmem:s10+$0x40] =	vst v2  }
0x1af: {  	v2 =	vld [tilespmem:s0+$0x3400];
	_ =	sdelay $0x4  }
0x1b0: {  	[tilespmem:s10+$0x50] =	vst v2  }
0x1b1: {  	v2 =	vld [tilespmem:s29+$0x3400];
	_ =	sdelay $0x4  }
0x1b2: {  	[tilespmem:s10+$0x60] =	vst v2  }
0x1b3: {  	v2 =	vld [tilespmem:s2+$0x3400];
	_ =	sdelay $0x2  }
0x1b4: {  	s29 =	rddreg [dreg:$0x9];
	s2 =	sand.u32 $0x1C00, s17  }
0x1b5: {  	s4 =	sadd.s32 s2, s29  }
0x1b6: {  	s0 =	sadd.s32 s22, s4;
	[tilespmem:s10+$0x70] =	vst v2  }
0x1b7: {  	v2 =	vld [tilespmem:s0+$0x0];
	_ =	sdelay $0x4  }
0x1b8: {  	s29 =	sadd.s32 s24, s4;
	[tilespmem:s10+$0x400] =	vst v2  }
0x1b9: {  	v2 =	vld [tilespmem:s29+$0x0];
	_ =	sdelay $0x4  }
0x1ba: {  	s0 =	sadd.s32 s25, s4;
	[tilespmem:s10+$0x410] =	vst v2  }
0x1bb: {  	v2 =	vld [tilespmem:s0+$0x0];
	_ =	sdelay $0x4  }
0x1bc: {  	s4 =	sadd.s32 s26, s4;
	[tilespmem:s10+$0x420] =	vst v2  }
0x1bd: {  	v2 =	vld [tilespmem:s4+$0x0];
	_ =	sdelay $0x2  }
0x1be: {  	s29 =	rddreg [dreg:$0xa]  }
0x1bf: {  	s4 =	sadd.s32 s2, s29  }
0x1c0: {  	s0 =	sadd.s32 s22, s4;
	[tilespmem:s10+$0x430] =	vst v2  }
0x1c1: {  	v2 =	vld [tilespmem:s0+$0x0];
	_ =	sdelay $0x4  }
0x1c2: {  	s29 =	sadd.s32 s24, s4;
	[tilespmem:s10+$0x440] =	vst v2  }
0x1c3: {  	v2 =	vld [tilespmem:s29+$0x0];
	_ =	sdelay $0x4  }
0x1c4: {  	s0 =	sadd.s32 s25, s4;
	[tilespmem:s10+$0x450] =	vst v2  }
0x1c5: {  	v2 =	vld [tilespmem:s0+$0x0];
	_ =	sdelay $0x4  }
0x1c6: {  	s4 =	sadd.s32 s26, s4;
	[tilespmem:s10+$0x460] =	vst v2  }
0x1c7: {  	v2 =	vld [tilespmem:s4+$0x0];
	_ =	sdelay $0x2  }
0x1c8: {  	s7 =	rddreg [dreg:$0xb]  }
0x1c9: {  	s2 =	sadd.s32 s2, s7  }
0x1ca: {  	s4 =	sadd.s32 s22, s2;
	[tilespmem:s10+$0x470] =	vst v2  }
0x1cb: {  	v2 =	vld [tilespmem:s4+$0x0];
	_ =	sdelay $0x4  }
0x1cc: {  	s24 =	sadd.s32 s24, s2;
	[tilespmem:s10+$0x800] =	vst v2  }
0x1cd: {  	v2 =	vld [tilespmem:s24+$0x0];
	_ =	sdelay $0x4  }
0x1ce: {  	s29 =	sadd.s32 s25, s2;
	[tilespmem:s10+$0x810] =	vst v2  }
0x1cf: {  	v2 =	vld [tilespmem:s29+$0x0]  }
0x1d0: {  	p0 =	sne.s32 s16, $0xB  }
.Ltmp2:
0x1d1: {  	_ = 	snop;
	(pc) =	sbr.rel @p0 .LBB2_8-.Ltmp2, $3  }
0x1d2: {  	_ =	sdelay $0x1  }
0x1d3: {  	s2 =	sadd.s32 s26, s2;
	[tilespmem:s10+$0x820] =	vst v2  }
0x1d4: {  	s12 =	smov.u32 s16;
	s16 =	sadd.s32 $0x1, s16;
	v2 =	vld [tilespmem:s2+$0x0];
	s2 =	rddreg [dreg:$0x7]  }
0x1d5: {  	_ =	sdelay $0x1  }
0x1d6: {  	s4 =	sadd.s32 $0x200, s17;
	s7 =	sadd.s32 $0x40, s21  }
0x1d7: {  	s16 =	sand.u32 $0x40, s7;
	s25 =	sor.u32 s2, s4  }
0x1d8: {  	s29 =	sshrl.u32 s12, $0x3;
	s26 =	sor.u32 s16, s25;
	[tilespmem:s10+$0x830] =	vst v2  }
0x1d9: {  	s2 =	smul.u32 $0x3000, s29;
	v2 =	vld [tilespmem:s26+$0x400];
	_ =	sdelay $0x1  }
0x1da: {  	s0 =	rddreg [dreg:$0x8];
	s13 =	sadd.s32 $0x80, s13;
	s2 =	sshra.s32 s2, $0x2  }
0x1db: {  	s12 =	sand.u32 $0x380, s13;
	s2 =	sadd.s32 s2, s0  }
0x1dc: {  	s10 =	sor.u32 $0x10, s16;
	s2 =	sadd.s32 s12, s2  }
0x1dd: {  	s21 =	sor.u32 s25, s10;
	[tilespmem:s2+$0x0] =	vst v2  }
0x1de: {  	v2 =	vld [tilespmem:s21+$0x400];
	_ =	sdelay $0x3  }
0x1df: {  	s13 =	sor.u32 $0x20, s16  }
0x1e0: {  	s24 =	sor.u32 s25, s13;
	[tilespmem:s2+$0x10] =	vst v2  }
0x1e1: {  	v2 =	vld [tilespmem:s24+$0x400];
	_ =	sdelay $0x3  }
0x1e2: {  	s22 =	sor.u32 $0x30, s16  }
0x1e3: {  	s7 =	sor.u32 s25, s22;
	[tilespmem:s2+$0x20] =	vst v2  }
0x1e4: {  	v2 =	vld [tilespmem:s7+$0x400];
	_ =	sdelay $0x4  }
0x1e5: {  	[tilespmem:s2+$0x30] =	vst v2  }
0x1e6: {  	v2 =	vld [tilespmem:s26+$0x3400];
	_ =	sdelay $0x4  }
0x1e7: {  	[tilespmem:s2+$0x40] =	vst v2  }
0x1e8: {  	v2 =	vld [tilespmem:s21+$0x3400];
	_ =	sdelay $0x4  }
0x1e9: {  	[tilespmem:s2+$0x50] =	vst v2  }
0x1ea: {  	v2 =	vld [tilespmem:s24+$0x3400];
	_ =	sdelay $0x4  }
0x1eb: {  	[tilespmem:s2+$0x60] =	vst v2  }
0x1ec: {  	v2 =	vld [tilespmem:s7+$0x3400];
	_ =	sdelay $0x2  }
0x1ed: {  	s4 =	sand.u32 $0x1C00, s4;
	s25 =	rddreg [dreg:$0x9]  }
0x1ee: {  	s7 =	sadd.s32 s4, s25  }
0x1ef: {  	s26 =	sadd.s32 s16, s7;
	[tilespmem:s2+$0x70] =	vst v2  }
0x1f0: {  	v2 =	vld [tilespmem:s26+$0x0];
	_ =	sdelay $0x4  }
0x1f1: {  	s29 =	sadd.s32 s10, s7;
	[tilespmem:s2+$0x400] =	vst v2  }
0x1f2: {  	v2 =	vld [tilespmem:s29+$0x0];
	_ =	sdelay $0x4  }
0x1f3: {  	s0 =	sadd.s32 s13, s7;
	[tilespmem:s2+$0x410] =	vst v2  }
0x1f4: {  	v2 =	vld [tilespmem:s0+$0x0];
	_ =	sdelay $0x4  }
0x1f5: {  	s7 =	sadd.s32 s22, s7;
	[tilespmem:s2+$0x420] =	vst v2  }
0x1f6: {  	v2 =	vld [tilespmem:s7+$0x0];
	_ =	sdelay $0x2  }
0x1f7: {  	s12 =	rddreg [dreg:$0xa]  }
0x1f8: {  	s7 =	sadd.s32 s4, s12  }
0x1f9: {  	s17 =	sadd.s32 s16, s7;
	[tilespmem:s2+$0x430] =	vst v2  }
0x1fa: {  	v2 =	vld [tilespmem:s17+$0x0];
	_ =	sdelay $0x4  }
0x1fb: {  	s21 =	sadd.s32 s10, s7;
	[tilespmem:s2+$0x440] =	vst v2  }
0x1fc: {  	v2 =	vld [tilespmem:s21+$0x0];
	_ =	sdelay $0x4  }
0x1fd: {  	s24 =	sadd.s32 s13, s7;
	[tilespmem:s2+$0x450] =	vst v2  }
0x1fe: {  	v2 =	vld [tilespmem:s24+$0x0];
	_ =	sdelay $0x4  }
0x1ff: {  	s7 =	sadd.s32 s22, s7;
	[tilespmem:s2+$0x460] =	vst v2  }
0x200: {  	v2 =	vld [tilespmem:s7+$0x0];
	_ =	sdelay $0x2  }
0x201: {  	s25 =	rddreg [dreg:$0xb]  }
0x202: {  	s4 =	sadd.s32 s4, s25  }
0x203: {  	s7 =	sadd.s32 s16, s4;
	[tilespmem:s2+$0x470] =	vst v2  }
0x204: {  	v2 =	vld [tilespmem:s7+$0x0];
	_ =	sdelay $0x4  }
0x205: {  	s26 =	sadd.s32 s10, s4;
	[tilespmem:s2+$0x800] =	vst v2  }
0x206: {  	v2 =	vld [tilespmem:s26+$0x0];
	_ =	sdelay $0x4  }
0x207: {  	s29 =	sadd.s32 s13, s4;
	[tilespmem:s2+$0x810] =	vst v2  }
0x208: {  	v2 =	vld [tilespmem:s29+$0x0];
	_ =	sdelay $0x4  }
0x209: {  	s9 =	sadd.s32 $0x1, s9;
	s4 =	sadd.s32 s22, s4;
	[tilespmem:s2+$0x820] =	vst v2  }
0x20a: {  	p0 =	sne.s32 s9, $0x4;
	v2 =	vld [tilespmem:s4+$0x0]  }
.Ltmp3:
0x20b: {  	_ = 	snop;
	(pc) =	sbr.rel @p0 .LBB2_7-.Ltmp3, $2  }
0x20c: {  	_ =	sdelay $0x2  }
0x20d: {  	[tilespmem:s2+$0x830] =	vst v2  }
0x20e: {  	p0 =	seq.s32 s18, $0xF  }
.Ltmp4:
0x20f: {  	_ = 	snop;
	(pc) =	sbr.rel @p0 .LBB2_12-.Ltmp4, $4  }
0x210: {  	s2 =	sadd.s32 s20, s15  }
0x211: {  	s2 =	sshrl.u32 s2, $0x3  }
0x212: {  	s26 =	simm.s32 $0x15400;
	s2 =	sadd.s32 s6, s2  }
0x213: {  	[hbm4b:s2+s3] =	stream.linear.scatter [tilespmem:s26], [sflag:$0x3], $0x6000, $0x38;
	[tilespmem:$0x1B400] =	vst v63  }
0x214: {  	s2 =	sadd.s32 $0x10, s5;
	s4 =	rddreg [dreg:$0x18]  }
0x215: {  	s2 =	sadd.s32 s4, s2  }
0x216: {  	s2 =	sshrl.u32 s2, $0x3  }
0x217: {  	s2 =	smul.u32 $0x300, s2  }
0x218: {  	s8 =	rddreg [dreg:$0x0]  }
0x219: {  	s0 =	simm.s32 $0x400;
	s2 =	sadd.s32 s8, s2  }
0x21a: {  	[tilespmem:s0], [sflag:$0x1] =	stream.linear.gather [hbm4b:s2+s3], $0x1800, $0x38;
	[tilespmem:$0x1B400] =	vst v63  }
0x21b: {  	v2 =	vld.msk [tilespmem:s5+$0x10], $0xff;
	_ =	sdelay $0x4  }
0x21c: {  	v3 =	vshrl.u32 v2, $0x3  }
0x21d: {  	v3 =	vmul.u32 $0x30, v3  }
0x21e: {  	v2 =	vand.u32 $0x7, v2  }
0x21f: {  	v2 =	vor.u32 v2, v3  }
0x220: {  	v2 =	vperm.xlane v2, v0;
	_ =	sdelay $0x1  }
0x221: {  	v2 =	vadd.s32 v1, v2;
	_ =	sdelay $0x3  }
0x222: {  	s9 =	simm.s32 $0x3400  }
0x223: {  	[tilespmem:s9], [sflag:$0x1] =	stream.indirect_vreg.gather [hbm4b:s14+s3], $0x80, v2, vm0, $0xb8;
	[tilespmem:$0x1B400] =	vst v63  }
0x224: {  	s10 =	simm.s32 $0x3C00  }
0x225: {  	[tilespmem:s10], [sflag:$0x1] =	stream.indirect_vreg.gather [hbm4b:s23+s3], $0x80, v2, vm0, $0xb8;
	[tilespmem:$0x1B400] =	vst v63  }
0x226: {  	s12 =	simm.s32 $0x4400  }
0x227: {  	[tilespmem:s12], [sflag:$0x1] =	stream.indirect_vreg.gather [hbm4b:s1+s3], $0x80, v2, vm0, $0xb8;
	[tilespmem:$0x1B400] =	vst v63  }
0x228: {  	v2 =	vld.msk [tilespmem:s5+$0x110], $0xff;
	_ =	sdelay $0x4  }
0x229: {  	v3 =	vshrl.u32 v2, $0x3  }
0x22a: {  	v3 =	vmul.u32 $0x30, v3  }
0x22b: {  	v2 =	vand.u32 $0x7, v2  }
0x22c: {  	v2 =	vor.u32 v2, v3  }
0x22d: {  	v2 =	vperm.xlane v2, v0;
	_ =	sdelay $0x1  }
0x22e: {  	v2 =	vadd.s32 v1, v2;
	_ =	sdelay $0x3  }
0x22f: {  	s13 =	simm.s32 $0x4C00  }
0x230: {  	[tilespmem:s13], [sflag:$0x1] =	stream.indirect_vreg.gather [hbm4b:s14+s3], $0x80, v2, vm0, $0xb8;
	[tilespmem:$0x1B400] =	vst v63  }
0x231: {  	s16 =	simm.s32 $0x5400  }
0x232: {  	[tilespmem:s16], [sflag:$0x1] =	stream.indirect_vreg.gather [hbm4b:s23+s3], $0x80, v2, vm0, $0xb8;
	[tilespmem:$0x1B400] =	vst v63  }
0x233: {  	s17 =	simm.s32 $0x5C00  }
0x234: {  	[tilespmem:s17], [sflag:$0x1] =	stream.indirect_vreg.gather [hbm4b:s1+s3], $0x80, v2, vm0, $0xb8;
	[tilespmem:$0x1B400] =	vst v63  }
0x235: {  	v2 =	vld.msk [tilespmem:s5+$0x210], $0xff;
	_ =	sdelay $0x4  }
0x236: {  	v3 =	vshrl.u32 v2, $0x3  }
0x237: {  	v3 =	vmul.u32 $0x30, v3  }
0x238: {  	v2 =	vand.u32 $0x7, v2  }
0x239: {  	v2 =	vor.u32 v2, v3  }
0x23a: {  	v2 =	vperm.xlane v2, v0;
	_ =	sdelay $0x1  }
0x23b: {  	v2 =	vadd.s32 v1, v2;
	_ =	sdelay $0x3  }
0x23c: {  	s20 =	simm.s32 $0x6400  }
0x23d: {  	[tilespmem:s20], [sflag:$0x1] =	stream.indirect_vreg.gather [hbm4b:s14+s3], $0x80, v2, vm0, $0xb8;
	[tilespmem:$0x1B400] =	vst v63  }
0x23e: {  	s21 =	simm.s32 $0x6C00  }
0x23f: {  	[tilespmem:s21], [sflag:$0x1] =	stream.indirect_vreg.gather [hbm4b:s23+s3], $0x80, v2, vm0, $0xb8;
	[tilespmem:$0x1B400] =	vst v63  }
0x240: {  	s22 =	simm.s32 $0x7400  }
0x241: {  	[tilespmem:s22], [sflag:$0x1] =	stream.indirect_vreg.gather [hbm4b:s1+s3], $0x80, v2, vm0, $0xb8;
	[tilespmem:$0x1B400] =	vst v63  }
0x242: {  	v2 =	vld.msk [tilespmem:s5+$0x310], $0xff;
	_ =	sdelay $0x4  }
0x243: {  	v3 =	vshrl.u32 v2, $0x3  }
0x244: {  	v3 =	vmul.u32 $0x30, v3  }
0x245: {  	v2 =	vand.u32 $0x7, v2  }
0x246: {  	v2 =	vor.u32 v2, v3  }
0x247: {  	v2 =	vperm.xlane v2, v0;
	_ =	sdelay $0x1  }
0x248: {  	v2 =	vadd.s32 v1, v2;
	_ =	sdelay $0x3  }
0x249: {  	s24 =	simm.s32 $0x7C00  }
0x24a: {  	[tilespmem:s24], [sflag:$0x1] =	stream.indirect_vreg.gather [hbm4b:s14+s3], $0x80, v2, vm0, $0xb8;
	[tilespmem:$0x1B400] =	vst v63  }
0x24b: {  	s25 =	simm.s32 $0x8400  }
0x24c: {  	[tilespmem:s25], [sflag:$0x1] =	stream.indirect_vreg.gather [hbm4b:s23+s3], $0x80, v2, vm0, $0xb8;
	[tilespmem:$0x1B400] =	vst v63  }
0x24d: {  	s29 =	simm.s32 $0x8C00  }
0x24e: {  	[tilespmem:s29], [sflag:$0x1] =	stream.indirect_vreg.gather [hbm4b:s1+s3], $0x80, v2, vm0, $0xb8;
	[tilespmem:$0x1B400] =	vst v63  }
.LBB2_12:
0x24f: {  	_ =	swait.ge [sflag:s31], $0x1800  }
0x250: {  	[sflag:s31] =	ssyncset.done $0x0  }
0x251: {  	[sflag:s31] =	ssyncadd.s32 $0xFFFFE800  }
0x252: {  	_ =	swait.ge [sflag:s31], $0x1800  }
0x253: {  	[sflag:s31] =	ssyncset.done $0x0  }
0x254: {  	[sflag:s31] =	ssyncadd.s32 $0xFFFFE800  }
0x255: {  	_ =	swait.ge [sflag:s31], $0x1800  }
0x256: {  	[sflag:s31] =	ssyncset.done $0x0  }
0x257: {  	[sflag:s31] =	ssyncadd.s32 $0xFFFFE800  }
0x258: {  	_ =	swait.ge [sflag:s31], $0x1800  }
0x259: {  	[sflag:s31] =	ssyncset.done $0x0  }
0x25a: {  	[sflag:s31] =	ssyncadd.s32 $0xFFFFE800  }
0x25b: {  	_ =	swait.ge [sflag:s31], $0x1800  }
0x25c: {  	[sflag:s31] =	ssyncset.done $0x0  }
0x25d: {  	s29 =	simm.s32 $0x3;
	[sflag:s31] =	ssyncadd.s32 $0xFFFFE800  }
0x25e: {  	_ =	swait.ge [sflag:s29], $0x6000  }
0x25f: {  	[sflag:s29] =	ssyncset.done $0x0  }
0x260: {  	s5 =	simm.s32 $0x0;
	s20 =	simm.s32 $0x0;
	[sflag:s29] =	ssyncadd.s32 $0xFFFFA000  }
.LBB2_13:
0x261: {  	s2 =	sshll.u32 s20, $0x7  }
0x262: {  	s4 =	sadd.s32 $0x1C00, s2  }
0x263: {  	[dreg:$0xc] =	wrdreg s4  }
0x264: {  	s16 =	smul.u32 $0x6000, s20;
	s9 =	sand.u32 $0x1C00, s5;
	s7 =	rddreg [dreg:$0xc]  }
0x265: {  	s10 =	sand.u32 $0x40, s5;
	s7 =	sadd.s32 s9, s7  }
0x266: {  	s8 =	simm.s32 $0x0;
	s4 =	sshra.s32 s16, $0x2;
	s17 =	sadd.s32 s10, s7  }
0x267: {  	s21 =	smul.u32 $0x3000, s8;
	s4 =	sadd.s32 $0xF400, s4;
	v2 =	vld [tilespmem:s17+$0x0]  }
0x268: {  	[dreg:$0xd] =	wrdreg s4  }
0x269: {  	s4 =	sshra.s32 s21, $0x2;
	s22 =	rddreg [dreg:$0xd]  }
0x26a: {  	s12 =	sand.u32 $0x380, s5;
	s4 =	sadd.s32 s4, s22  }
0x26b: {  	s8 =	sadd.s32 s12, s4;
	s12 =	sor.u32 $0x10, s10  }
0x26c: {  	s24 =	sadd.s32 s12, s7;
	[tilespmem:s8+$0x0] =	vst v2  }
0x26d: {  	v2 =	vld [tilespmem:s24+$0x0];
	_ =	sdelay $0x3  }
0x26e: {  	s13 =	sor.u32 $0x20, s10  }
0x26f: {  	s25 =	sadd.s32 s13, s7;
	[tilespmem:s8+$0x10] =	vst v2  }
0x270: {  	v2 =	vld [tilespmem:s25+$0x0];
	_ =	sdelay $0x3  }
0x271: {  	s16 =	sor.u32 $0x30, s10  }
0x272: {  	s7 =	sadd.s32 s16, s7;
	[tilespmem:s8+$0x20] =	vst v2  }
0x273: {  	v2 =	vld [tilespmem:s7+$0x0]  }
0x274: {  	s0 =	sadd.s32 $0x9400, s2  }
0x275: {  	[dreg:$0xe] =	wrdreg s0  }
0x276: {  	s4 =	rddreg [dreg:$0xe]  }
0x277: {  	s4 =	sadd.s32 s9, s4  }
0x278: {  	s17 =	sadd.s32 s10, s4;
	[tilespmem:s8+$0x30] =	vst v2  }
0x279: {  	v2 =	vld [tilespmem:s17+$0x0];
	_ =	sdelay $0x4  }
0x27a: {  	s21 =	sadd.s32 s12, s4;
	[tilespmem:s8+$0x40] =	vst v2  }
0x27b: {  	v2 =	vld [tilespmem:s21+$0x0];
	_ =	sdelay $0x4  }
0x27c: {  	s22 =	sadd.s32 s13, s4;
	[tilespmem:s8+$0x50] =	vst v2  }
0x27d: {  	v2 =	vld [tilespmem:s22+$0x0];
	_ =	sdelay $0x4  }
0x27e: {  	s4 =	sadd.s32 s16, s4;
	[tilespmem:s8+$0x60] =	vst v2  }
0x27f: {  	v2 =	vld [tilespmem:s4+$0x0]  }
0x280: {  	s24 =	sadd.s32 $0xAC00, s2  }
0x281: {  	[dreg:$0xf] =	wrdreg s24  }
0x282: {  	s25 =	rddreg [dreg:$0xf]  }
0x283: {  	s4 =	sadd.s32 s9, s25  }
0x284: {  	s0 =	sadd.s32 s10, s4;
	[tilespmem:s8+$0x70] =	vst v2  }
0x285: {  	v2 =	vld [tilespmem:s0+$0x0];
	_ =	sdelay $0x4  }
0x286: {  	s17 =	sadd.s32 s12, s4;
	[tilespmem:s8+$0x400] =	vst v2  }
0x287: {  	v2 =	vld [tilespmem:s17+$0x0];
	_ =	sdelay $0x4  }
0x288: {  	s21 =	sadd.s32 s13, s4;
	[tilespmem:s8+$0x410] =	vst v2  }
0x289: {  	v2 =	vld [tilespmem:s21+$0x0];
	_ =	sdelay $0x4  }
0x28a: {  	s4 =	sadd.s32 s16, s4;
	[tilespmem:s8+$0x420] =	vst v2  }
0x28b: {  	v2 =	vld [tilespmem:s4+$0x0]  }
0x28c: {  	s22 =	sadd.s32 $0xC400, s2  }
0x28d: {  	[dreg:$0x10] =	wrdreg s22  }
0x28e: {  	s24 =	rddreg [dreg:$0x10]  }
0x28f: {  	s4 =	sadd.s32 s9, s24  }
0x290: {  	s25 =	sadd.s32 s10, s4;
	[tilespmem:s8+$0x430] =	vst v2  }
0x291: {  	v2 =	vld [tilespmem:s25+$0x0];
	_ =	sdelay $0x4  }
0x292: {  	s0 =	sadd.s32 s12, s4;
	[tilespmem:s8+$0x440] =	vst v2  }
0x293: {  	v2 =	vld [tilespmem:s0+$0x0];
	_ =	sdelay $0x4  }
0x294: {  	s17 =	sadd.s32 s13, s4;
	[tilespmem:s8+$0x450] =	vst v2  }
0x295: {  	v2 =	vld [tilespmem:s17+$0x0];
	_ =	sdelay $0x4  }
0x296: {  	s4 =	sadd.s32 s16, s4;
	[tilespmem:s8+$0x460] =	vst v2  }
0x297: {  	v2 =	vld [tilespmem:s4+$0x0]  }
0x298: {  	s2 =	sadd.s32 $0xDC00, s2  }
0x299: {  	[dreg:$0x11] =	wrdreg s2  }
0x29a: {  	s2 =	rddreg [dreg:$0x11]  }
0x29b: {  	s2 =	sadd.s32 s9, s2  }
0x29c: {  	s21 =	sadd.s32 s10, s2;
	[tilespmem:s8+$0x470] =	vst v2  }
0x29d: {  	v2 =	vld [tilespmem:s21+$0x0];
	_ =	sdelay $0x4  }
0x29e: {  	s22 =	sadd.s32 s12, s2;
	[tilespmem:s8+$0x800] =	vst v2  }
0x29f: {  	v2 =	vld [tilespmem:s22+$0x0];
	_ =	sdelay $0x4  }
0x2a0: {  	s24 =	sadd.s32 s13, s2;
	[tilespmem:s8+$0x810] =	vst v2  }
0x2a1: {  	v2 =	vld [tilespmem:s24+$0x0];
	_ =	sdelay $0x3  }
0x2a2: {  	s9 =	simm.s32 $0x1  }
0x2a3: {  	s13 =	simm.s32 $0x2;
	s12 =	simm.s32 $0x0;
	s25 =	sadd.s32 s16, s2;
	[tilespmem:s8+$0x820] =	vst v2  }
0x2a4: {  	s10 =	simm.s32 $0x0;
	s2 =	rddreg [dreg:$0xc];
	s16 =	simm.s32 $0x0;
	v2 =	vld [tilespmem:s25+$0x0]  }
.LBB2_14:
0x2a5: {  	_ = 	snop  }
0x2a6: {  	s16 =	sadd.s32 $0x200, s16  }
0x2a7: {  	s12 =	sadd.s32 $0x40, s12;
	s21 =	sand.u32 $0x1C00, s16  }
0x2a8: {  	s17 =	sand.u32 $0x40, s12;
	s2 =	sadd.s32 s21, s2  }
0x2a9: {  	s7 =	sshrl.u32 s9, $0x3;
	s4 =	sadd.s32 s17, s2;
	[tilespmem:s8+$0x830] =	vst v2  }
0x2aa: {  	s8 =	smul.u32 $0x3000, s7;
	v2 =	vld [tilespmem:s4+$0x0];
	_ =	sdelay $0x1  }
0x2ab: {  	s22 =	rddreg [dreg:$0xd];
	s10 =	sadd.s32 $0x80, s10;
	s4 =	sshra.s32 s8, $0x2  }
0x2ac: {  	s24 =	sand.u32 $0x380, s10;
	s4 =	sadd.s32 s4, s22  }
0x2ad: {  	s22 =	sor.u32 $0x10, s17;
	s8 =	sadd.s32 s24, s4  }
0x2ae: {  	s25 =	sadd.s32 s22, s2;
	[tilespmem:s8+$0x0] =	vst v2  }
0x2af: {  	v2 =	vld [tilespmem:s25+$0x0];
	_ =	sdelay $0x3  }
0x2b0: {  	s24 =	sor.u32 $0x20, s17  }
0x2b1: {  	s0 =	sadd.s32 s24, s2;
	[tilespmem:s8+$0x10] =	vst v2  }
0x2b2: {  	v2 =	vld [tilespmem:s0+$0x0];
	_ =	sdelay $0x3  }
0x2b3: {  	s25 =	sor.u32 $0x30, s17  }
0x2b4: {  	s2 =	sadd.s32 s25, s2;
	[tilespmem:s8+$0x20] =	vst v2  }
0x2b5: {  	v2 =	vld [tilespmem:s2+$0x0];
	_ =	sdelay $0x2  }
0x2b6: {  	s7 =	rddreg [dreg:$0xe]  }
0x2b7: {  	s2 =	sadd.s32 s21, s7  }
0x2b8: {  	s0 =	sadd.s32 s17, s2;
	[tilespmem:s8+$0x30] =	vst v2  }
0x2b9: {  	v2 =	vld [tilespmem:s0+$0x0];
	_ =	sdelay $0x4  }
0x2ba: {  	s7 =	sadd.s32 s22, s2;
	[tilespmem:s8+$0x40] =	vst v2  }
0x2bb: {  	v2 =	vld [tilespmem:s7+$0x0];
	_ =	sdelay $0x4  }
0x2bc: {  	s0 =	sadd.s32 s24, s2;
	[tilespmem:s8+$0x50] =	vst v2  }
0x2bd: {  	v2 =	vld [tilespmem:s0+$0x0];
	_ =	sdelay $0x4  }
0x2be: {  	s2 =	sadd.s32 s25, s2;
	[tilespmem:s8+$0x60] =	vst v2  }
0x2bf: {  	v2 =	vld [tilespmem:s2+$0x0];
	_ =	sdelay $0x2  }
0x2c0: {  	s7 =	rddreg [dreg:$0xf]  }
0x2c1: {  	s2 =	sadd.s32 s21, s7  }
0x2c2: {  	s0 =	sadd.s32 s17, s2;
	[tilespmem:s8+$0x70] =	vst v2  }
0x2c3: {  	v2 =	vld [tilespmem:s0+$0x0];
	_ =	sdelay $0x4  }
0x2c4: {  	s7 =	sadd.s32 s22, s2;
	[tilespmem:s8+$0x400] =	vst v2  }
0x2c5: {  	v2 =	vld [tilespmem:s7+$0x0];
	_ =	sdelay $0x4  }
0x2c6: {  	s0 =	sadd.s32 s24, s2;
	[tilespmem:s8+$0x410] =	vst v2  }
0x2c7: {  	v2 =	vld [tilespmem:s0+$0x0];
	_ =	sdelay $0x4  }
0x2c8: {  	s2 =	sadd.s32 s25, s2;
	[tilespmem:s8+$0x420] =	vst v2  }
0x2c9: {  	v2 =	vld [tilespmem:s2+$0x0];
	_ =	sdelay $0x2  }
0x2ca: {  	s7 =	rddreg [dreg:$0x10]  }
0x2cb: {  	s2 =	sadd.s32 s21, s7  }
0x2cc: {  	s0 =	sadd.s32 s17, s2;
	[tilespmem:s8+$0x430] =	vst v2  }
0x2cd: {  	v2 =	vld [tilespmem:s0+$0x0];
	_ =	sdelay $0x4  }
0x2ce: {  	s7 =	sadd.s32 s22, s2;
	[tilespmem:s8+$0x440] =	vst v2  }
0x2cf: {  	v2 =	vld [tilespmem:s7+$0x0];
	_ =	sdelay $0x4  }
0x2d0: {  	s0 =	sadd.s32 s24, s2;
	[tilespmem:s8+$0x450] =	vst v2  }
0x2d1: {  	v2 =	vld [tilespmem:s0+$0x0];
	_ =	sdelay $0x4  }
0x2d2: {  	s2 =	sadd.s32 s25, s2;
	[tilespmem:s8+$0x460] =	vst v2  }
0x2d3: {  	v2 =	vld [tilespmem:s2+$0x0];
	_ =	sdelay $0x2  }
0x2d4: {  	s7 =	rddreg [dreg:$0x11]  }
0x2d5: {  	s2 =	sadd.s32 s21, s7  }
0x2d6: {  	s21 =	sadd.s32 s17, s2;
	[tilespmem:s8+$0x470] =	vst v2  }
0x2d7: {  	v2 =	vld [tilespmem:s21+$0x0];
	_ =	sdelay $0x4  }
0x2d8: {  	s22 =	sadd.s32 s22, s2;
	[tilespmem:s8+$0x800] =	vst v2  }
0x2d9: {  	v2 =	vld [tilespmem:s22+$0x0];
	_ =	sdelay $0x4  }
0x2da: {  	s24 =	sadd.s32 s24, s2;
	[tilespmem:s8+$0x810] =	vst v2  }
0x2db: {  	v2 =	vld [tilespmem:s24+$0x0]  }
0x2dc: {  	p0 =	sne.s32 s13, $0xB  }
.Ltmp5:
0x2dd: {  	_ = 	snop;
	(pc) =	sbr.rel @p0 .LBB2_14-.Ltmp5, $3  }
0x2de: {  	_ =	sdelay $0x1  }
0x2df: {  	s2 =	sadd.s32 s25, s2;
	[tilespmem:s8+$0x820] =	vst v2  }
0x2e0: {  	s9 =	smov.u32 s13;
	s13 =	sadd.s32 $0x1, s13;
	v2 =	vld [tilespmem:s2+$0x0];
	s2 =	rddreg [dreg:$0xc]  }
0x2e1: {  	_ = 	snop  }
0x2e2: {  	s4 =	sadd.s32 $0x200, s16  }
0x2e3: {  	s16 =	sadd.s32 $0x40, s12;
	s13 =	sand.u32 $0x1C00, s4  }
0x2e4: {  	s12 =	sand.u32 $0x40, s16;
	s17 =	sadd.s32 s13, s2  }
0x2e5: {  	s7 =	sshrl.u32 s9, $0x3;
	s2 =	sadd.s32 s12, s17;
	[tilespmem:s8+$0x830] =	vst v2  }
0x2e6: {  	s21 =	smul.u32 $0x3000, s7;
	v2 =	vld [tilespmem:s2+$0x0];
	_ =	sdelay $0x1  }
0x2e7: {  	s22 =	rddreg [dreg:$0xd];
	s24 =	sadd.s32 $0x80, s10;
	s2 =	sshra.s32 s21, $0x2  }
0x2e8: {  	s8 =	sand.u32 $0x380, s24;
	s2 =	sadd.s32 s2, s22  }
0x2e9: {  	s7 =	sor.u32 $0x10, s12;
	s2 =	sadd.s32 s8, s2  }
0x2ea: {  	s25 =	sadd.s32 s7, s17;
	[tilespmem:s2+$0x0] =	vst v2  }
0x2eb: {  	v2 =	vld [tilespmem:s25+$0x0];
	_ =	sdelay $0x3  }
0x2ec: {  	s8 =	sor.u32 $0x20, s12  }
0x2ed: {  	s0 =	sadd.s32 s8, s17;
	[tilespmem:s2+$0x10] =	vst v2  }
0x2ee: {  	v2 =	vld [tilespmem:s0+$0x0];
	_ =	sdelay $0x3  }
0x2ef: {  	s9 =	sor.u32 $0x30, s12  }
0x2f0: {  	s4 =	sadd.s32 s9, s17;
	[tilespmem:s2+$0x20] =	vst v2  }
0x2f1: {  	v2 =	vld [tilespmem:s4+$0x0];
	_ =	sdelay $0x2  }
0x2f2: {  	s10 =	rddreg [dreg:$0xe]  }
0x2f3: {  	s4 =	sadd.s32 s13, s10  }
0x2f4: {  	s16 =	sadd.s32 s12, s4;
	[tilespmem:s2+$0x30] =	vst v2  }
0x2f5: {  	v2 =	vld [tilespmem:s16+$0x0];
	_ =	sdelay $0x4  }
0x2f6: {  	s17 =	sadd.s32 s7, s4;
	[tilespmem:s2+$0x40] =	vst v2  }
0x2f7: {  	v2 =	vld [tilespmem:s17+$0x0];
	_ =	sdelay $0x4  }
0x2f8: {  	s21 =	sadd.s32 s8, s4;
	[tilespmem:s2+$0x50] =	vst v2  }
0x2f9: {  	v2 =	vld [tilespmem:s21+$0x0];
	_ =	sdelay $0x4  }
0x2fa: {  	s4 =	sadd.s32 s9, s4;
	[tilespmem:s2+$0x60] =	vst v2  }
0x2fb: {  	v2 =	vld [tilespmem:s4+$0x0];
	_ =	sdelay $0x2  }
0x2fc: {  	s22 =	rddreg [dreg:$0xf]  }
0x2fd: {  	s4 =	sadd.s32 s13, s22  }
0x2fe: {  	s24 =	sadd.s32 s12, s4;
	[tilespmem:s2+$0x70] =	vst v2  }
0x2ff: {  	v2 =	vld [tilespmem:s24+$0x0];
	_ =	sdelay $0x4  }
0x300: {  	s25 =	sadd.s32 s7, s4;
	[tilespmem:s2+$0x400] =	vst v2  }
0x301: {  	v2 =	vld [tilespmem:s25+$0x0];
	_ =	sdelay $0x4  }
0x302: {  	s0 =	sadd.s32 s8, s4;
	[tilespmem:s2+$0x410] =	vst v2  }
0x303: {  	v2 =	vld [tilespmem:s0+$0x0];
	_ =	sdelay $0x4  }
0x304: {  	s4 =	sadd.s32 s9, s4;
	[tilespmem:s2+$0x420] =	vst v2  }
0x305: {  	v2 =	vld [tilespmem:s4+$0x0];
	_ =	sdelay $0x2  }
0x306: {  	s10 =	rddreg [dreg:$0x10]  }
0x307: {  	s4 =	sadd.s32 s13, s10  }
0x308: {  	s16 =	sadd.s32 s12, s4;
	[tilespmem:s2+$0x430] =	vst v2  }
0x309: {  	v2 =	vld [tilespmem:s16+$0x0];
	_ =	sdelay $0x4  }
0x30a: {  	s17 =	sadd.s32 s7, s4;
	[tilespmem:s2+$0x440] =	vst v2  }
0x30b: {  	v2 =	vld [tilespmem:s17+$0x0];
	_ =	sdelay $0x4  }
0x30c: {  	s21 =	sadd.s32 s8, s4;
	[tilespmem:s2+$0x450] =	vst v2  }
0x30d: {  	v2 =	vld [tilespmem:s21+$0x0];
	_ =	sdelay $0x4  }
0x30e: {  	s4 =	sadd.s32 s9, s4;
	[tilespmem:s2+$0x460] =	vst v2  }
0x30f: {  	v2 =	vld [tilespmem:s4+$0x0];
	_ =	sdelay $0x2  }
0x310: {  	s22 =	rddreg [dreg:$0x11]  }
0x311: {  	s4 =	sadd.s32 s13, s22  }
0x312: {  	s24 =	sadd.s32 s12, s4;
	[tilespmem:s2+$0x470] =	vst v2  }
0x313: {  	v2 =	vld [tilespmem:s24+$0x0];
	_ =	sdelay $0x4  }
0x314: {  	s7 =	sadd.s32 s7, s4;
	[tilespmem:s2+$0x800] =	vst v2  }
0x315: {  	v2 =	vld [tilespmem:s7+$0x0];
	_ =	sdelay $0x4  }
0x316: {  	s25 =	sadd.s32 s8, s4;
	[tilespmem:s2+$0x810] =	vst v2  }
0x317: {  	v2 =	vld [tilespmem:s25+$0x0];
	_ =	sdelay $0x4  }
0x318: {  	s20 =	sadd.s32 $0x1, s20;
	s4 =	sadd.s32 s9, s4;
	[tilespmem:s2+$0x820] =	vst v2  }
0x319: {  	p0 =	sne.s32 s20, $0x4;
	v2 =	vld [tilespmem:s4+$0x0]  }
.Ltmp6:
0x31a: {  	_ = 	snop;
	(pc) =	sbr.rel @p0 .LBB2_13-.Ltmp6, $2  }
0x31b: {  	_ =	sdelay $0x2  }
0x31c: {  	[tilespmem:s2+$0x830] =	vst v2  }
0x31d: {  	s2 =	sor.u32 s30, s19  }
0x31e: {  	s5 =	smul.u32 $0x1800, s2;
	_ =	sdelay $0x1  }
0x31f: {  	s2 =	sadd.s32 s11, s5  }
0x320: {  	s2 =	sshrl.u32 s2, $0x3  }
0x321: {  	s19 =	simm.s32 $0x0;
	s0 =	simm.s32 $0xF400;
	s2 =	sadd.s32 s6, s2  }
0x322: {  	[hbm4b:s2+s19] =	stream.linear.scatter [tilespmem:s0], [sflag:$0x3], $0x6000, $0x38;
	[tilespmem:$0x1B400] =	vst v63  }
0x323: {  	_ =	swait.ge [sflag:s29], $0x6000  }
0x324: {  	[sflag:s29] =	ssyncset.done $0x0  }
0x325: {  	s20 =	simm.s32 $0x0;
	[sflag:s29] =	ssyncadd.s32 $0xFFFFA000  }
.LBB2_17:
0x326: {  	s2 =	sshll.u32 s20, $0x7  }
0x327: {  	s4 =	sadd.s32 $0x1E00, s2  }
0x328: {  	[dreg:$0x12] =	wrdreg s4  }
0x329: {  	s16 =	smul.u32 $0x6000, s20;
	s9 =	sand.u32 $0x1C00, s19;
	s7 =	rddreg [dreg:$0x12]  }
0x32a: {  	s10 =	sand.u32 $0x40, s19;
	s7 =	sadd.s32 s9, s7  }
0x32b: {  	s8 =	simm.s32 $0x0;
	s4 =	sshra.s32 s16, $0x2;
	s17 =	sadd.s32 s10, s7  }
0x32c: {  	s21 =	smul.u32 $0x3000, s8;
	s4 =	sadd.s32 $0x15400, s4;
	v2 =	vld [tilespmem:s17+$0x0]  }
0x32d: {  	[dreg:$0x13] =	wrdreg s4  }
0x32e: {  	s4 =	sshra.s32 s21, $0x2;
	s22 =	rddreg [dreg:$0x13]  }
0x32f: {  	s12 =	sand.u32 $0x380, s19;
	s4 =	sadd.s32 s4, s22  }
0x330: {  	s8 =	sadd.s32 s12, s4;
	s12 =	sor.u32 $0x10, s10  }
0x331: {  	s24 =	sadd.s32 s12, s7;
	[tilespmem:s8+$0x0] =	vst v2  }
0x332: {  	v2 =	vld [tilespmem:s24+$0x0];
	_ =	sdelay $0x3  }
0x333: {  	s13 =	sor.u32 $0x20, s10  }
0x334: {  	s25 =	sadd.s32 s13, s7;
	[tilespmem:s8+$0x10] =	vst v2  }
0x335: {  	v2 =	vld [tilespmem:s25+$0x0];
	_ =	sdelay $0x3  }
0x336: {  	s16 =	sor.u32 $0x30, s10  }
0x337: {  	s7 =	sadd.s32 s16, s7;
	[tilespmem:s8+$0x20] =	vst v2  }
0x338: {  	v2 =	vld [tilespmem:s7+$0x0]  }
0x339: {  	s0 =	sadd.s32 $0x9600, s2  }
0x33a: {  	[dreg:$0x14] =	wrdreg s0  }
0x33b: {  	s4 =	rddreg [dreg:$0x14]  }
0x33c: {  	s4 =	sadd.s32 s9, s4  }
0x33d: {  	s17 =	sadd.s32 s10, s4;
	[tilespmem:s8+$0x30] =	vst v2  }
0x33e: {  	v2 =	vld [tilespmem:s17+$0x0];
	_ =	sdelay $0x4  }
0x33f: {  	s21 =	sadd.s32 s12, s4;
	[tilespmem:s8+$0x40] =	vst v2  }
0x340: {  	v2 =	vld [tilespmem:s21+$0x0];
	_ =	sdelay $0x4  }
0x341: {  	s22 =	sadd.s32 s13, s4;
	[tilespmem:s8+$0x50] =	vst v2  }
0x342: {  	v2 =	vld [tilespmem:s22+$0x0];
	_ =	sdelay $0x4  }
0x343: {  	s4 =	sadd.s32 s16, s4;
	[tilespmem:s8+$0x60] =	vst v2  }
0x344: {  	v2 =	vld [tilespmem:s4+$0x0]  }
0x345: {  	s24 =	sadd.s32 $0xAE00, s2  }
0x346: {  	[dreg:$0x15] =	wrdreg s24  }
0x347: {  	s25 =	rddreg [dreg:$0x15]  }
0x348: {  	s4 =	sadd.s32 s9, s25  }
0x349: {  	s0 =	sadd.s32 s10, s4;
	[tilespmem:s8+$0x70] =	vst v2  }
0x34a: {  	v2 =	vld [tilespmem:s0+$0x0];
	_ =	sdelay $0x4  }
0x34b: {  	s17 =	sadd.s32 s12, s4;
	[tilespmem:s8+$0x400] =	vst v2  }
0x34c: {  	v2 =	vld [tilespmem:s17+$0x0];
	_ =	sdelay $0x4  }
0x34d: {  	s21 =	sadd.s32 s13, s4;
	[tilespmem:s8+$0x410] =	vst v2  }
0x34e: {  	v2 =	vld [tilespmem:s21+$0x0];
	_ =	sdelay $0x4  }
0x34f: {  	s4 =	sadd.s32 s16, s4;
	[tilespmem:s8+$0x420] =	vst v2  }
0x350: {  	v2 =	vld [tilespmem:s4+$0x0]  }
0x351: {  	s22 =	sadd.s32 $0xC600, s2  }
0x352: {  	[dreg:$0x16] =	wrdreg s22  }
0x353: {  	s24 =	rddreg [dreg:$0x16]  }
0x354: {  	s4 =	sadd.s32 s9, s24  }
0x355: {  	s25 =	sadd.s32 s10, s4;
	[tilespmem:s8+$0x430] =	vst v2  }
0x356: {  	v2 =	vld [tilespmem:s25+$0x0];
	_ =	sdelay $0x4  }
0x357: {  	s0 =	sadd.s32 s12, s4;
	[tilespmem:s8+$0x440] =	vst v2  }
0x358: {  	v2 =	vld [tilespmem:s0+$0x0];
	_ =	sdelay $0x4  }
0x359: {  	s17 =	sadd.s32 s13, s4;
	[tilespmem:s8+$0x450] =	vst v2  }
0x35a: {  	v2 =	vld [tilespmem:s17+$0x0];
	_ =	sdelay $0x4  }
0x35b: {  	s4 =	sadd.s32 s16, s4;
	[tilespmem:s8+$0x460] =	vst v2  }
0x35c: {  	v2 =	vld [tilespmem:s4+$0x0]  }
0x35d: {  	s2 =	sadd.s32 $0xDE00, s2  }
0x35e: {  	[dreg:$0x17] =	wrdreg s2  }
0x35f: {  	s2 =	rddreg [dreg:$0x17]  }
0x360: {  	s2 =	sadd.s32 s9, s2  }
0x361: {  	s21 =	sadd.s32 s10, s2;
	[tilespmem:s8+$0x470] =	vst v2  }
0x362: {  	v2 =	vld [tilespmem:s21+$0x0];
	_ =	sdelay $0x4  }
0x363: {  	s22 =	sadd.s32 s12, s2;
	[tilespmem:s8+$0x800] =	vst v2  }
0x364: {  	v2 =	vld [tilespmem:s22+$0x0];
	_ =	sdelay $0x4  }
0x365: {  	s24 =	sadd.s32 s13, s2;
	[tilespmem:s8+$0x810] =	vst v2  }
0x366: {  	v2 =	vld [tilespmem:s24+$0x0];
	_ =	sdelay $0x3  }
0x367: {  	s9 =	simm.s32 $0x1  }
0x368: {  	s13 =	simm.s32 $0x2;
	s12 =	simm.s32 $0x0;
	s25 =	sadd.s32 s16, s2;
	[tilespmem:s8+$0x820] =	vst v2  }
0x369: {  	s10 =	simm.s32 $0x0;
	s2 =	rddreg [dreg:$0x12];
	s16 =	simm.s32 $0x0;
	v2 =	vld [tilespmem:s25+$0x0]  }
.LBB2_18:
0x36a: {  	_ = 	snop  }
0x36b: {  	s16 =	sadd.s32 $0x200, s16  }
0x36c: {  	s12 =	sadd.s32 $0x40, s12;
	s21 =	sand.u32 $0x1C00, s16  }
0x36d: {  	s17 =	sand.u32 $0x40, s12;
	s2 =	sadd.s32 s21, s2  }
0x36e: {  	s7 =	sshrl.u32 s9, $0x3;
	s4 =	sadd.s32 s17, s2;
	[tilespmem:s8+$0x830] =	vst v2  }
0x36f: {  	s8 =	smul.u32 $0x3000, s7;
	v2 =	vld [tilespmem:s4+$0x0];
	_ =	sdelay $0x1  }
0x370: {  	s22 =	rddreg [dreg:$0x13];
	s10 =	sadd.s32 $0x80, s10;
	s4 =	sshra.s32 s8, $0x2  }
0x371: {  	s24 =	sand.u32 $0x380, s10;
	s4 =	sadd.s32 s4, s22  }
0x372: {  	s22 =	sor.u32 $0x10, s17;
	s8 =	sadd.s32 s24, s4  }
0x373: {  	s25 =	sadd.s32 s22, s2;
	[tilespmem:s8+$0x0] =	vst v2  }
0x374: {  	v2 =	vld [tilespmem:s25+$0x0];
	_ =	sdelay $0x3  }
0x375: {  	s24 =	sor.u32 $0x20, s17  }
0x376: {  	s0 =	sadd.s32 s24, s2;
	[tilespmem:s8+$0x10] =	vst v2  }
0x377: {  	v2 =	vld [tilespmem:s0+$0x0];
	_ =	sdelay $0x3  }
0x378: {  	s25 =	sor.u32 $0x30, s17  }
0x379: {  	s2 =	sadd.s32 s25, s2;
	[tilespmem:s8+$0x20] =	vst v2  }
0x37a: {  	v2 =	vld [tilespmem:s2+$0x0];
	_ =	sdelay $0x2  }
0x37b: {  	s7 =	rddreg [dreg:$0x14]  }
0x37c: {  	s2 =	sadd.s32 s21, s7  }
0x37d: {  	s0 =	sadd.s32 s17, s2;
	[tilespmem:s8+$0x30] =	vst v2  }
0x37e: {  	v2 =	vld [tilespmem:s0+$0x0];
	_ =	sdelay $0x4  }
0x37f: {  	s7 =	sadd.s32 s22, s2;
	[tilespmem:s8+$0x40] =	vst v2  }
0x380: {  	v2 =	vld [tilespmem:s7+$0x0];
	_ =	sdelay $0x4  }
0x381: {  	s0 =	sadd.s32 s24, s2;
	[tilespmem:s8+$0x50] =	vst v2  }
0x382: {  	v2 =	vld [tilespmem:s0+$0x0];
	_ =	sdelay $0x4  }
0x383: {  	s2 =	sadd.s32 s25, s2;
	[tilespmem:s8+$0x60] =	vst v2  }
0x384: {  	v2 =	vld [tilespmem:s2+$0x0];
	_ =	sdelay $0x2  }
0x385: {  	s7 =	rddreg [dreg:$0x15]  }
0x386: {  	s2 =	sadd.s32 s21, s7  }
0x387: {  	s0 =	sadd.s32 s17, s2;
	[tilespmem:s8+$0x70] =	vst v2  }
0x388: {  	v2 =	vld [tilespmem:s0+$0x0];
	_ =	sdelay $0x4  }
0x389: {  	s7 =	sadd.s32 s22, s2;
	[tilespmem:s8+$0x400] =	vst v2  }
0x38a: {  	v2 =	vld [tilespmem:s7+$0x0];
	_ =	sdelay $0x4  }
0x38b: {  	s0 =	sadd.s32 s24, s2;
	[tilespmem:s8+$0x410] =	vst v2  }
0x38c: {  	v2 =	vld [tilespmem:s0+$0x0];
	_ =	sdelay $0x4  }
0x38d: {  	s2 =	sadd.s32 s25, s2;
	[tilespmem:s8+$0x420] =	vst v2  }
0x38e: {  	v2 =	vld [tilespmem:s2+$0x0];
	_ =	sdelay $0x2  }
0x38f: {  	s7 =	rddreg [dreg:$0x16]  }
0x390: {  	s2 =	sadd.s32 s21, s7  }
0x391: {  	s0 =	sadd.s32 s17, s2;
	[tilespmem:s8+$0x430] =	vst v2  }
0x392: {  	v2 =	vld [tilespmem:s0+$0x0];
	_ =	sdelay $0x4  }
0x393: {  	s7 =	sadd.s32 s22, s2;
	[tilespmem:s8+$0x440] =	vst v2  }
0x394: {  	v2 =	vld [tilespmem:s7+$0x0];
	_ =	sdelay $0x4  }
0x395: {  	s0 =	sadd.s32 s24, s2;
	[tilespmem:s8+$0x450] =	vst v2  }
0x396: {  	v2 =	vld [tilespmem:s0+$0x0];
	_ =	sdelay $0x4  }
0x397: {  	s2 =	sadd.s32 s25, s2;
	[tilespmem:s8+$0x460] =	vst v2  }
0x398: {  	v2 =	vld [tilespmem:s2+$0x0];
	_ =	sdelay $0x2  }
0x399: {  	s7 =	rddreg [dreg:$0x17]  }
0x39a: {  	s2 =	sadd.s32 s21, s7  }
0x39b: {  	s21 =	sadd.s32 s17, s2;
	[tilespmem:s8+$0x470] =	vst v2  }
0x39c: {  	v2 =	vld [tilespmem:s21+$0x0];
	_ =	sdelay $0x4  }
0x39d: {  	s22 =	sadd.s32 s22, s2;
	[tilespmem:s8+$0x800] =	vst v2  }
0x39e: {  	v2 =	vld [tilespmem:s22+$0x0];
	_ =	sdelay $0x4  }
0x39f: {  	s24 =	sadd.s32 s24, s2;
	[tilespmem:s8+$0x810] =	vst v2  }
0x3a0: {  	v2 =	vld [tilespmem:s24+$0x0]  }
0x3a1: {  	p0 =	sne.s32 s13, $0xB  }
.Ltmp7:
0x3a2: {  	_ = 	snop;
	(pc) =	sbr.rel @p0 .LBB2_18-.Ltmp7, $3  }
0x3a3: {  	_ =	sdelay $0x1  }
0x3a4: {  	s2 =	sadd.s32 s25, s2;
	[tilespmem:s8+$0x820] =	vst v2  }
0x3a5: {  	s9 =	smov.u32 s13;
	s13 =	sadd.s32 $0x1, s13;
	v2 =	vld [tilespmem:s2+$0x0];
	s2 =	rddreg [dreg:$0x12]  }
0x3a6: {  	_ = 	snop  }
0x3a7: {  	s4 =	sadd.s32 $0x200, s16  }
0x3a8: {  	s16 =	sadd.s32 $0x40, s12;
	s13 =	sand.u32 $0x1C00, s4  }
0x3a9: {  	s12 =	sand.u32 $0x40, s16;
	s17 =	sadd.s32 s13, s2  }
0x3aa: {  	s7 =	sshrl.u32 s9, $0x3;
	s2 =	sadd.s32 s12, s17;
	[tilespmem:s8+$0x830] =	vst v2  }
0x3ab: {  	s21 =	smul.u32 $0x3000, s7;
	v2 =	vld [tilespmem:s2+$0x0];
	_ =	sdelay $0x1  }
0x3ac: {  	s22 =	rddreg [dreg:$0x13];
	s24 =	sadd.s32 $0x80, s10;
	s2 =	sshra.s32 s21, $0x2  }
0x3ad: {  	s8 =	sand.u32 $0x380, s24;
	s2 =	sadd.s32 s2, s22  }
0x3ae: {  	s7 =	sor.u32 $0x10, s12;
	s2 =	sadd.s32 s8, s2  }
0x3af: {  	s25 =	sadd.s32 s7, s17;
	[tilespmem:s2+$0x0] =	vst v2  }
0x3b0: {  	v2 =	vld [tilespmem:s25+$0x0];
	_ =	sdelay $0x3  }
0x3b1: {  	s8 =	sor.u32 $0x20, s12  }
0x3b2: {  	s0 =	sadd.s32 s8, s17;
	[tilespmem:s2+$0x10] =	vst v2  }
0x3b3: {  	v2 =	vld [tilespmem:s0+$0x0];
	_ =	sdelay $0x3  }
0x3b4: {  	s9 =	sor.u32 $0x30, s12  }
0x3b5: {  	s4 =	sadd.s32 s9, s17;
	[tilespmem:s2+$0x20] =	vst v2  }
0x3b6: {  	v2 =	vld [tilespmem:s4+$0x0];
	_ =	sdelay $0x2  }
0x3b7: {  	s10 =	rddreg [dreg:$0x14]  }
0x3b8: {  	s4 =	sadd.s32 s13, s10  }
0x3b9: {  	s16 =	sadd.s32 s12, s4;
	[tilespmem:s2+$0x30] =	vst v2  }
0x3ba: {  	v2 =	vld [tilespmem:s16+$0x0];
	_ =	sdelay $0x4  }
0x3bb: {  	s17 =	sadd.s32 s7, s4;
	[tilespmem:s2+$0x40] =	vst v2  }
0x3bc: {  	v2 =	vld [tilespmem:s17+$0x0];
	_ =	sdelay $0x4  }
0x3bd: {  	s21 =	sadd.s32 s8, s4;
	[tilespmem:s2+$0x50] =	vst v2  }
0x3be: {  	v2 =	vld [tilespmem:s21+$0x0];
	_ =	sdelay $0x4  }
0x3bf: {  	s4 =	sadd.s32 s9, s4;
	[tilespmem:s2+$0x60] =	vst v2  }
0x3c0: {  	v2 =	vld [tilespmem:s4+$0x0];
	_ =	sdelay $0x2  }
0x3c1: {  	s22 =	rddreg [dreg:$0x15]  }
0x3c2: {  	s4 =	sadd.s32 s13, s22  }
0x3c3: {  	s24 =	sadd.s32 s12, s4;
	[tilespmem:s2+$0x70] =	vst v2  }
0x3c4: {  	v2 =	vld [tilespmem:s24+$0x0];
	_ =	sdelay $0x4  }
0x3c5: {  	s25 =	sadd.s32 s7, s4;
	[tilespmem:s2+$0x400] =	vst v2  }
0x3c6: {  	v2 =	vld [tilespmem:s25+$0x0];
	_ =	sdelay $0x4  }
0x3c7: {  	s0 =	sadd.s32 s8, s4;
	[tilespmem:s2+$0x410] =	vst v2  }
0x3c8: {  	v2 =	vld [tilespmem:s0+$0x0];
	_ =	sdelay $0x4  }
0x3c9: {  	s4 =	sadd.s32 s9, s4;
	[tilespmem:s2+$0x420] =	vst v2  }
0x3ca: {  	v2 =	vld [tilespmem:s4+$0x0];
	_ =	sdelay $0x2  }
0x3cb: {  	s10 =	rddreg [dreg:$0x16]  }
0x3cc: {  	s4 =	sadd.s32 s13, s10  }
0x3cd: {  	s16 =	sadd.s32 s12, s4;
	[tilespmem:s2+$0x430] =	vst v2  }
0x3ce: {  	v2 =	vld [tilespmem:s16+$0x0];
	_ =	sdelay $0x4  }
0x3cf: {  	s17 =	sadd.s32 s7, s4;
	[tilespmem:s2+$0x440] =	vst v2  }
0x3d0: {  	v2 =	vld [tilespmem:s17+$0x0];
	_ =	sdelay $0x4  }
0x3d1: {  	s21 =	sadd.s32 s8, s4;
	[tilespmem:s2+$0x450] =	vst v2  }
0x3d2: {  	v2 =	vld [tilespmem:s21+$0x0];
	_ =	sdelay $0x4  }
0x3d3: {  	s4 =	sadd.s32 s9, s4;
	[tilespmem:s2+$0x460] =	vst v2  }
0x3d4: {  	v2 =	vld [tilespmem:s4+$0x0];
	_ =	sdelay $0x2  }
0x3d5: {  	s22 =	rddreg [dreg:$0x17]  }
0x3d6: {  	s4 =	sadd.s32 s13, s22  }
0x3d7: {  	s24 =	sadd.s32 s12, s4;
	[tilespmem:s2+$0x470] =	vst v2  }
0x3d8: {  	v2 =	vld [tilespmem:s24+$0x0];
	_ =	sdelay $0x4  }
0x3d9: {  	s7 =	sadd.s32 s7, s4;
	[tilespmem:s2+$0x800] =	vst v2  }
0x3da: {  	v2 =	vld [tilespmem:s7+$0x0];
	_ =	sdelay $0x4  }
0x3db: {  	s25 =	sadd.s32 s8, s4;
	[tilespmem:s2+$0x810] =	vst v2  }
0x3dc: {  	v2 =	vld [tilespmem:s25+$0x0];
	_ =	sdelay $0x4  }
0x3dd: {  	s20 =	sadd.s32 $0x1, s20;
	s4 =	sadd.s32 s9, s4;
	[tilespmem:s2+$0x820] =	vst v2  }
0x3de: {  	p0 =	sne.s32 s20, $0x4;
	v2 =	vld [tilespmem:s4+$0x0]  }
.Ltmp8:
0x3df: {  	_ = 	snop;
	(pc) =	sbr.rel @p0 .LBB2_17-.Ltmp8, $2  }
0x3e0: {  	_ =	sdelay $0x2  }
0x3e1: {  	[tilespmem:s2+$0x830] =	vst v2  }
0x3e2: {  	s18 =	sadd.s32 $0x1, s18  }
0x3e3: {  	p0 =	sne.s32 s18, $0x10  }
.Ltmp9:
0x3e4: {  	_ = 	snop;
	(pc) =	sbr.rel @p0 .LBB2_2-.Ltmp9, $4  }
0x3e5: {  	s2 =	sadd.s32 s5, s15  }
0x3e6: {  	s2 =	sshrl.u32 s2, $0x3  }
0x3e7: {  	s2 =	sadd.s32 s6, s2  }
0x3e8: {  	[hbm4b:s2+s3] =	stream.linear.scatter [tilespmem:s26], [sflag:$0x3], $0x6000, $0x38;
	[tilespmem:$0x1B400] =	vst v63  }
0x3e9: {  	_ =	swait.ge [sflag:s29], $0x6000  }
0x3ea: {  	[sflag:s29] =	ssyncset.done $0x0  }
0x3eb: {  	[sflag:s29] =	ssyncadd.s32 $0xFFFFA000  }
0x3ec: {  	_ =	swait.ge [sflag:s29], $0x6000  }
0x3ed: {  	s1 =	sld [smem:$0x7FD];
	_ =	sdelay $0x2  }
0x3ee: {  	s0 =	rddreg [dreg:$0x1f];
	s1 =	sadd.s32 $0x1, s1  }
0x3ef: {  	p0 =	sne.s32 s1, s0  }
.Ltmp10:
0x3f0: {  	_ = 	snop;
	(pc) =	sbr.rel @p0 .LBB2_1-.Ltmp10, $3  }
0x3f1: {  	_ =	sdelay $0x1  }
0x3f2: {  	[sflag:s29] =	ssyncset.done $0x0  }
0x3f3: {  	[sflag:s29] =	ssyncadd.s32 $0xFFFFA000  }
0x3f4: {  	_ =	sfence.sel $0x180000  }
0x3f5: {  	[bflag:$0x0] =	sbarrier.arrive $0xFFFF  }
0x3f6: {  	_ =	strace $0x90000047  }
0x3f7: {  	s0 =	stileid.u32;
	[bflag:$0x2] =	sbarrier.arrive $0xFFFF  }
0x3f8: {  	p0 =	sne.s32 s0, $0x0;
	s0 =	rddreg [dreg:$0x2]  }
0x3f9: {  	s0 =	sadd.s32 @!p0 $0x100000, s0  }
0x3fa: {  	[sflag:s0] =	ssyncadd.tile.s32 @!p0 $0x1;
	_ =	shalt  }
.Lfunc_end2:
_tile_overlayer_lowered:
.L_overlay_start_2:
0x3fb: {  	(tag) =	ssettag $0x2  }
0x3fc: {  	s0 =	rddreg [dreg:$0x0];
	s2 =	stileid.u32  }
0x3fd: {  	s1 =	rddreg [dreg:$0x1];
	p0 =	sne.s32 s2, $0x0  }
0x3fe: {  	s3 =	rddreg [dreg:$0x2];
	[bflag:$0x3] =	sbarrier.arrive $0xFFFF;
	s2 =	simm.s32 @!p0 $0x1C04  }
0x3ff: {  	[timem:s3], [sflag:s2] =	dma.local @!p0 [hbm:s0], s1  }
0x400: {  	s0 =	simm.s32 @!p0 $0x4  }
0x401: {  	_ =	swait.ge @!p0 [sflag:s0], s1  }
0x402: {  	s1 =	ssub.s32 @!p0 $0x0, s1;
	[sflag:s0] =	ssyncset.done @!p0 $0x0  }
0x403: {  	[sflag:s0] =	ssyncadd.s32 @!p0 s1  }
0x404: {  	[bflag:$0x3] =	sbarrier.arrive $0xFFFF  }
0x405: {  	_ =	shalt  }

</sc_bundles>
